<compile_context>
chip_gen: v7x
topology: tpu7x:2x2x1
jax: 0.10.2.dev20260603
libtpu: 0.0.44.dev20260713+nightly
codegen_flags: <defaults>
</compile_context>

<pallas_src>
import jax
import jax.numpy as jnp
from jax import lax
from jax.experimental import pallas as pl
from jax.experimental.pallas import tpu as pltpu
from jax.experimental.pallas import tpu_sc as plsc

B = 1024
M = 50
L = 20
H = 64
H2 = 2 * H
NW = 32
BPW = B // NW
IDS = M * L
PPB = 10
MP = M // PPB
CHUNK = IDS // PPB
HV = H // 16
MC = 4
NP = BPW * PPB
NB = 6


def _body(inp_ref, len_ref, u_ref, cc_ref, uk_ref, attn_ref,
          ids_all, bufs, mc_ref, svs_ref, u_all, len_all, uk_all, attn_all,
          attn_v, sem_0, sem_1, sem_2, sem_3, sem_4, sem_5):
    sems = (sem_0, sem_1, sem_2, sem_3, sem_4, sem_5)
    cid = lax.axis_index("c")
    sid = lax.axis_index("s")
    wid = cid * 16 + sid
    base_b = wid * BPW
    lane = lax.iota(jnp.int32, 16)

    def _xl(v, idx):
        return v.at[idx].get(mode="promise_in_bounds")

    def _hsum(v):
        for sh in (8, 4, 2, 1):
            v = v + _xl(v, lane ^ sh)
        return v

    def _hmax(v):
        for sh in (8, 4, 2, 1):
            v = jnp.maximum(v, _xl(v, lane ^ sh))
        return v

    zero16 = jnp.zeros((16,), jnp.int32)
    zf16 = jnp.zeros((16,), jnp.float32)

    pltpu.sync_copy(inp_ref.at[pl.ds(base_b * PPB, NP)], ids_all)
    pltpu.sync_copy(u_ref.at[pl.ds(base_b, BPW)], u_all)
    pltpu.sync_copy(len_ref.at[pl.ds(base_b, BPW)], len_all)

    for q in range(NB):
        pltpu.async_copy(cc_ref.at[ids_all.at[q]], bufs.at[q], sems[q])

    def phase_body(p, _):
        i = p // PPB
        s = p - i * PPB
        par = p - (p // NB) * NB

        for q in range(NB):
            @pl.when(par == q)
            def _(q=q):
                pltpu.make_async_copy(cc_ref.at[ids_all.at[p]], bufs.at[q],
                                      sems[q]).wait()

        @pl.when(s == 0)
        def _():
            for c in range(MC):
                svs_ref[pl.ds(16 * c, 16)] = zf16

        uvs = [u_all[i, pl.ds(16 * h, 16)] for h in range(HV)]

        def mem_body(mm, _):
            m = s * MP + mm
            base = mm * L
            accs = [bufs[par, base, pl.ds(16 * h, 16)] for h in range(2 * HV)]
            for l in range(1, L):
                accs = [accs[h] + bufs[par, base + l, pl.ds(16 * h, 16)]
                        for h in range(2 * HV)]
            pv = accs[0] * uvs[0]
            for h in range(1, HV):
                pv = pv + accs[h] * uvs[h]
            sv = _hsum(pv)
            for c in range(MC):
                svs_ref[pl.ds(16 * c, 16)] = jnp.where(
                    lane == (m - 16 * c), sv, svs_ref[pl.ds(16 * c, 16)])
            for h in range(HV):
                mc_ref[m, pl.ds(16 * h, 16)] = accs[HV + h]
            return 0

        lax.fori_loop(0, MP, mem_body, 0, unroll=False)

        for q in range(NB):
            @pl.when(jnp.logical_and(par == q, p + NB < NP))
            def _(q=q):
                pltpu.async_copy(cc_ref.at[ids_all.at[p + NB]], bufs.at[q],
                                 sems[q])

        @pl.when(s == PPB - 1)
        def _():
            masked = []
            for c in range(MC):
                lc = len_all[i, pl.ds(16 * c, 16)]
                sc = jnp.where(lc == 0, jnp.float32(-1e9),
                               svs_ref[pl.ds(16 * c, 16)])
                if (c + 1) * 16 > M:
                    sc = jnp.where(lane >= (M - 16 * c), jnp.float32(-1e30),
                                   sc)
                masked.append(sc)
            mx = _hmax(jnp.maximum(jnp.maximum(masked[0], masked[1]),
                                   jnp.maximum(masked[2], masked[3])))
            es = [jnp.exp(sv - mx) for sv in masked]
            tot = _hsum(es[0] + es[1] + es[2] + es[3])
            inv = jnp.float32(1.0) / tot
            for c4 in range(MC):
                a = es[c4] * inv
                attn_v[pl.ds(16 * c4, 16)] = a
                attn_all[i, pl.ds(16 * c4, 16)] = a

            def wsum(m, os):
                w = _xl(attn_v[pl.ds(m, 16)], zero16)
                return tuple(os[h] + w * mc_ref[m, pl.ds(16 * h, 16)]
                             for h in range(HV))
            os = lax.fori_loop(
                0, M, wsum,
                tuple(zf16 for _ in range(HV)), unroll=False)
            for h in range(HV):
                uk_all[i, pl.ds(16 * h, 16)] = uvs[h] + os[h]

        return 0

    lax.fori_loop(0, NP, phase_body, 0, unroll=False)

    pltpu.sync_copy(uk_all, uk_ref.at[pl.ds(base_b, BPW)])
    pltpu.sync_copy(attn_all, attn_ref.at[pl.ds(base_b, BPW)])


@jax.jit
def _run(inputs2d, lengths_pad, enc_hidden, C0, C1):
    cc = jnp.concatenate([C0, C1], axis=1)
    mesh = plsc.VectorSubcoreMesh(core_axis_name="c", subcore_axis_name="s")
    f = pl.kernel(
        _body,
        out_type=(
            jax.ShapeDtypeStruct((B, H), jnp.float32),
            jax.ShapeDtypeStruct((B, H), jnp.float32),
        ),
        mesh=mesh,
        compiler_params=pltpu.CompilerParams(use_tc_tiling_on_sc=False),
        scratch_types=[
            pltpu.VMEM((NP, CHUNK), jnp.int32),
            pltpu.VMEM((NB, CHUNK, H2), jnp.float32),
            pltpu.VMEM((M, H), jnp.float32),
            pltpu.VMEM((H,), jnp.float32),
            pltpu.VMEM((BPW, H), jnp.float32),
            pltpu.VMEM((BPW, H), jnp.int32),
            pltpu.VMEM((BPW, H), jnp.float32),
            pltpu.VMEM((BPW, H), jnp.float32),
            pltpu.VMEM((H + 16,), jnp.float32),
            pltpu.SemaphoreType.DMA,
            pltpu.SemaphoreType.DMA,
            pltpu.SemaphoreType.DMA,
            pltpu.SemaphoreType.DMA,
            pltpu.SemaphoreType.DMA,
            pltpu.SemaphoreType.DMA,
        ],
    )
    return f(inputs2d, lengths_pad, enc_hidden, cc)


def kernel(inputs, lengths, enc_hidden, C0, C1):
    inputs2d = inputs.astype(jnp.int32).reshape(B * PPB, CHUNK)
    lengths_pad = jnp.pad(lengths.astype(jnp.int32), ((0, 0), (0, H - M)),
                          constant_values=1)
    uk, attn_pad = _run(inputs2d, lengths_pad, enc_hidden, C0, C1)
    return (uk, attn_pad[:, None, :M])

# --- scband reference (transcript-rebuilt; emitter-appended) ---
"""Pipeline reference for scband-encoder-mem-nn-90091234001534 (READ-ONLY COPY).

The authoritative reference and input builder live on the scoring server;
editing this copy changes nothing except your own understanding.
"""

import jax, jax.numpy as jnp
import numpy as np

VOCAB = 1000000
H = 64
B = 1024
M = 50
L = 20


def setup_inputs(seed: int = 0) -> dict:
    key = jax.random.key(seed)
    k1, k2, k3, k4, k5 = jax.random.split(key, 5)
    inputs = jax.random.randint(k1, (B, M, L), 0, VOCAB)
    lengths = jax.random.randint(k2, (B, M), 0, L)
    enc_hidden = jax.random.normal(k3, (B, H), dtype=jnp.float32)
    # Embedding tables C_0, C_1 (hop=1 => max_hops+1 = 2 tables), init N(0, 0.1)
    C0 = jax.random.normal(k4, (VOCAB, H), dtype=jnp.float32) * 0.1
    C1 = jax.random.normal(k5, (VOCAB, H), dtype=jnp.float32) * 0.1
    # padding_idx=0: row 0 is zero
    C0 = C0.at[0].set(0.0)
    C1 = C1.at[0].set(0.0)
    return {"inputs": inputs, "lengths": lengths, "enc_hidden": enc_hidden, "C0": C0, "C1": C1}


def reference(inputs, lengths, enc_hidden, C0, C1):
    # inputs: int[B, M, L]; lengths: int[B, M]; enc_hidden: float[B, H]
    # padding mask zeroes embeddings of padding_idx=0 (matches nn.Embedding padding_idx behavior)
    pad_mask = (inputs != 0)[..., None].astype(jnp.float32)
    u = enc_hidden
    # hop 0 (max_hops = 1)
    embed_A = jnp.take(C0, inputs, axis=0) * pad_mask  # [B, M, L, H]
    m_A = jnp.sum(embed_A, axis=2)  # [B, M, H]
    # dot attention: query [B,1,H] x memory [B,M,H] -> scores [B,1,M]
    scores = jnp.einsum('bh,bmh->bm', u, m_A)
    mem_mask = (lengths == 0)  # mask = lengths.eq(0)
    scores = jnp.where(mem_mask, -1e9, scores)
    attn = jax.nn.softmax(scores, axis=-1)[:, None, :]  # [B, 1, M]
    embed_C = jnp.take(C1, inputs, axis=0) * pad_mask  # [B, M, L, H]
    m_C = jnp.sum(embed_C, axis=2)  # [B, M, H]
    o_k = jnp.matmul(attn, m_C)[:, 0, :]  # bmm + squeeze(1) -> [B, H]
    u_k = u + o_k
    return (u_k, attn)

if __name__ == "__main__":
    import jax
    _d = setup_inputs()
    print(jax.jit(kernel)(*tuple(_d.values())))

</pallas_src>

<mosaic_0001>
#map = affine_map<(d0, d1) -> (0, 0)>
module attributes {stable_mosaic.version = 14 : i64} {
  func.func @_body(%arg0: i32, %arg1: i32, %arg2: memref<10240x100xi32, #tpu.memory_space<hbm>>, %arg3: memref<1024x64xi32, #tpu.memory_space<hbm>>, %arg4: memref<1024x64xf32, #tpu.memory_space<hbm>>, %arg5: memref<1000000x128xf32, #tpu.memory_space<hbm>>, %arg6: memref<1024x64xf32, #tpu.memory_space<hbm>>, %arg7: memref<1024x64xf32, #tpu.memory_space<hbm>>, %arg8: memref<320x100xi32, #tpu.memory_space<vmem>>, %arg9: memref<6x100x128xf32, #tpu.memory_space<vmem>>, %arg10: memref<50x64xf32, #tpu.memory_space<vmem>>, %arg11: memref<64xf32, #tpu.memory_space<vmem>>, %arg12: memref<32x64xf32, #tpu.memory_space<vmem>>, %arg13: memref<32x64xi32, #tpu.memory_space<vmem>>, %arg14: memref<32x64xf32, #tpu.memory_space<vmem>>, %arg15: memref<32x64xf32, #tpu.memory_space<vmem>>, %arg16: memref<80xf32, #tpu.memory_space<vmem>>, %arg17: memref<!tpu.dma_semaphore, #tpu.memory_space<semaphore_mem>>, %arg18: memref<!tpu.dma_semaphore, #tpu.memory_space<semaphore_mem>>, %arg19: memref<!tpu.dma_semaphore, #tpu.memory_space<semaphore_mem>>, %arg20: memref<!tpu.dma_semaphore, #tpu.memory_space<semaphore_mem>>, %arg21: memref<!tpu.dma_semaphore, #tpu.memory_space<semaphore_mem>>, %arg22: memref<!tpu.dma_semaphore, #tpu.memory_space<semaphore_mem>>) attributes {dimension_semantics = [#tpu.dimension_semantics<core_parallel>, #tpu.dimension_semantics<subcore_parallel>], iteration_bounds = array<i64: 2, 16>, scalar_prefetch = 0 : i64, scratch_operands = 15 : i64, tpu.core_type = #tpu.core_type<sc_vector_subcore>, window_params = [{transform_indices = #map}, {transform_indices = #map}, {transform_indices = #map}, {transform_indices = #map}, {transform_indices = #map}, {transform_indices = #map}]} {
    %mul3A = arith.constant 16 : i32
    %mul3A_0 = arith.muli %arg0, %mul3A : i32
    %add3A = arith.addi %mul3A_0, %arg1 : i32
    %mul3A_1 = arith.constant 32 : i32
    %mul3A_2 = arith.muli %add3A, %mul3A_1 : i32
    %iota3A = tpu.iota {dimensions = array<i32: 0>} : vector<16xi32>
    %broadcast_in_dim3A = arith.constant 0 : i32
    %broadcast_in_dim3A_3 = vector.broadcast %broadcast_in_dim3A : i32 to vector<16xi32>
    %broadcast_in_dim3A_4 = arith.constant 0.000000e+00 : f32
    %broadcast_in_dim3A_5 = vector.broadcast %broadcast_in_dim3A_4 : f32 to vector<16xf32>
    %mul3A_6 = arith.constant 10 : i32
    %mul3A_7 = arith.muli %mul3A_2, %mul3A_6 : i32
    "tpu.region"() ({
      %run_scoped3A = tpu.sem_alloc : memref<!tpu.dma_semaphore, #tpu.memory_space<semaphore_mem>>
      %dma_start3A_85 = arith.constant 0 : i32
      %dma_start3A_86 = tpu.memref_slice %arg2[%mul3A_7, %dma_start3A_85] : memref<10240x100xi32, #tpu.memory_space<hbm>> -> memref<320x100xi32, #tpu.memory_space<hbm>>
      %dma_start3A_87 = arith.constant 0 : i32
      %dma_start3A_88 = tpu.memref_slice %arg2[%mul3A_7, %dma_start3A_87] : memref<10240x100xi32, #tpu.memory_space<hbm>> -> memref<320x100xi32, #tpu.memory_space<hbm>>
      tpu.enqueue_dma source(%dma_start3A_88 : memref<320x100xi32, #tpu.memory_space<hbm>>) target(%arg8 : memref<320x100xi32, #tpu.memory_space<vmem>>) target_semaphore(%run_scoped3A : memref<!tpu.dma_semaphore, #tpu.memory_space<semaphore_mem>>)
      %dma_wait3A = arith.constant 0 : i32
      %dma_wait3A_89 = tpu.memref_slice %arg2[%mul3A_7, %dma_wait3A] : memref<10240x100xi32, #tpu.memory_space<hbm>> -> memref<320x100xi32, #tpu.memory_space<hbm>>
      %dma_wait3A_90 = arith.constant 0 : i32
      %dma_wait3A_91 = tpu.memref_slice %arg2[%mul3A_7, %dma_wait3A_90] : memref<10240x100xi32, #tpu.memory_space<hbm>> -> memref<320x100xi32, #tpu.memory_space<hbm>>
      tpu.wait_dma2 semaphore(%run_scoped3A : memref<!tpu.dma_semaphore, #tpu.memory_space<semaphore_mem>>) src(%dma_wait3A_91 : memref<320x100xi32, #tpu.memory_space<hbm>>) dst(%arg8 : memref<320x100xi32, #tpu.memory_space<vmem>>)
      tpu.yield
    }) : () -> ()
    "tpu.region"() ({
      %run_scoped3A = tpu.sem_alloc : memref<!tpu.dma_semaphore, #tpu.memory_space<semaphore_mem>>
      %dma_start3A_85 = arith.constant 0 : i32
      %dma_start3A_86 = tpu.memref_slice %arg4[%mul3A_2, %dma_start3A_85] : memref<1024x64xf32, #tpu.memory_space<hbm>> -> memref<32x64xf32, #tpu.memory_space<hbm>>
      %dma_start3A_87 = arith.constant 0 : i32
      %dma_start3A_88 = tpu.memref_slice %arg4[%mul3A_2, %dma_start3A_87] : memref<1024x64xf32, #tpu.memory_space<hbm>> -> memref<32x64xf32, #tpu.memory_space<hbm>>
      tpu.enqueue_dma source(%dma_start3A_88 : memref<32x64xf32, #tpu.memory_space<hbm>>) target(%arg12 : memref<32x64xf32, #tpu.memory_space<vmem>>) target_semaphore(%run_scoped3A : memref<!tpu.dma_semaphore, #tpu.memory_space<semaphore_mem>>)
      %dma_wait3A = arith.constant 0 : i32
      %dma_wait3A_89 = tpu.memref_slice %arg4[%mul3A_2, %dma_wait3A] : memref<1024x64xf32, #tpu.memory_space<hbm>> -> memref<32x64xf32, #tpu.memory_space<hbm>>
      %dma_wait3A_90 = arith.constant 0 : i32
      %dma_wait3A_91 = tpu.memref_slice %arg4[%mul3A_2, %dma_wait3A_90] : memref<1024x64xf32, #tpu.memory_space<hbm>> -> memref<32x64xf32, #tpu.memory_space<hbm>>
      tpu.wait_dma2 semaphore(%run_scoped3A : memref<!tpu.dma_semaphore, #tpu.memory_space<semaphore_mem>>) src(%dma_wait3A_91 : memref<32x64xf32, #tpu.memory_space<hbm>>) dst(%arg12 : memref<32x64xf32, #tpu.memory_space<vmem>>)
      tpu.yield
    }) : () -> ()
    "tpu.region"() ({
      %run_scoped3A = tpu.sem_alloc : memref<!tpu.dma_semaphore, #tpu.memory_space<semaphore_mem>>
      %dma_start3A_85 = arith.constant 0 : i32
      %dma_start3A_86 = tpu.memref_slice %arg3[%mul3A_2, %dma_start3A_85] : memref<1024x64xi32, #tpu.memory_space<hbm>> -> memref<32x64xi32, #tpu.memory_space<hbm>>
      %dma_start3A_87 = arith.constant 0 : i32
      %dma_start3A_88 = tpu.memref_slice %arg3[%mul3A_2, %dma_start3A_87] : memref<1024x64xi32, #tpu.memory_space<hbm>> -> memref<32x64xi32, #tpu.memory_space<hbm>>
      tpu.enqueue_dma source(%dma_start3A_88 : memref<32x64xi32, #tpu.memory_space<hbm>>) target(%arg13 : memref<32x64xi32, #tpu.memory_space<vmem>>) target_semaphore(%run_scoped3A : memref<!tpu.dma_semaphore, #tpu.memory_space<semaphore_mem>>)
      %dma_wait3A = arith.constant 0 : i32
      %dma_wait3A_89 = tpu.memref_slice %arg3[%mul3A_2, %dma_wait3A] : memref<1024x64xi32, #tpu.memory_space<hbm>> -> memref<32x64xi32, #tpu.memory_space<hbm>>
      %dma_wait3A_90 = arith.constant 0 : i32
      %dma_wait3A_91 = tpu.memref_slice %arg3[%mul3A_2, %dma_wait3A_90] : memref<1024x64xi32, #tpu.memory_space<hbm>> -> memref<32x64xi32, #tpu.memory_space<hbm>>
      tpu.wait_dma2 semaphore(%run_scoped3A : memref<!tpu.dma_semaphore, #tpu.memory_space<semaphore_mem>>) src(%dma_wait3A_91 : memref<32x64xi32, #tpu.memory_space<hbm>>) dst(%arg13 : memref<32x64xi32, #tpu.memory_space<vmem>>)
      tpu.yield
    }) : () -> ()
    %dma_start3A = arith.constant 0 : i32
    %dma_start3A_8 = arith.constant 0 : i32
    %dma_start3A_9 = arith.constant 0 : i32
    %dma_start3A_10 = arith.constant 0 : i32
    %dma_start3A_11 = tpu.memref_slice %arg9[%dma_start3A_8, %dma_start3A_9, %dma_start3A_10] : memref<6x100x128xf32, #tpu.memory_space<vmem>> -> memref<1x100x128xf32, #tpu.memory_space<vmem>>
    %dma_start3A_12 = tpu.memref_squeeze %dma_start3A_11 : memref<1x100x128xf32, #tpu.memory_space<vmem>> -> memref<100x128xf32, #tpu.memory_space<vmem>>
    %dma_start3A_13 = arith.constant 0 : i32
    %dma_start3A_14 = tpu.memref_slice %arg8[%dma_start3A, %dma_start3A_13] : memref<320x100xi32, #tpu.memory_space<vmem>> -> memref<1x100xi32, #tpu.memory_space<vmem>>
    %dma_start3A_15 = tpu.memref_squeeze %dma_start3A_14 : memref<1x100xi32, #tpu.memory_space<vmem>> -> memref<100xi32, #tpu.memory_space<vmem>>
    %dma_start3A_16 = arith.constant 0 : i32
    %dma_start3A_17 = arith.constant 0 : i32
    %dma_start3A_18 = tpu.memref_slice %arg5[%dma_start3A_16, %dma_start3A_17] : memref<1000000x128xf32, #tpu.memory_space<hbm>> -> memref<1000000x128xf32, #tpu.memory_space<hbm>>
    tpu.enqueue_indirect_dma source(%dma_start3A_18 : memref<1000000x128xf32, #tpu.memory_space<hbm>>) target(%dma_start3A_12 : memref<100x128xf32, #tpu.memory_space<vmem>>) offsets(%dma_start3A_15 : memref<100xi32, #tpu.memory_space<vmem>>) semaphore(%arg17 : memref<!tpu.dma_semaphore, #tpu.memory_space<semaphore_mem>>)
    %dma_start3A_19 = arith.constant 1 : i32
    %dma_start3A_20 = arith.constant 1 : i32
    %dma_start3A_21 = arith.constant 0 : i32
    %dma_start3A_22 = arith.constant 0 : i32
    %dma_start3A_23 = tpu.memref_slice %arg9[%dma_start3A_20, %dma_start3A_21, %dma_start3A_22] : memref<6x100x128xf32, #tpu.memory_space<vmem>> -> memref<1x100x128xf32, #tpu.memory_space<vmem>>
    %dma_start3A_24 = tpu.memref_squeeze %dma_start3A_23 : memref<1x100x128xf32, #tpu.memory_space<vmem>> -> memref<100x128xf32, #tpu.memory_space<vmem>>
    %dma_start3A_25 = arith.constant 0 : i32
    %dma_start3A_26 = tpu.memref_slice %arg8[%dma_start3A_19, %dma_start3A_25] : memref<320x100xi32, #tpu.memory_space<vmem>> -> memref<1x100xi32, #tpu.memory_space<vmem>>
    %dma_start3A_27 = tpu.memref_squeeze %dma_start3A_26 : memref<1x100xi32, #tpu.memory_space<vmem>> -> memref<100xi32, #tpu.memory_space<vmem>>
    %dma_start3A_28 = arith.constant 0 : i32
    %dma_start3A_29 = arith.constant 0 : i32
    %dma_start3A_30 = tpu.memref_slice %arg5[%dma_start3A_28, %dma_start3A_29] : memref<1000000x128xf32, #tpu.memory_space<hbm>> -> memref<1000000x128xf32, #tpu.memory_space<hbm>>
    tpu.enqueue_indirect_dma source(%dma_start3A_30 : memref<1000000x128xf32, #tpu.memory_space<hbm>>) target(%dma_start3A_24 : memref<100x128xf32, #tpu.memory_space<vmem>>) offsets(%dma_start3A_27 : memref<100xi32, #tpu.memory_space<vmem>>) semaphore(%arg18 : memref<!tpu.dma_semaphore, #tpu.memory_space<semaphore_mem>>)
    %dma_start3A_31 = arith.constant 2 : i32
    %dma_start3A_32 = arith.constant 2 : i32
    %dma_start3A_33 = arith.constant 0 : i32
    %dma_start3A_34 = arith.constant 0 : i32
    %dma_start3A_35 = tpu.memref_slice %arg9[%dma_start3A_32, %dma_start3A_33, %dma_start3A_34] : memref<6x100x128xf32, #tpu.memory_space<vmem>> -> memref<1x100x128xf32, #tpu.memory_space<vmem>>
    %dma_start3A_36 = tpu.memref_squeeze %dma_start3A_35 : memref<1x100x128xf32, #tpu.memory_space<vmem>> -> memref<100x128xf32, #tpu.memory_space<vmem>>
    %dma_start3A_37 = arith.constant 0 : i32
    %dma_start3A_38 = tpu.memref_slice %arg8[%dma_start3A_31, %dma_start3A_37] : memref<320x100xi32, #tpu.memory_space<vmem>> -> memref<1x100xi32, #tpu.memory_space<vmem>>
    %dma_start3A_39 = tpu.memref_squeeze %dma_start3A_38 : memref<1x100xi32, #tpu.memory_space<vmem>> -> memref<100xi32, #tpu.memory_space<vmem>>
    %dma_start3A_40 = arith.constant 0 : i32
    %dma_start3A_41 = arith.constant 0 : i32
    %dma_start3A_42 = tpu.memref_slice %arg5[%dma_start3A_40, %dma_start3A_41] : memref<1000000x128xf32, #tpu.memory_space<hbm>> -> memref<1000000x128xf32, #tpu.memory_space<hbm>>
    tpu.enqueue_indirect_dma source(%dma_start3A_42 : memref<1000000x128xf32, #tpu.memory_space<hbm>>) target(%dma_start3A_36 : memref<100x128xf32, #tpu.memory_space<vmem>>) offsets(%dma_start3A_39 : memref<100xi32, #tpu.memory_space<vmem>>) semaphore(%arg19 : memref<!tpu.dma_semaphore, #tpu.memory_space<semaphore_mem>>)
    %dma_start3A_43 = arith.constant 3 : i32
    %dma_start3A_44 = arith.constant 3 : i32
    %dma_start3A_45 = arith.constant 0 : i32
    %dma_start3A_46 = arith.constant 0 : i32
    %dma_start3A_47 = tpu.memref_slice %arg9[%dma_start3A_44, %dma_start3A_45, %dma_start3A_46] : memref<6x100x128xf32, #tpu.memory_space<vmem>> -> memref<1x100x128xf32, #tpu.memory_space<vmem>>
    %dma_start3A_48 = tpu.memref_squeeze %dma_start3A_47 : memref<1x100x128xf32, #tpu.memory_space<vmem>> -> memref<100x128xf32, #tpu.memory_space<vmem>>
    %dma_start3A_49 = arith.constant 0 : i32
    %dma_start3A_50 = tpu.memref_slice %arg8[%dma_start3A_43, %dma_start3A_49] : memref<320x100xi32, #tpu.memory_space<vmem>> -> memref<1x100xi32, #tpu.memory_space<vmem>>
    %dma_start3A_51 = tpu.memref_squeeze %dma_start3A_50 : memref<1x100xi32, #tpu.memory_space<vmem>> -> memref<100xi32, #tpu.memory_space<vmem>>
    %dma_start3A_52 = arith.constant 0 : i32
    %dma_start3A_53 = arith.constant 0 : i32
    %dma_start3A_54 = tpu.memref_slice %arg5[%dma_start3A_52, %dma_start3A_53] : memref<1000000x128xf32, #tpu.memory_space<hbm>> -> memref<1000000x128xf32, #tpu.memory_space<hbm>>
    tpu.enqueue_indirect_dma source(%dma_start3A_54 : memref<1000000x128xf32, #tpu.memory_space<hbm>>) target(%dma_start3A_48 : memref<100x128xf32, #tpu.memory_space<vmem>>) offsets(%dma_start3A_51 : memref<100xi32, #tpu.memory_space<vmem>>) semaphore(%arg20 : memref<!tpu.dma_semaphore, #tpu.memory_space<semaphore_mem>>)
    %dma_start3A_55 = arith.constant 4 : i32
    %dma_start3A_56 = arith.constant 4 : i32
    %dma_start3A_57 = arith.constant 0 : i32
    %dma_start3A_58 = arith.constant 0 : i32
    %dma_start3A_59 = tpu.memref_slice %arg9[%dma_start3A_56, %dma_start3A_57, %dma_start3A_58] : memref<6x100x128xf32, #tpu.memory_space<vmem>> -> memref<1x100x128xf32, #tpu.memory_space<vmem>>
    %dma_start3A_60 = tpu.memref_squeeze %dma_start3A_59 : memref<1x100x128xf32, #tpu.memory_space<vmem>> -> memref<100x128xf32, #tpu.memory_space<vmem>>
    %dma_start3A_61 = arith.constant 0 : i32
    %dma_start3A_62 = tpu.memref_slice %arg8[%dma_start3A_55, %dma_start3A_61] : memref<320x100xi32, #tpu.memory_space<vmem>> -> memref<1x100xi32, #tpu.memory_space<vmem>>
    %dma_start3A_63 = tpu.memref_squeeze %dma_start3A_62 : memref<1x100xi32, #tpu.memory_space<vmem>> -> memref<100xi32, #tpu.memory_space<vmem>>
    %dma_start3A_64 = arith.constant 0 : i32
    %dma_start3A_65 = arith.constant 0 : i32
    %dma_start3A_66 = tpu.memref_slice %arg5[%dma_start3A_64, %dma_start3A_65] : memref<1000000x128xf32, #tpu.memory_space<hbm>> -> memref<1000000x128xf32, #tpu.memory_space<hbm>>
    tpu.enqueue_indirect_dma source(%dma_start3A_66 : memref<1000000x128xf32, #tpu.memory_space<hbm>>) target(%dma_start3A_60 : memref<100x128xf32, #tpu.memory_space<vmem>>) offsets(%dma_start3A_63 : memref<100xi32, #tpu.memory_space<vmem>>) semaphore(%arg21 : memref<!tpu.dma_semaphore, #tpu.memory_space<semaphore_mem>>)
    %dma_start3A_67 = arith.constant 5 : i32
    %dma_start3A_68 = arith.constant 5 : i32
    %dma_start3A_69 = arith.constant 0 : i32
    %dma_start3A_70 = arith.constant 0 : i32
    %dma_start3A_71 = tpu.memref_slice %arg9[%dma_start3A_68, %dma_start3A_69, %dma_start3A_70] : memref<6x100x128xf32, #tpu.memory_space<vmem>> -> memref<1x100x128xf32, #tpu.memory_space<vmem>>
    %dma_start3A_72 = tpu.memref_squeeze %dma_start3A_71 : memref<1x100x128xf32, #tpu.memory_space<vmem>> -> memref<100x128xf32, #tpu.memory_space<vmem>>
    %dma_start3A_73 = arith.constant 0 : i32
    %dma_start3A_74 = tpu.memref_slice %arg8[%dma_start3A_67, %dma_start3A_73] : memref<320x100xi32, #tpu.memory_space<vmem>> -> memref<1x100xi32, #tpu.memory_space<vmem>>
    %dma_start3A_75 = tpu.memref_squeeze %dma_start3A_74 : memref<1x100xi32, #tpu.memory_space<vmem>> -> memref<100xi32, #tpu.memory_space<vmem>>
    %dma_start3A_76 = arith.constant 0 : i32
    %dma_start3A_77 = arith.constant 0 : i32
    %dma_start3A_78 = tpu.memref_slice %arg5[%dma_start3A_76, %dma_start3A_77] : memref<1000000x128xf32, #tpu.memory_space<hbm>> -> memref<1000000x128xf32, #tpu.memory_space<hbm>>
    tpu.enqueue_indirect_dma source(%dma_start3A_78 : memref<1000000x128xf32, #tpu.memory_space<hbm>>) target(%dma_start3A_72 : memref<100x128xf32, #tpu.memory_space<vmem>>) offsets(%dma_start3A_75 : memref<100xi32, #tpu.memory_space<vmem>>) semaphore(%arg22 : memref<!tpu.dma_semaphore, #tpu.memory_space<semaphore_mem>>)
    %scan3A = arith.constant 0 : i32
    %scan3A_79 = arith.constant 0 : i32
    %scan3A_80 = arith.constant 320 : i32
    %scan3A_81 = arith.addi %scan3A_79, %scan3A_80 : i32
    %scan3A_82 = arith.constant 1 : i32
    %scan3A_83 = scf.for %scan3A_85 = %scan3A_79 to %scan3A_81 step %scan3A_82 iter_args(%scan3A_86 = %scan3A) -> (i32)  : i32 {
      %jit3A = arith.constant 10 : i32
      %div3A = arith.divsi %scan3A_85, %jit3A : i32
      %sign3A = arith.constant 0 : i32
      %sign3A_87 = arith.cmpi sgt, %scan3A_85, %sign3A : i32
      %sign3A_88 = arith.extui %sign3A_87 : i1 to i32
      %sign3A_89 = arith.constant 0 : i32
      %sign3A_90 = arith.cmpi slt, %scan3A_85, %sign3A_89 : i32
      %sign3A_91 = arith.extui %sign3A_90 : i1 to i32
      %sign3A_92 = arith.subi %sign3A_88, %sign3A_91 : i32
      %sign3A_93 = arith.constant 0 : i32
      %sign3A_94 = arith.cmpi sgt, %jit3A, %sign3A_93 : i32
      %sign3A_95 = arith.extui %sign3A_94 : i1 to i32
      %sign3A_96 = arith.constant 0 : i32
      %sign3A_97 = arith.cmpi slt, %jit3A, %sign3A_96 : i32
      %sign3A_98 = arith.extui %sign3A_97 : i1 to i32
      %sign3A_99 = arith.subi %sign3A_95, %sign3A_98 : i32
      %ne3A = arith.cmpi ne, %sign3A_92, %sign3A_99 : i32
      %rem3A = arith.remsi %scan3A_85, %jit3A : i32
      %ne3A_100 = arith.constant 0 : i32
      %ne3A_101 = arith.cmpi ne, %rem3A, %ne3A_100 : i32
      %and3A = arith.andi %ne3A, %ne3A_101 : i1
      %sub3A = arith.constant 1 : i32
      %sub3A_102 = arith.subi %div3A, %sub3A : i32
      %select_n3A = arith.select %and3A, %sub3A_102, %div3A : i32
      %mul3A_103 = arith.constant 10 : i32
      %mul3A_104 = arith.muli %select_n3A, %mul3A_103 : i32
      %sub3A_105 = arith.subi %scan3A_85, %mul3A_104 : i32
      %jit3A_106 = arith.constant 6 : i32
      %div3A_107 = arith.divsi %scan3A_85, %jit3A_106 : i32
      %sign3A_108 = arith.constant 0 : i32
      %sign3A_109 = arith.cmpi sgt, %scan3A_85, %sign3A_108 : i32
      %sign3A_110 = arith.extui %sign3A_109 : i1 to i32
      %sign3A_111 = arith.constant 0 : i32
      %sign3A_112 = arith.cmpi slt, %scan3A_85, %sign3A_111 : i32
      %sign3A_113 = arith.extui %sign3A_112 : i1 to i32
      %sign3A_114 = arith.subi %sign3A_110, %sign3A_113 : i32
      %sign3A_115 = arith.constant 0 : i32
      %sign3A_116 = arith.cmpi sgt, %jit3A_106, %sign3A_115 : i32
      %sign3A_117 = arith.extui %sign3A_116 : i1 to i32
      %sign3A_118 = arith.constant 0 : i32
      %sign3A_119 = arith.cmpi slt, %jit3A_106, %sign3A_118 : i32
      %sign3A_120 = arith.extui %sign3A_119 : i1 to i32
      %sign3A_121 = arith.subi %sign3A_117, %sign3A_120 : i32
      %ne3A_122 = arith.cmpi ne, %sign3A_114, %sign3A_121 : i32
      %rem3A_123 = arith.remsi %scan3A_85, %jit3A_106 : i32
      %ne3A_124 = arith.constant 0 : i32
      %ne3A_125 = arith.cmpi ne, %rem3A_123, %ne3A_124 : i32
      %and3A_126 = arith.andi %ne3A_122, %ne3A_125 : i1
      %sub3A_127 = arith.constant 1 : i32
      %sub3A_128 = arith.subi %div3A_107, %sub3A_127 : i32
      %select_n3A_129 = arith.select %and3A_126, %sub3A_128, %div3A_107 : i32
      %mul3A_130 = arith.constant 6 : i32
      %mul3A_131 = arith.muli %select_n3A_129, %mul3A_130 : i32
      %sub3A_132 = arith.subi %scan3A_85, %mul3A_131 : i32
      %eq3A = arith.constant 0 : i32
      %eq3A_133 = arith.cmpi eq, %sub3A_132, %eq3A : i32
      %convert_element_type3A = arith.extui %eq3A_133 : i1 to i32
      %cond3A = arith.constant 0 : i32
      %cond3A_134 = arith.cmpi ne, %convert_element_type3A, %cond3A : i32
      scf.if %cond3A_134 {
        %dma_wait3A = arith.constant 0 : i32
        %dma_wait3A_252 = arith.constant 0 : i32
        %dma_wait3A_253 = arith.constant 0 : i32
        %dma_wait3A_254 = tpu.memref_slice %arg9[%dma_wait3A, %dma_wait3A_252, %dma_wait3A_253] : memref<6x100x128xf32, #tpu.memory_space<vmem>> -> memref<1x100x128xf32, #tpu.memory_space<vmem>>
        %dma_wait3A_255 = tpu.memref_squeeze %dma_wait3A_254 : memref<1x100x128xf32, #tpu.memory_space<vmem>> -> memref<100x128xf32, #tpu.memory_space<vmem>>
        %dma_wait3A_256 = arith.constant 0 : i32
        %dma_wait3A_257 = tpu.memref_slice %arg8[%scan3A_85, %dma_wait3A_256] : memref<320x100xi32, #tpu.memory_space<vmem>> -> memref<1x100xi32, #tpu.memory_space<vmem>>
        %dma_wait3A_258 = tpu.memref_squeeze %dma_wait3A_257 : memref<1x100xi32, #tpu.memory_space<vmem>> -> memref<100xi32, #tpu.memory_space<vmem>>
        %dma_wait3A_259 = arith.constant 0 : i32
        %dma_wait3A_260 = arith.constant 0 : i32
        %dma_wait3A_261 = tpu.memref_slice %arg5[%dma_wait3A_259, %dma_wait3A_260] : memref<1000000x128xf32, #tpu.memory_space<hbm>> -> memref<1000000x128xf32, #tpu.memory_space<hbm>>
        tpu.wait_indirect_dma semaphore(%arg17 : memref<!tpu.dma_semaphore, #tpu.memory_space<semaphore_mem>>) src(%dma_wait3A_261 : memref<1000000x128xf32, #tpu.memory_space<hbm>>) dst(%dma_wait3A_255 : memref<100x128xf32, #tpu.memory_space<vmem>>)
      } else {
      }
      %eq3A_135 = arith.constant 1 : i32
      %eq3A_136 = arith.cmpi eq, %sub3A_132, %eq3A_135 : i32
      %convert_element_type3A_137 = arith.extui %eq3A_136 : i1 to i32
      %cond3A_138 = arith.constant 0 : i32
      %cond3A_139 = arith.cmpi ne, %convert_element_type3A_137, %cond3A_138 : i32
      scf.if %cond3A_139 {
        %dma_wait3A = arith.constant 1 : i32
        %dma_wait3A_252 = arith.constant 0 : i32
        %dma_wait3A_253 = arith.constant 0 : i32
        %dma_wait3A_254 = tpu.memref_slice %arg9[%dma_wait3A, %dma_wait3A_252, %dma_wait3A_253] : memref<6x100x128xf32, #tpu.memory_space<vmem>> -> memref<1x100x128xf32, #tpu.memory_space<vmem>>
        %dma_wait3A_255 = tpu.memref_squeeze %dma_wait3A_254 : memref<1x100x128xf32, #tpu.memory_space<vmem>> -> memref<100x128xf32, #tpu.memory_space<vmem>>
        %dma_wait3A_256 = arith.constant 0 : i32
        %dma_wait3A_257 = tpu.memref_slice %arg8[%scan3A_85, %dma_wait3A_256] : memref<320x100xi32, #tpu.memory_space<vmem>> -> memref<1x100xi32, #tpu.memory_space<vmem>>
        %dma_wait3A_258 = tpu.memref_squeeze %dma_wait3A_257 : memref<1x100xi32, #tpu.memory_space<vmem>> -> memref<100xi32, #tpu.memory_space<vmem>>
        %dma_wait3A_259 = arith.constant 0 : i32
        %dma_wait3A_260 = arith.constant 0 : i32
        %dma_wait3A_261 = tpu.memref_slice %arg5[%dma_wait3A_259, %dma_wait3A_260] : memref<1000000x128xf32, #tpu.memory_space<hbm>> -> memref<1000000x128xf32, #tpu.memory_space<hbm>>
        tpu.wait_indirect_dma semaphore(%arg18 : memref<!tpu.dma_semaphore, #tpu.memory_space<semaphore_mem>>) src(%dma_wait3A_261 : memref<1000000x128xf32, #tpu.memory_space<hbm>>) dst(%dma_wait3A_255 : memref<100x128xf32, #tpu.memory_space<vmem>>)
      } else {
      }
      %eq3A_140 = arith.constant 2 : i32
      %eq3A_141 = arith.cmpi eq, %sub3A_132, %eq3A_140 : i32
      %convert_element_type3A_142 = arith.extui %eq3A_141 : i1 to i32
      %cond3A_143 = arith.constant 0 : i32
      %cond3A_144 = arith.cmpi ne, %convert_element_type3A_142, %cond3A_143 : i32
      scf.if %cond3A_144 {
        %dma_wait3A = arith.constant 2 : i32
        %dma_wait3A_252 = arith.constant 0 : i32
        %dma_wait3A_253 = arith.constant 0 : i32
        %dma_wait3A_254 = tpu.memref_slice %arg9[%dma_wait3A, %dma_wait3A_252, %dma_wait3A_253] : memref<6x100x128xf32, #tpu.memory_space<vmem>> -> memref<1x100x128xf32, #tpu.memory_space<vmem>>
        %dma_wait3A_255 = tpu.memref_squeeze %dma_wait3A_254 : memref<1x100x128xf32, #tpu.memory_space<vmem>> -> memref<100x128xf32, #tpu.memory_space<vmem>>
        %dma_wait3A_256 = arith.constant 0 : i32
        %dma_wait3A_257 = tpu.memref_slice %arg8[%scan3A_85, %dma_wait3A_256] : memref<320x100xi32, #tpu.memory_space<vmem>> -> memref<1x100xi32, #tpu.memory_space<vmem>>
        %dma_wait3A_258 = tpu.memref_squeeze %dma_wait3A_257 : memref<1x100xi32, #tpu.memory_space<vmem>> -> memref<100xi32, #tpu.memory_space<vmem>>
        %dma_wait3A_259 = arith.constant 0 : i32
        %dma_wait3A_260 = arith.constant 0 : i32
        %dma_wait3A_261 = tpu.memref_slice %arg5[%dma_wait3A_259, %dma_wait3A_260] : memref<1000000x128xf32, #tpu.memory_space<hbm>> -> memref<1000000x128xf32, #tpu.memory_space<hbm>>
        tpu.wait_indirect_dma semaphore(%arg19 : memref<!tpu.dma_semaphore, #tpu.memory_space<semaphore_mem>>) src(%dma_wait3A_261 : memref<1000000x128xf32, #tpu.memory_space<hbm>>) dst(%dma_wait3A_255 : memref<100x128xf32, #tpu.memory_space<vmem>>)
      } else {
      }
      %eq3A_145 = arith.constant 3 : i32
      %eq3A_146 = arith.cmpi eq, %sub3A_132, %eq3A_145 : i32
      %convert_element_type3A_147 = arith.extui %eq3A_146 : i1 to i32
      %cond3A_148 = arith.constant 0 : i32
      %cond3A_149 = arith.cmpi ne, %convert_element_type3A_147, %cond3A_148 : i32
      scf.if %cond3A_149 {
        %dma_wait3A = arith.constant 3 : i32
        %dma_wait3A_252 = arith.constant 0 : i32
        %dma_wait3A_253 = arith.constant 0 : i32
        %dma_wait3A_254 = tpu.memref_slice %arg9[%dma_wait3A, %dma_wait3A_252, %dma_wait3A_253] : memref<6x100x128xf32, #tpu.memory_space<vmem>> -> memref<1x100x128xf32, #tpu.memory_space<vmem>>
        %dma_wait3A_255 = tpu.memref_squeeze %dma_wait3A_254 : memref<1x100x128xf32, #tpu.memory_space<vmem>> -> memref<100x128xf32, #tpu.memory_space<vmem>>
        %dma_wait3A_256 = arith.constant 0 : i32
        %dma_wait3A_257 = tpu.memref_slice %arg8[%scan3A_85, %dma_wait3A_256] : memref<320x100xi32, #tpu.memory_space<vmem>> -> memref<1x100xi32, #tpu.memory_space<vmem>>
        %dma_wait3A_258 = tpu.memref_squeeze %dma_wait3A_257 : memref<1x100xi32, #tpu.memory_space<vmem>> -> memref<100xi32, #tpu.memory_space<vmem>>
        %dma_wait3A_259 = arith.constant 0 : i32
        %dma_wait3A_260 = arith.constant 0 : i32
        %dma_wait3A_261 = tpu.memref_slice %arg5[%dma_wait3A_259, %dma_wait3A_260] : memref<1000000x128xf32, #tpu.memory_space<hbm>> -> memref<1000000x128xf32, #tpu.memory_space<hbm>>
        tpu.wait_indirect_dma semaphore(%arg20 : memref<!tpu.dma_semaphore, #tpu.memory_space<semaphore_mem>>) src(%dma_wait3A_261 : memref<1000000x128xf32, #tpu.memory_space<hbm>>) dst(%dma_wait3A_255 : memref<100x128xf32, #tpu.memory_space<vmem>>)
      } else {
      }
      %eq3A_150 = arith.constant 4 : i32
      %eq3A_151 = arith.cmpi eq, %sub3A_132, %eq3A_150 : i32
      %convert_element_type3A_152 = arith.extui %eq3A_151 : i1 to i32
      %cond3A_153 = arith.constant 0 : i32
      %cond3A_154 = arith.cmpi ne, %convert_element_type3A_152, %cond3A_153 : i32
      scf.if %cond3A_154 {
        %dma_wait3A = arith.constant 4 : i32
        %dma_wait3A_252 = arith.constant 0 : i32
        %dma_wait3A_253 = arith.constant 0 : i32
        %dma_wait3A_254 = tpu.memref_slice %arg9[%dma_wait3A, %dma_wait3A_252, %dma_wait3A_253] : memref<6x100x128xf32, #tpu.memory_space<vmem>> -> memref<1x100x128xf32, #tpu.memory_space<vmem>>
        %dma_wait3A_255 = tpu.memref_squeeze %dma_wait3A_254 : memref<1x100x128xf32, #tpu.memory_space<vmem>> -> memref<100x128xf32, #tpu.memory_space<vmem>>
        %dma_wait3A_256 = arith.constant 0 : i32
        %dma_wait3A_257 = tpu.memref_slice %arg8[%scan3A_85, %dma_wait3A_256] : memref<320x100xi32, #tpu.memory_space<vmem>> -> memref<1x100xi32, #tpu.memory_space<vmem>>
        %dma_wait3A_258 = tpu.memref_squeeze %dma_wait3A_257 : memref<1x100xi32, #tpu.memory_space<vmem>> -> memref<100xi32, #tpu.memory_space<vmem>>
        %dma_wait3A_259 = arith.constant 0 : i32
        %dma_wait3A_260 = arith.constant 0 : i32
        %dma_wait3A_261 = tpu.memref_slice %arg5[%dma_wait3A_259, %dma_wait3A_260] : memref<1000000x128xf32, #tpu.memory_space<hbm>> -> memref<1000000x128xf32, #tpu.memory_space<hbm>>
        tpu.wait_indirect_dma semaphore(%arg21 : memref<!tpu.dma_semaphore, #tpu.memory_space<semaphore_mem>>) src(%dma_wait3A_261 : memref<1000000x128xf32, #tpu.memory_space<hbm>>) dst(%dma_wait3A_255 : memref<100x128xf32, #tpu.memory_space<vmem>>)
      } else {
      }
      %eq3A_155 = arith.constant 5 : i32
      %eq3A_156 = arith.cmpi eq, %sub3A_132, %eq3A_155 : i32
      %convert_element_type3A_157 = arith.extui %eq3A_156 : i1 to i32
      %cond3A_158 = arith.constant 0 : i32
      %cond3A_159 = arith.cmpi ne, %convert_element_type3A_157, %cond3A_158 : i32
      scf.if %cond3A_159 {
        %dma_wait3A = arith.constant 5 : i32
        %dma_wait3A_252 = arith.constant 0 : i32
        %dma_wait3A_253 = arith.constant 0 : i32
        %dma_wait3A_254 = tpu.memref_slice %arg9[%dma_wait3A, %dma_wait3A_252, %dma_wait3A_253] : memref<6x100x128xf32, #tpu.memory_space<vmem>> -> memref<1x100x128xf32, #tpu.memory_space<vmem>>
        %dma_wait3A_255 = tpu.memref_squeeze %dma_wait3A_254 : memref<1x100x128xf32, #tpu.memory_space<vmem>> -> memref<100x128xf32, #tpu.memory_space<vmem>>
        %dma_wait3A_256 = arith.constant 0 : i32
        %dma_wait3A_257 = tpu.memref_slice %arg8[%scan3A_85, %dma_wait3A_256] : memref<320x100xi32, #tpu.memory_space<vmem>> -> memref<1x100xi32, #tpu.memory_space<vmem>>
        %dma_wait3A_258 = tpu.memref_squeeze %dma_wait3A_257 : memref<1x100xi32, #tpu.memory_space<vmem>> -> memref<100xi32, #tpu.memory_space<vmem>>
        %dma_wait3A_259 = arith.constant 0 : i32
        %dma_wait3A_260 = arith.constant 0 : i32
        %dma_wait3A_261 = tpu.memref_slice %arg5[%dma_wait3A_259, %dma_wait3A_260] : memref<1000000x128xf32, #tpu.memory_space<hbm>> -> memref<1000000x128xf32, #tpu.memory_space<hbm>>
        tpu.wait_indirect_dma semaphore(%arg22 : memref<!tpu.dma_semaphore, #tpu.memory_space<semaphore_mem>>) src(%dma_wait3A_261 : memref<1000000x128xf32, #tpu.memory_space<hbm>>) dst(%dma_wait3A_255 : memref<100x128xf32, #tpu.memory_space<vmem>>)
      } else {
      }
      %eq3A_160 = arith.constant 0 : i32
      %eq3A_161 = arith.cmpi eq, %sub3A_105, %eq3A_160 : i32
      %convert_element_type3A_162 = arith.extui %eq3A_161 : i1 to i32
      %cond3A_163 = arith.constant 0 : i32
      %cond3A_164 = arith.cmpi ne, %convert_element_type3A_162, %cond3A_163 : i32
      scf.if %cond3A_164 {
        %swap3A = arith.constant 0 : index
        %swap3A_252 = tpu.vector_load %arg11[%swap3A] {strides = array<i32>} : memref<64xf32, #tpu.memory_space<vmem>>, vector<16xf32>,
        %swap3A_253 = vector.shape_cast %swap3A_252 : vector<16xf32> to vector<16xf32>
        %swap3A_254 = vector.shape_cast %broadcast_in_dim3A_5 : vector<16xf32> to vector<16xf32>
        tpu.vector_store %arg11[%swap3A], %swap3A_254 {strides = array<i32>} : memref<64xf32, #tpu.memory_space<vmem>>, vector<16xf32>,
        %swap3A_255 = arith.constant 16 : index
        %swap3A_256 = tpu.vector_load %arg11[%swap3A_255] {strides = array<i32>} : memref<64xf32, #tpu.memory_space<vmem>>, vector<16xf32>,
        %swap3A_257 = vector.shape_cast %swap3A_256 : vector<16xf32> to vector<16xf32>
        %swap3A_258 = vector.shape_cast %broadcast_in_dim3A_5 : vector<16xf32> to vector<16xf32>
        tpu.vector_store %arg11[%swap3A_255], %swap3A_258 {strides = array<i32>} : memref<64xf32, #tpu.memory_space<vmem>>, vector<16xf32>,
        %swap3A_259 = arith.constant 32 : index
        %swap3A_260 = tpu.vector_load %arg11[%swap3A_259] {strides = array<i32>} : memref<64xf32, #tpu.memory_space<vmem>>, vector<16xf32>,
        %swap3A_261 = vector.shape_cast %swap3A_260 : vector<16xf32> to vector<16xf32>
        %swap3A_262 = vector.shape_cast %broadcast_in_dim3A_5 : vector<16xf32> to vector<16xf32>
        tpu.vector_store %arg11[%swap3A_259], %swap3A_262 {strides = array<i32>} : memref<64xf32, #tpu.memory_space<vmem>>, vector<16xf32>,
        %swap3A_263 = arith.constant 48 : index
        %swap3A_264 = tpu.vector_load %arg11[%swap3A_263] {strides = array<i32>} : memref<64xf32, #tpu.memory_space<vmem>>, vector<16xf32>,
        %swap3A_265 = vector.shape_cast %swap3A_264 : vector<16xf32> to vector<16xf32>
        %swap3A_266 = vector.shape_cast %broadcast_in_dim3A_5 : vector<16xf32> to vector<16xf32>
        tpu.vector_store %arg11[%swap3A_263], %swap3A_266 {strides = array<i32>} : memref<64xf32, #tpu.memory_space<vmem>>, vector<16xf32>,
      } else {
      }
      %get3A = arith.index_cast %select_n3A : i32 to index
      %get3A_165 = arith.constant 0 : index
      %get3A_166 = tpu.vector_load %arg12[%get3A, %get3A_165] {strides = array<i32>} : memref<32x64xf32, #tpu.memory_space<vmem>>, vector<1x16xf32>,
      %get3A_167 = vector.shape_cast %get3A_166 : vector<1x16xf32> to vector<16xf32>
      %get3A_168 = arith.index_cast %select_n3A : i32 to index
      %get3A_169 = arith.constant 16 : index
      %get3A_170 = tpu.vector_load %arg12[%get3A_168, %get3A_169] {strides = array<i32>} : memref<32x64xf32, #tpu.memory_space<vmem>>, vector<1x16xf32>,
      %get3A_171 = vector.shape_cast %get3A_170 : vector<1x16xf32> to vector<16xf32>
      %get3A_172 = arith.index_cast %select_n3A : i32 to index
      %get3A_173 = arith.constant 32 : index
      %get3A_174 = tpu.vector_load %arg12[%get3A_172, %get3A_173] {strides = array<i32>} : memref<32x64xf32, #tpu.memory_space<vmem>>, vector<1x16xf32>,
      %get3A_175 = vector.shape_cast %get3A_174 : vector<1x16xf32> to vector<16xf32>
      %get3A_176 = arith.index_cast %select_n3A : i32 to index
      %get3A_177 = arith.constant 48 : index
      %get3A_178 = tpu.vector_load %arg12[%get3A_176, %get3A_177] {strides = array<i32>} : memref<32x64xf32, #tpu.memory_space<vmem>>, vector<1x16xf32>,
      %get3A_179 = vector.shape_cast %get3A_178 : vector<1x16xf32> to vector<16xf32>
      %scan3A_180 = arith.constant 0 : i32
      %scan3A_181 = arith.constant 0 : i32
      %scan3A_182 = arith.constant 5 : i32
      %scan3A_183 = arith.addi %scan3A_181, %scan3A_182 : i32
      %scan3A_184 = arith.constant 1 : i32
      %scan3A_185 = scf.for %scan3A_252 = %scan3A_181 to %scan3A_183 step %scan3A_184 iter_args(%scan3A_253 = %scan3A_180) -> (i32)  : i32 {
        %mul3A_254 = arith.constant 5 : i32
        %mul3A_255 = arith.muli %sub3A_105, %mul3A_254 : i32
        %add3A_256 = arith.addi %mul3A_255, %scan3A_252 : i32
        %mul3A_257 = arith.constant 20 : i32
        %mul3A_258 = arith.muli %scan3A_252, %mul3A_257 : i32
        %get3A_259 = arith.index_cast %sub3A_132 : i32 to index
        %get3A_260 = arith.index_cast %mul3A_258 : i32 to index
        %get3A_261 = arith.constant 0 : index
        %get3A_262 = tpu.vector_load %arg9[%get3A_259, %get3A_260, %get3A_261] {strides = array<i32>} : memref<6x100x128xf32, #tpu.memory_space<vmem>>, vector<1x1x16xf32>,
        %get3A_263 = vector.shape_cast %get3A_262 : vector<1x1x16xf32> to vector<16xf32>
        %get3A_264 = arith.index_cast %sub3A_132 : i32 to index
        %get3A_265 = arith.index_cast %mul3A_258 : i32 to index
        %get3A_266 = arith.constant 16 : index
        %get3A_267 = tpu.vector_load %arg9[%get3A_264, %get3A_265, %get3A_266] {strides = array<i32>} : memref<6x100x128xf32, #tpu.memory_space<vmem>>, vector<1x1x16xf32>,
        %get3A_268 = vector.shape_cast %get3A_267 : vector<1x1x16xf32> to vector<16xf32>
        %get3A_269 = arith.index_cast %sub3A_132 : i32 to index
        %get3A_270 = arith.index_cast %mul3A_258 : i32 to index
        %get3A_271 = arith.constant 32 : index
        %get3A_272 = tpu.vector_load %arg9[%get3A_269, %get3A_270, %get3A_271] {strides = array<i32>} : memref<6x100x128xf32, #tpu.memory_space<vmem>>, vector<1x1x16xf32>,
        %get3A_273 = vector.shape_cast %get3A_272 : vector<1x1x16xf32> to vector<16xf32>
        %get3A_274 = arith.index_cast %sub3A_132 : i32 to index
        %get3A_275 = arith.index_cast %mul3A_258 : i32 to index
        %get3A_276 = arith.constant 48 : index
        %get3A_277 = tpu.vector_load %arg9[%get3A_274, %get3A_275, %get3A_276] {strides = array<i32>} : memref<6x100x128xf32, #tpu.memory_space<vmem>>, vector<1x1x16xf32>,
        %get3A_278 = vector.shape_cast %get3A_277 : vector<1x1x16xf32> to vector<16xf32>
        %get3A_279 = arith.index_cast %sub3A_132 : i32 to index
        %get3A_280 = arith.index_cast %mul3A_258 : i32 to index
        %get3A_281 = arith.constant 64 : index
        %get3A_282 = tpu.vector_load %arg9[%get3A_279, %get3A_280, %get3A_281] {strides = array<i32>} : memref<6x100x128xf32, #tpu.memory_space<vmem>>, vector<1x1x16xf32>,
        %get3A_283 = vector.shape_cast %get3A_282 : vector<1x1x16xf32> to vector<16xf32>
        %get3A_284 = arith.index_cast %sub3A_132 : i32 to index
        %get3A_285 = arith.index_cast %mul3A_258 : i32 to index
        %get3A_286 = arith.constant 80 : index
        %get3A_287 = tpu.vector_load %arg9[%get3A_284, %get3A_285, %get3A_286] {strides = array<i32>} : memref<6x100x128xf32, #tpu.memory_space<vmem>>, vector<1x1x16xf32>,
        %get3A_288 = vector.shape_cast %get3A_287 : vector<1x1x16xf32> to vector<16xf32>
        %get3A_289 = arith.index_cast %sub3A_132 : i32 to index
        %get3A_290 = arith.index_cast %mul3A_258 : i32 to index
        %get3A_291 = arith.constant 96 : index
        %get3A_292 = tpu.vector_load %arg9[%get3A_289, %get3A_290, %get3A_291] {strides = array<i32>} : memref<6x100x128xf32, #tpu.memory_space<vmem>>, vector<1x1x16xf32>,
        %get3A_293 = vector.shape_cast %get3A_292 : vector<1x1x16xf32> to vector<16xf32>
        %get3A_294 = arith.index_cast %sub3A_132 : i32 to index
        %get3A_295 = arith.index_cast %mul3A_258 : i32 to index
        %get3A_296 = arith.constant 112 : index
        %get3A_297 = tpu.vector_load %arg9[%get3A_294, %get3A_295, %get3A_296] {strides = array<i32>} : memref<6x100x128xf32, #tpu.memory_space<vmem>>, vector<1x1x16xf32>,
        %get3A_298 = vector.shape_cast %get3A_297 : vector<1x1x16xf32> to vector<16xf32>
        %add3A_299 = arith.constant 1 : i32
        %add3A_300 = arith.addi %mul3A_258, %add3A_299 : i32
        %get3A_301 = arith.index_cast %sub3A_132 : i32 to index
        %get3A_302 = arith.index_cast %add3A_300 : i32 to index
        %get3A_303 = arith.constant 0 : index
        %get3A_304 = tpu.vector_load %arg9[%get3A_301, %get3A_302, %get3A_303] {strides = array<i32>} : memref<6x100x128xf32, #tpu.memory_space<vmem>>, vector<1x1x16xf32>,
        %get3A_305 = vector.shape_cast %get3A_304 : vector<1x1x16xf32> to vector<16xf32>
        %add3A_306 = arith.addf %get3A_263, %get3A_305 : vector<16xf32>
        %add3A_307 = arith.constant 1 : i32
        %add3A_308 = arith.addi %mul3A_258, %add3A_307 : i32
        %get3A_309 = arith.index_cast %sub3A_132 : i32 to index
        %get3A_310 = arith.index_cast %add3A_308 : i32 to index
        %get3A_311 = arith.constant 16 : index
        %get3A_312 = tpu.vector_load %arg9[%get3A_309, %get3A_310, %get3A_311] {strides = array<i32>} : memref<6x100x128xf32, #tpu.memory_space<vmem>>, vector<1x1x16xf32>,
        %get3A_313 = vector.shape_cast %get3A_312 : vector<1x1x16xf32> to vector<16xf32>
        %add3A_314 = arith.addf %get3A_268, %get3A_313 : vector<16xf32>
        %add3A_315 = arith.constant 1 : i32
        %add3A_316 = arith.addi %mul3A_258, %add3A_315 : i32
        %get3A_317 = arith.index_cast %sub3A_132 : i32 to index
        %get3A_318 = arith.index_cast %add3A_316 : i32 to index
        %get3A_319 = arith.constant 32 : index
        %get3A_320 = tpu.vector_load %arg9[%get3A_317, %get3A_318, %get3A_319] {strides = array<i32>} : memref<6x100x128xf32, #tpu.memory_space<vmem>>, vector<1x1x16xf32>,
        %get3A_321 = vector.shape_cast %get3A_320 : vector<1x1x16xf32> to vector<16xf32>
        %add3A_322 = arith.addf %get3A_273, %get3A_321 : vector<16xf32>
        %add3A_323 = arith.constant 1 : i32
        %add3A_324 = arith.addi %mul3A_258, %add3A_323 : i32
        %get3A_325 = arith.index_cast %sub3A_132 : i32 to index
        %get3A_326 = arith.index_cast %add3A_324 : i32 to index
        %get3A_327 = arith.constant 48 : index
        %get3A_328 = tpu.vector_load %arg9[%get3A_325, %get3A_326, %get3A_327] {strides = array<i32>} : memref<6x100x128xf32, #tpu.memory_space<vmem>>, vector<1x1x16xf32>,
        %get3A_329 = vector.shape_cast %get3A_328 : vector<1x1x16xf32> to vector<16xf32>
        %add3A_330 = arith.addf %get3A_278, %get3A_329 : vector<16xf32>
        %add3A_331 = arith.constant 1 : i32
        %add3A_332 = arith.addi %mul3A_258, %add3A_331 : i32
        %get3A_333 = arith.index_cast %sub3A_132 : i32 to index
        %get3A_334 = arith.index_cast %add3A_332 : i32 to index
        %get3A_335 = arith.constant 64 : index
        %get3A_336 = tpu.vector_load %arg9[%get3A_333, %get3A_334, %get3A_335] {strides = array<i32>} : memref<6x100x128xf32, #tpu.memory_space<vmem>>, vector<1x1x16xf32>,
        %get3A_337 = vector.shape_cast %get3A_336 : vector<1x1x16xf32> to vector<16xf32>
        %add3A_338 = arith.addf %get3A_283, %get3A_337 : vector<16xf32>
        %add3A_339 = arith.constant 1 : i32
        %add3A_340 = arith.addi %mul3A_258, %add3A_339 : i32
        %get3A_341 = arith.index_cast %sub3A_132 : i32 to index
        %get3A_342 = arith.index_cast %add3A_340 : i32 to index
        %get3A_343 = arith.constant 80 : index
        %get3A_344 = tpu.vector_load %arg9[%get3A_341, %get3A_342, %get3A_343] {strides = array<i32>} : memref<6x100x128xf32, #tpu.memory_space<vmem>>, vector<1x1x16xf32>,
        %get3A_345 = vector.shape_cast %get3A_344 : vector<1x1x16xf32> to vector<16xf32>
        %add3A_346 = arith.addf %get3A_288, %get3A_345 : vector<16xf32>
        %add3A_347 = arith.constant 1 : i32
        %add3A_348 = arith.addi %mul3A_258, %add3A_347 : i32
        %get3A_349 = arith.index_cast %sub3A_132 : i32 to index
        %get3A_350 = arith.index_cast %add3A_348 : i32 to index
        %get3A_351 = arith.constant 96 : index
        %get3A_352 = tpu.vector_load %arg9[%get3A_349, %get3A_350, %get3A_351] {strides = array<i32>} : memref<6x100x128xf32, #tpu.memory_space<vmem>>, vector<1x1x16xf32>,
        %get3A_353 = vector.shape_cast %get3A_352 : vector<1x1x16xf32> to vector<16xf32>
        %add3A_354 = arith.addf %get3A_293, %get3A_353 : vector<16xf32>
        %add3A_355 = arith.constant 1 : i32
        %add3A_356 = arith.addi %mul3A_258, %add3A_355 : i32
        %get3A_357 = arith.index_cast %sub3A_132 : i32 to index
        %get3A_358 = arith.index_cast %add3A_356 : i32 to index
        %get3A_359 = arith.constant 112 : index
        %get3A_360 = tpu.vector_load %arg9[%get3A_357, %get3A_358, %get3A_359] {strides = array<i32>} : memref<6x100x128xf32, #tpu.memory_space<vmem>>, vector<1x1x16xf32>,
        %get3A_361 = vector.shape_cast %get3A_360 : vector<1x1x16xf32> to vector<16xf32>
        %add3A_362 = arith.addf %get3A_298, %get3A_361 : vector<16xf32>
        %add3A_363 = arith.constant 2 : i32
        %add3A_364 = arith.addi %mul3A_258, %add3A_363 : i32
        %get3A_365 = arith.index_cast %sub3A_132 : i32 to index
        %get3A_366 = arith.index_cast %add3A_364 : i32 to index
        %get3A_367 = arith.constant 0 : index
        %get3A_368 = tpu.vector_load %arg9[%get3A_365, %get3A_366, %get3A_367] {strides = array<i32>} : memref<6x100x128xf32, #tpu.memory_space<vmem>>, vector<1x1x16xf32>,
        %get3A_369 = vector.shape_cast %get3A_368 : vector<1x1x16xf32> to vector<16xf32>
        %add3A_370 = arith.addf %add3A_306, %get3A_369 : vector<16xf32>
        %add3A_371 = arith.constant 2 : i32
        %add3A_372 = arith.addi %mul3A_258, %add3A_371 : i32
        %get3A_373 = arith.index_cast %sub3A_132 : i32 to index
        %get3A_374 = arith.index_cast %add3A_372 : i32 to index
        %get3A_375 = arith.constant 16 : index
        %get3A_376 = tpu.vector_load %arg9[%get3A_373, %get3A_374, %get3A_375] {strides = array<i32>} : memref<6x100x128xf32, #tpu.memory_space<vmem>>, vector<1x1x16xf32>,
        %get3A_377 = vector.shape_cast %get3A_376 : vector<1x1x16xf32> to vector<16xf32>
        %add3A_378 = arith.addf %add3A_314, %get3A_377 : vector<16xf32>
        %add3A_379 = arith.constant 2 : i32
        %add3A_380 = arith.addi %mul3A_258, %add3A_379 : i32
        %get3A_381 = arith.index_cast %sub3A_132 : i32 to index
        %get3A_382 = arith.index_cast %add3A_380 : i32 to index
        %get3A_383 = arith.constant 32 : index
        %get3A_384 = tpu.vector_load %arg9[%get3A_381, %get3A_382, %get3A_383] {strides = array<i32>} : memref<6x100x128xf32, #tpu.memory_space<vmem>>, vector<1x1x16xf32>,
        %get3A_385 = vector.shape_cast %get3A_384 : vector<1x1x16xf32> to vector<16xf32>
        %add3A_386 = arith.addf %add3A_322, %get3A_385 : vector<16xf32>
        %add3A_387 = arith.constant 2 : i32
        %add3A_388 = arith.addi %mul3A_258, %add3A_387 : i32
        %get3A_389 = arith.index_cast %sub3A_132 : i32 to index
        %get3A_390 = arith.index_cast %add3A_388 : i32 to index
        %get3A_391 = arith.constant 48 : index
        %get3A_392 = tpu.vector_load %arg9[%get3A_389, %get3A_390, %get3A_391] {strides = array<i32>} : memref<6x100x128xf32, #tpu.memory_space<vmem>>, vector<1x1x16xf32>,
        %get3A_393 = vector.shape_cast %get3A_392 : vector<1x1x16xf32> to vector<16xf32>
        %add3A_394 = arith.addf %add3A_330, %get3A_393 : vector<16xf32>
        %add3A_395 = arith.constant 2 : i32
        %add3A_396 = arith.addi %mul3A_258, %add3A_395 : i32
        %get3A_397 = arith.index_cast %sub3A_132 : i32 to index
        %get3A_398 = arith.index_cast %add3A_396 : i32 to index
        %get3A_399 = arith.constant 64 : index
        %get3A_400 = tpu.vector_load %arg9[%get3A_397, %get3A_398, %get3A_399] {strides = array<i32>} : memref<6x100x128xf32, #tpu.memory_space<vmem>>, vector<1x1x16xf32>,
        %get3A_401 = vector.shape_cast %get3A_400 : vector<1x1x16xf32> to vector<16xf32>
        %add3A_402 = arith.addf %add3A_338, %get3A_401 : vector<16xf32>
        %add3A_403 = arith.constant 2 : i32
        %add3A_404 = arith.addi %mul3A_258, %add3A_403 : i32
        %get3A_405 = arith.index_cast %sub3A_132 : i32 to index
        %get3A_406 = arith.index_cast %add3A_404 : i32 to index
        %get3A_407 = arith.constant 80 : index
        %get3A_408 = tpu.vector_load %arg9[%get3A_405, %get3A_406, %get3A_407] {strides = array<i32>} : memref<6x100x128xf32, #tpu.memory_space<vmem>>, vector<1x1x16xf32>,
        %get3A_409 = vector.shape_cast %get3A_408 : vector<1x1x16xf32> to vector<16xf32>
        %add3A_410 = arith.addf %add3A_346, %get3A_409 : vector<16xf32>
        %add3A_411 = arith.constant 2 : i32
        %add3A_412 = arith.addi %mul3A_258, %add3A_411 : i32
        %get3A_413 = arith.index_cast %sub3A_132 : i32 to index
        %get3A_414 = arith.index_cast %add3A_412 : i32 to index
        %get3A_415 = arith.constant 96 : index
        %get3A_416 = tpu.vector_load %arg9[%get3A_413, %get3A_414, %get3A_415] {strides = array<i32>} : memref<6x100x128xf32, #tpu.memory_space<vmem>>, vector<1x1x16xf32>,
        %get3A_417 = vector.shape_cast %get3A_416 : vector<1x1x16xf32> to vector<16xf32>
        %add3A_418 = arith.addf %add3A_354, %get3A_417 : vector<16xf32>
        %add3A_419 = arith.constant 2 : i32
        %add3A_420 = arith.addi %mul3A_258, %add3A_419 : i32
        %get3A_421 = arith.index_cast %sub3A_132 : i32 to index
        %get3A_422 = arith.index_cast %add3A_420 : i32 to index
        %get3A_423 = arith.constant 112 : index
        %get3A_424 = tpu.vector_load %arg9[%get3A_421, %get3A_422, %get3A_423] {strides = array<i32>} : memref<6x100x128xf32, #tpu.memory_space<vmem>>, vector<1x1x16xf32>,
        %get3A_425 = vector.shape_cast %get3A_424 : vector<1x1x16xf32> to vector<16xf32>
        %add3A_426 = arith.addf %add3A_362, %get3A_425 : vector<16xf32>
        %add3A_427 = arith.constant 3 : i32
        %add3A_428 = arith.addi %mul3A_258, %add3A_427 : i32
        %get3A_429 = arith.index_cast %sub3A_132 : i32 to index
        %get3A_430 = arith.index_cast %add3A_428 : i32 to index
        %get3A_431 = arith.constant 0 : index
        %get3A_432 = tpu.vector_load %arg9[%get3A_429, %get3A_430, %get3A_431] {strides = array<i32>} : memref<6x100x128xf32, #tpu.memory_space<vmem>>, vector<1x1x16xf32>,
        %get3A_433 = vector.shape_cast %get3A_432 : vector<1x1x16xf32> to vector<16xf32>
        %add3A_434 = arith.addf %add3A_370, %get3A_433 : vector<16xf32>
        %add3A_435 = arith.constant 3 : i32
        %add3A_436 = arith.addi %mul3A_258, %add3A_435 : i32
        %get3A_437 = arith.index_cast %sub3A_132 : i32 to index
        %get3A_438 = arith.index_cast %add3A_436 : i32 to index
        %get3A_439 = arith.constant 16 : index
        %get3A_440 = tpu.vector_load %arg9[%get3A_437, %get3A_438, %get3A_439] {strides = array<i32>} : memref<6x100x128xf32, #tpu.memory_space<vmem>>, vector<1x1x16xf32>,
        %get3A_441 = vector.shape_cast %get3A_440 : vector<1x1x16xf32> to vector<16xf32>
        %add3A_442 = arith.addf %add3A_378, %get3A_441 : vector<16xf32>
        %add3A_443 = arith.constant 3 : i32
        %add3A_444 = arith.addi %mul3A_258, %add3A_443 : i32
        %get3A_445 = arith.index_cast %sub3A_132 : i32 to index
        %get3A_446 = arith.index_cast %add3A_444 : i32 to index
        %get3A_447 = arith.constant 32 : index
        %get3A_448 = tpu.vector_load %arg9[%get3A_445, %get3A_446, %get3A_447] {strides = array<i32>} : memref<6x100x128xf32, #tpu.memory_space<vmem>>, vector<1x1x16xf32>,
        %get3A_449 = vector.shape_cast %get3A_448 : vector<1x1x16xf32> to vector<16xf32>
        %add3A_450 = arith.addf %add3A_386, %get3A_449 : vector<16xf32>
        %add3A_451 = arith.constant 3 : i32
        %add3A_452 = arith.addi %mul3A_258, %add3A_451 : i32
        %get3A_453 = arith.index_cast %sub3A_132 : i32 to index
        %get3A_454 = arith.index_cast %add3A_452 : i32 to index
        %get3A_455 = arith.constant 48 : index
        %get3A_456 = tpu.vector_load %arg9[%get3A_453, %get3A_454, %get3A_455] {strides = array<i32>} : memref<6x100x128xf32, #tpu.memory_space<vmem>>, vector<1x1x16xf32>,
        %get3A_457 = vector.shape_cast %get3A_456 : vector<1x1x16xf32> to vector<16xf32>
        %add3A_458 = arith.addf %add3A_394, %get3A_457 : vector<16xf32>
        %add3A_459 = arith.constant 3 : i32
        %add3A_460 = arith.addi %mul3A_258, %add3A_459 : i32
        %get3A_461 = arith.index_cast %sub3A_132 : i32 to index
        %get3A_462 = arith.index_cast %add3A_460 : i32 to index
        %get3A_463 = arith.constant 64 : index
        %get3A_464 = tpu.vector_load %arg9[%get3A_461, %get3A_462, %get3A_463] {strides = array<i32>} : memref<6x100x128xf32, #tpu.memory_space<vmem>>, vector<1x1x16xf32>,
        %get3A_465 = vector.shape_cast %get3A_464 : vector<1x1x16xf32> to vector<16xf32>
        %add3A_466 = arith.addf %add3A_402, %get3A_465 : vector<16xf32>
        %add3A_467 = arith.constant 3 : i32
        %add3A_468 = arith.addi %mul3A_258, %add3A_467 : i32
        %get3A_469 = arith.index_cast %sub3A_132 : i32 to index
        %get3A_470 = arith.index_cast %add3A_468 : i32 to index
        %get3A_471 = arith.constant 80 : index
        %get3A_472 = tpu.vector_load %arg9[%get3A_469, %get3A_470, %get3A_471] {strides = array<i32>} : memref<6x100x128xf32, #tpu.memory_space<vmem>>, vector<1x1x16xf32>,
        %get3A_473 = vector.shape_cast %get3A_472 : vector<1x1x16xf32> to vector<16xf32>
        %add3A_474 = arith.addf %add3A_410, %get3A_473 : vector<16xf32>
        %add3A_475 = arith.constant 3 : i32
        %add3A_476 = arith.addi %mul3A_258, %add3A_475 : i32
        %get3A_477 = arith.index_cast %sub3A_132 : i32 to index
        %get3A_478 = arith.index_cast %add3A_476 : i32 to index
        %get3A_479 = arith.constant 96 : index
        %get3A_480 = tpu.vector_load %arg9[%get3A_477, %get3A_478, %get3A_479] {strides = array<i32>} : memref<6x100x128xf32, #tpu.memory_space<vmem>>, vector<1x1x16xf32>,
        %get3A_481 = vector.shape_cast %get3A_480 : vector<1x1x16xf32> to vector<16xf32>
        %add3A_482 = arith.addf %add3A_418, %get3A_481 : vector<16xf32>
        %add3A_483 = arith.constant 3 : i32
        %add3A_484 = arith.addi %mul3A_258, %add3A_483 : i32
        %get3A_485 = arith.index_cast %sub3A_132 : i32 to index
        %get3A_486 = arith.index_cast %add3A_484 : i32 to index
        %get3A_487 = arith.constant 112 : index
        %get3A_488 = tpu.vector_load %arg9[%get3A_485, %get3A_486, %get3A_487] {strides = array<i32>} : memref<6x100x128xf32, #tpu.memory_space<vmem>>, vector<1x1x16xf32>,
        %get3A_489 = vector.shape_cast %get3A_488 : vector<1x1x16xf32> to vector<16xf32>
        %add3A_490 = arith.addf %add3A_426, %get3A_489 : vector<16xf32>
        %add3A_491 = arith.constant 4 : i32
        %add3A_492 = arith.addi %mul3A_258, %add3A_491 : i32
        %get3A_493 = arith.index_cast %sub3A_132 : i32 to index
        %get3A_494 = arith.index_cast %add3A_492 : i32 to index
        %get3A_495 = arith.constant 0 : index
        %get3A_496 = tpu.vector_load %arg9[%get3A_493, %get3A_494, %get3A_495] {strides = array<i32>} : memref<6x100x128xf32, #tpu.memory_space<vmem>>, vector<1x1x16xf32>,
        %get3A_497 = vector.shape_cast %get3A_496 : vector<1x1x16xf32> to vector<16xf32>
        %add3A_498 = arith.addf %add3A_434, %get3A_497 : vector<16xf32>
        %add3A_499 = arith.constant 4 : i32
        %add3A_500 = arith.addi %mul3A_258, %add3A_499 : i32
        %get3A_501 = arith.index_cast %sub3A_132 : i32 to index
        %get3A_502 = arith.index_cast %add3A_500 : i32 to index
        %get3A_503 = arith.constant 16 : index
        %get3A_504 = tpu.vector_load %arg9[%get3A_501, %get3A_502, %get3A_503] {strides = array<i32>} : memref<6x100x128xf32, #tpu.memory_space<vmem>>, vector<1x1x16xf32>,
        %get3A_505 = vector.shape_cast %get3A_504 : vector<1x1x16xf32> to vector<16xf32>
        %add3A_506 = arith.addf %add3A_442, %get3A_505 : vector<16xf32>
        %add3A_507 = arith.constant 4 : i32
        %add3A_508 = arith.addi %mul3A_258, %add3A_507 : i32
        %get3A_509 = arith.index_cast %sub3A_132 : i32 to index
        %get3A_510 = arith.index_cast %add3A_508 : i32 to index
        %get3A_511 = arith.constant 32 : index
        %get3A_512 = tpu.vector_load %arg9[%get3A_509, %get3A_510, %get3A_511] {strides = array<i32>} : memref<6x100x128xf32, #tpu.memory_space<vmem>>, vector<1x1x16xf32>,
        %get3A_513 = vector.shape_cast %get3A_512 : vector<1x1x16xf32> to vector<16xf32>
        %add3A_514 = arith.addf %add3A_450, %get3A_513 : vector<16xf32>
        %add3A_515 = arith.constant 4 : i32
        %add3A_516 = arith.addi %mul3A_258, %add3A_515 : i32
        %get3A_517 = arith.index_cast %sub3A_132 : i32 to index
        %get3A_518 = arith.index_cast %add3A_516 : i32 to index
        %get3A_519 = arith.constant 48 : index
        %get3A_520 = tpu.vector_load %arg9[%get3A_517, %get3A_518, %get3A_519] {strides = array<i32>} : memref<6x100x128xf32, #tpu.memory_space<vmem>>, vector<1x1x16xf32>,
        %get3A_521 = vector.shape_cast %get3A_520 : vector<1x1x16xf32> to vector<16xf32>
        %add3A_522 = arith.addf %add3A_458, %get3A_521 : vector<16xf32>
        %add3A_523 = arith.constant 4 : i32
        %add3A_524 = arith.addi %mul3A_258, %add3A_523 : i32
        %get3A_525 = arith.index_cast %sub3A_132 : i32 to index
        %get3A_526 = arith.index_cast %add3A_524 : i32 to index
        %get3A_527 = arith.constant 64 : index
        %get3A_528 = tpu.vector_load %arg9[%get3A_525, %get3A_526, %get3A_527] {strides = array<i32>} : memref<6x100x128xf32, #tpu.memory_space<vmem>>, vector<1x1x16xf32>,
        %get3A_529 = vector.shape_cast %get3A_528 : vector<1x1x16xf32> to vector<16xf32>
        %add3A_530 = arith.addf %add3A_466, %get3A_529 : vector<16xf32>
        %add3A_531 = arith.constant 4 : i32
        %add3A_532 = arith.addi %mul3A_258, %add3A_531 : i32
        %get3A_533 = arith.index_cast %sub3A_132 : i32 to index
        %get3A_534 = arith.index_cast %add3A_532 : i32 to index
        %get3A_535 = arith.constant 80 : index
        %get3A_536 = tpu.vector_load %arg9[%get3A_533, %get3A_534, %get3A_535] {strides = array<i32>} : memref<6x100x128xf32, #tpu.memory_space<vmem>>, vector<1x1x16xf32>,
        %get3A_537 = vector.shape_cast %get3A_536 : vector<1x1x16xf32> to vector<16xf32>
        %add3A_538 = arith.addf %add3A_474, %get3A_537 : vector<16xf32>
        %add3A_539 = arith.constant 4 : i32
        %add3A_540 = arith.addi %mul3A_258, %add3A_539 : i32
        %get3A_541 = arith.index_cast %sub3A_132 : i32 to index
        %get3A_542 = arith.index_cast %add3A_540 : i32 to index
        %get3A_543 = arith.constant 96 : index
        %get3A_544 = tpu.vector_load %arg9[%get3A_541, %get3A_542, %get3A_543] {strides = array<i32>} : memref<6x100x128xf32, #tpu.memory_space<vmem>>, vector<1x1x16xf32>,
        %get3A_545 = vector.shape_cast %get3A_544 : vector<1x1x16xf32> to vector<16xf32>
        %add3A_546 = arith.addf %add3A_482, %get3A_545 : vector<16xf32>
        %add3A_547 = arith.constant 4 : i32
        %add3A_548 = arith.addi %mul3A_258, %add3A_547 : i32
        %get3A_549 = arith.index_cast %sub3A_132 : i32 to index
        %get3A_550 = arith.index_cast %add3A_548 : i32 to index
        %get3A_551 = arith.constant 112 : index
        %get3A_552 = tpu.vector_load %arg9[%get3A_549, %get3A_550, %get3A_551] {strides = array<i32>} : memref<6x100x128xf32, #tpu.memory_space<vmem>>, vector<1x1x16xf32>,
        %get3A_553 = vector.shape_cast %get3A_552 : vector<1x1x16xf32> to vector<16xf32>
        %add3A_554 = arith.addf %add3A_490, %get3A_553 : vector<16xf32>
        %add3A_555 = arith.constant 5 : i32
        %add3A_556 = arith.addi %mul3A_258, %add3A_555 : i32
        %get3A_557 = arith.index_cast %sub3A_132 : i32 to index
        %get3A_558 = arith.index_cast %add3A_556 : i32 to index
        %get3A_559 = arith.constant 0 : index
        %get3A_560 = tpu.vector_load %arg9[%get3A_557, %get3A_558, %get3A_559] {strides = array<i32>} : memref<6x100x128xf32, #tpu.memory_space<vmem>>, vector<1x1x16xf32>,
        %get3A_561 = vector.shape_cast %get3A_560 : vector<1x1x16xf32> to vector<16xf32>
        %add3A_562 = arith.addf %add3A_498, %get3A_561 : vector<16xf32>
        %add3A_563 = arith.constant 5 : i32
        %add3A_564 = arith.addi %mul3A_258, %add3A_563 : i32
        %get3A_565 = arith.index_cast %sub3A_132 : i32 to index
        %get3A_566 = arith.index_cast %add3A_564 : i32 to index
        %get3A_567 = arith.constant 16 : index
        %get3A_568 = tpu.vector_load %arg9[%get3A_565, %get3A_566, %get3A_567] {strides = array<i32>} : memref<6x100x128xf32, #tpu.memory_space<vmem>>, vector<1x1x16xf32>,
        %get3A_569 = vector.shape_cast %get3A_568 : vector<1x1x16xf32> to vector<16xf32>
        %add3A_570 = arith.addf %add3A_506, %get3A_569 : vector<16xf32>
        %add3A_571 = arith.constant 5 : i32
        %add3A_572 = arith.addi %mul3A_258, %add3A_571 : i32
        %get3A_573 = arith.index_cast %sub3A_132 : i32 to index
        %get3A_574 = arith.index_cast %add3A_572 : i32 to index
        %get3A_575 = arith.constant 32 : index
        %get3A_576 = tpu.vector_load %arg9[%get3A_573, %get3A_574, %get3A_575] {strides = array<i32>} : memref<6x100x128xf32, #tpu.memory_space<vmem>>, vector<1x1x16xf32>,
        %get3A_577 = vector.shape_cast %get3A_576 : vector<1x1x16xf32> to vector<16xf32>
        %add3A_578 = arith.addf %add3A_514, %get3A_577 : vector<16xf32>
        %add3A_579 = arith.constant 5 : i32
        %add3A_580 = arith.addi %mul3A_258, %add3A_579 : i32
        %get3A_581 = arith.index_cast %sub3A_132 : i32 to index
        %get3A_582 = arith.index_cast %add3A_580 : i32 to index
        %get3A_583 = arith.constant 48 : index
        %get3A_584 = tpu.vector_load %arg9[%get3A_581, %get3A_582, %get3A_583] {strides = array<i32>} : memref<6x100x128xf32, #tpu.memory_space<vmem>>, vector<1x1x16xf32>,
        %get3A_585 = vector.shape_cast %get3A_584 : vector<1x1x16xf32> to vector<16xf32>
        %add3A_586 = arith.addf %add3A_522, %get3A_585 : vector<16xf32>
        %add3A_587 = arith.constant 5 : i32
        %add3A_588 = arith.addi %mul3A_258, %add3A_587 : i32
        %get3A_589 = arith.index_cast %sub3A_132 : i32 to index
        %get3A_590 = arith.index_cast %add3A_588 : i32 to index
        %get3A_591 = arith.constant 64 : index
        %get3A_592 = tpu.vector_load %arg9[%get3A_589, %get3A_590, %get3A_591] {strides = array<i32>} : memref<6x100x128xf32, #tpu.memory_space<vmem>>, vector<1x1x16xf32>,
        %get3A_593 = vector.shape_cast %get3A_592 : vector<1x1x16xf32> to vector<16xf32>
        %add3A_594 = arith.addf %add3A_530, %get3A_593 : vector<16xf32>
        %add3A_595 = arith.constant 5 : i32
        %add3A_596 = arith.addi %mul3A_258, %add3A_595 : i32
        %get3A_597 = arith.index_cast %sub3A_132 : i32 to index
        %get3A_598 = arith.index_cast %add3A_596 : i32 to index
        %get3A_599 = arith.constant 80 : index
        %get3A_600 = tpu.vector_load %arg9[%get3A_597, %get3A_598, %get3A_599] {strides = array<i32>} : memref<6x100x128xf32, #tpu.memory_space<vmem>>, vector<1x1x16xf32>,
        %get3A_601 = vector.shape_cast %get3A_600 : vector<1x1x16xf32> to vector<16xf32>
        %add3A_602 = arith.addf %add3A_538, %get3A_601 : vector<16xf32>
        %add3A_603 = arith.constant 5 : i32
        %add3A_604 = arith.addi %mul3A_258, %add3A_603 : i32
        %get3A_605 = arith.index_cast %sub3A_132 : i32 to index
        %get3A_606 = arith.index_cast %add3A_604 : i32 to index
        %get3A_607 = arith.constant 96 : index
        %get3A_608 = tpu.vector_load %arg9[%get3A_605, %get3A_606, %get3A_607] {strides = array<i32>} : memref<6x100x128xf32, #tpu.memory_space<vmem>>, vector<1x1x16xf32>,
        %get3A_609 = vector.shape_cast %get3A_608 : vector<1x1x16xf32> to vector<16xf32>
        %add3A_610 = arith.addf %add3A_546, %get3A_609 : vector<16xf32>
        %add3A_611 = arith.constant 5 : i32
        %add3A_612 = arith.addi %mul3A_258, %add3A_611 : i32
        %get3A_613 = arith.index_cast %sub3A_132 : i32 to index
        %get3A_614 = arith.index_cast %add3A_612 : i32 to index
        %get3A_615 = arith.constant 112 : index
        %get3A_616 = tpu.vector_load %arg9[%get3A_613, %get3A_614, %get3A_615] {strides = array<i32>} : memref<6x100x128xf32, #tpu.memory_space<vmem>>, vector<1x1x16xf32>,
        %get3A_617 = vector.shape_cast %get3A_616 : vector<1x1x16xf32> to vector<16xf32>
        %add3A_618 = arith.addf %add3A_554, %get3A_617 : vector<16xf32>
        %add3A_619 = arith.constant 6 : i32
        %add3A_620 = arith.addi %mul3A_258, %add3A_619 : i32
        %get3A_621 = arith.index_cast %sub3A_132 : i32 to index
        %get3A_622 = arith.index_cast %add3A_620 : i32 to index
        %get3A_623 = arith.constant 0 : index
        %get3A_624 = tpu.vector_load %arg9[%get3A_621, %get3A_622, %get3A_623] {strides = array<i32>} : memref<6x100x128xf32, #tpu.memory_space<vmem>>, vector<1x1x16xf32>,
        %get3A_625 = vector.shape_cast %get3A_624 : vector<1x1x16xf32> to vector<16xf32>
        %add3A_626 = arith.addf %add3A_562, %get3A_625 : vector<16xf32>
        %add3A_627 = arith.constant 6 : i32
        %add3A_628 = arith.addi %mul3A_258, %add3A_627 : i32
        %get3A_629 = arith.index_cast %sub3A_132 : i32 to index
        %get3A_630 = arith.index_cast %add3A_628 : i32 to index
        %get3A_631 = arith.constant 16 : index
        %get3A_632 = tpu.vector_load %arg9[%get3A_629, %get3A_630, %get3A_631] {strides = array<i32>} : memref<6x100x128xf32, #tpu.memory_space<vmem>>, vector<1x1x16xf32>,
        %get3A_633 = vector.shape_cast %get3A_632 : vector<1x1x16xf32> to vector<16xf32>
        %add3A_634 = arith.addf %add3A_570, %get3A_633 : vector<16xf32>
        %add3A_635 = arith.constant 6 : i32
        %add3A_636 = arith.addi %mul3A_258, %add3A_635 : i32
        %get3A_637 = arith.index_cast %sub3A_132 : i32 to index
        %get3A_638 = arith.index_cast %add3A_636 : i32 to index
        %get3A_639 = arith.constant 32 : index
        %get3A_640 = tpu.vector_load %arg9[%get3A_637, %get3A_638, %get3A_639] {strides = array<i32>} : memref<6x100x128xf32, #tpu.memory_space<vmem>>, vector<1x1x16xf32>,
        %get3A_641 = vector.shape_cast %get3A_640 : vector<1x1x16xf32> to vector<16xf32>
        %add3A_642 = arith.addf %add3A_578, %get3A_641 : vector<16xf32>
        %add3A_643 = arith.constant 6 : i32
        %add3A_644 = arith.addi %mul3A_258, %add3A_643 : i32
        %get3A_645 = arith.index_cast %sub3A_132 : i32 to index
        %get3A_646 = arith.index_cast %add3A_644 : i32 to index
        %get3A_647 = arith.constant 48 : index
        %get3A_648 = tpu.vector_load %arg9[%get3A_645, %get3A_646, %get3A_647] {strides = array<i32>} : memref<6x100x128xf32, #tpu.memory_space<vmem>>, vector<1x1x16xf32>,
        %get3A_649 = vector.shape_cast %get3A_648 : vector<1x1x16xf32> to vector<16xf32>
        %add3A_650 = arith.addf %add3A_586, %get3A_649 : vector<16xf32>
        %add3A_651 = arith.constant 6 : i32
        %add3A_652 = arith.addi %mul3A_258, %add3A_651 : i32
        %get3A_653 = arith.index_cast %sub3A_132 : i32 to index
        %get3A_654 = arith.index_cast %add3A_652 : i32 to index
        %get3A_655 = arith.constant 64 : index
        %get3A_656 = tpu.vector_load %arg9[%get3A_653, %get3A_654, %get3A_655] {strides = array<i32>} : memref<6x100x128xf32, #tpu.memory_space<vmem>>, vector<1x1x16xf32>,
        %get3A_657 = vector.shape_cast %get3A_656 : vector<1x1x16xf32> to vector<16xf32>
        %add3A_658 = arith.addf %add3A_594, %get3A_657 : vector<16xf32>
        %add3A_659 = arith.constant 6 : i32
        %add3A_660 = arith.addi %mul3A_258, %add3A_659 : i32
        %get3A_661 = arith.index_cast %sub3A_132 : i32 to index
        %get3A_662 = arith.index_cast %add3A_660 : i32 to index
        %get3A_663 = arith.constant 80 : index
        %get3A_664 = tpu.vector_load %arg9[%get3A_661, %get3A_662, %get3A_663] {strides = array<i32>} : memref<6x100x128xf32, #tpu.memory_space<vmem>>, vector<1x1x16xf32>,
        %get3A_665 = vector.shape_cast %get3A_664 : vector<1x1x16xf32> to vector<16xf32>
        %add3A_666 = arith.addf %add3A_602, %get3A_665 : vector<16xf32>
        %add3A_667 = arith.constant 6 : i32
        %add3A_668 = arith.addi %mul3A_258, %add3A_667 : i32
        %get3A_669 = arith.index_cast %sub3A_132 : i32 to index
        %get3A_670 = arith.index_cast %add3A_668 : i32 to index
        %get3A_671 = arith.constant 96 : index
        %get3A_672 = tpu.vector_load %arg9[%get3A_669, %get3A_670, %get3A_671] {strides = array<i32>} : memref<6x100x128xf32, #tpu.memory_space<vmem>>, vector<1x1x16xf32>,
        %get3A_673 = vector.shape_cast %get3A_672 : vector<1x1x16xf32> to vector<16xf32>
        %add3A_674 = arith.addf %add3A_610, %get3A_673 : vector<16xf32>
        %add3A_675 = arith.constant 6 : i32
        %add3A_676 = arith.addi %mul3A_258, %add3A_675 : i32
        %get3A_677 = arith.index_cast %sub3A_132 : i32 to index
        %get3A_678 = arith.index_cast %add3A_676 : i32 to index
        %get3A_679 = arith.constant 112 : index
        %get3A_680 = tpu.vector_load %arg9[%get3A_677, %get3A_678, %get3A_679] {strides = array<i32>} : memref<6x100x128xf32, #tpu.memory_space<vmem>>, vector<1x1x16xf32>,
        %get3A_681 = vector.shape_cast %get3A_680 : vector<1x1x16xf32> to vector<16xf32>
        %add3A_682 = arith.addf %add3A_618, %get3A_681 : vector<16xf32>
        %add3A_683 = arith.constant 7 : i32
        %add3A_684 = arith.addi %mul3A_258, %add3A_683 : i32
        %get3A_685 = arith.index_cast %sub3A_132 : i32 to index
        %get3A_686 = arith.index_cast %add3A_684 : i32 to index
        %get3A_687 = arith.constant 0 : index
        %get3A_688 = tpu.vector_load %arg9[%get3A_685, %get3A_686, %get3A_687] {strides = array<i32>} : memref<6x100x128xf32, #tpu.memory_space<vmem>>, vector<1x1x16xf32>,
        %get3A_689 = vector.shape_cast %get3A_688 : vector<1x1x16xf32> to vector<16xf32>
        %add3A_690 = arith.addf %add3A_626, %get3A_689 : vector<16xf32>
        %add3A_691 = arith.constant 7 : i32
        %add3A_692 = arith.addi %mul3A_258, %add3A_691 : i32
        %get3A_693 = arith.index_cast %sub3A_132 : i32 to index
        %get3A_694 = arith.index_cast %add3A_692 : i32 to index
        %get3A_695 = arith.constant 16 : index
        %get3A_696 = tpu.vector_load %arg9[%get3A_693, %get3A_694, %get3A_695] {strides = array<i32>} : memref<6x100x128xf32, #tpu.memory_space<vmem>>, vector<1x1x16xf32>,
        %get3A_697 = vector.shape_cast %get3A_696 : vector<1x1x16xf32> to vector<16xf32>
        %add3A_698 = arith.addf %add3A_634, %get3A_697 : vector<16xf32>
        %add3A_699 = arith.constant 7 : i32
        %add3A_700 = arith.addi %mul3A_258, %add3A_699 : i32
        %get3A_701 = arith.index_cast %sub3A_132 : i32 to index
        %get3A_702 = arith.index_cast %add3A_700 : i32 to index
        %get3A_703 = arith.constant 32 : index
        %get3A_704 = tpu.vector_load %arg9[%get3A_701, %get3A_702, %get3A_703] {strides = array<i32>} : memref<6x100x128xf32, #tpu.memory_space<vmem>>, vector<1x1x16xf32>,
        %get3A_705 = vector.shape_cast %get3A_704 : vector<1x1x16xf32> to vector<16xf32>
        %add3A_706 = arith.addf %add3A_642, %get3A_705 : vector<16xf32>
        %add3A_707 = arith.constant 7 : i32
        %add3A_708 = arith.addi %mul3A_258, %add3A_707 : i32
        %get3A_709 = arith.index_cast %sub3A_132 : i32 to index
        %get3A_710 = arith.index_cast %add3A_708 : i32 to index
        %get3A_711 = arith.constant 48 : index
        %get3A_712 = tpu.vector_load %arg9[%get3A_709, %get3A_710, %get3A_711] {strides = array<i32>} : memref<6x100x128xf32, #tpu.memory_space<vmem>>, vector<1x1x16xf32>,
        %get3A_713 = vector.shape_cast %get3A_712 : vector<1x1x16xf32> to vector<16xf32>
        %add3A_714 = arith.addf %add3A_650, %get3A_713 : vector<16xf32>
        %add3A_715 = arith.constant 7 : i32
        %add3A_716 = arith.addi %mul3A_258, %add3A_715 : i32
        %get3A_717 = arith.index_cast %sub3A_132 : i32 to index
        %get3A_718 = arith.index_cast %add3A_716 : i32 to index
        %get3A_719 = arith.constant 64 : index
        %get3A_720 = tpu.vector_load %arg9[%get3A_717, %get3A_718, %get3A_719] {strides = array<i32>} : memref<6x100x128xf32, #tpu.memory_space<vmem>>, vector<1x1x16xf32>,
        %get3A_721 = vector.shape_cast %get3A_720 : vector<1x1x16xf32> to vector<16xf32>
        %add3A_722 = arith.addf %add3A_658, %get3A_721 : vector<16xf32>
        %add3A_723 = arith.constant 7 : i32
        %add3A_724 = arith.addi %mul3A_258, %add3A_723 : i32
        %get3A_725 = arith.index_cast %sub3A_132 : i32 to index
        %get3A_726 = arith.index_cast %add3A_724 : i32 to index
        %get3A_727 = arith.constant 80 : index
        %get3A_728 = tpu.vector_load %arg9[%get3A_725, %get3A_726, %get3A_727] {strides = array<i32>} : memref<6x100x128xf32, #tpu.memory_space<vmem>>, vector<1x1x16xf32>,
        %get3A_729 = vector.shape_cast %get3A_728 : vector<1x1x16xf32> to vector<16xf32>
        %add3A_730 = arith.addf %add3A_666, %get3A_729 : vector<16xf32>
        %add3A_731 = arith.constant 7 : i32
        %add3A_732 = arith.addi %mul3A_258, %add3A_731 : i32
        %get3A_733 = arith.index_cast %sub3A_132 : i32 to index
        %get3A_734 = arith.index_cast %add3A_732 : i32 to index
        %get3A_735 = arith.constant 96 : index
        %get3A_736 = tpu.vector_load %arg9[%get3A_733, %get3A_734, %get3A_735] {strides = array<i32>} : memref<6x100x128xf32, #tpu.memory_space<vmem>>, vector<1x1x16xf32>,
        %get3A_737 = vector.shape_cast %get3A_736 : vector<1x1x16xf32> to vector<16xf32>
        %add3A_738 = arith.addf %add3A_674, %get3A_737 : vector<16xf32>
        %add3A_739 = arith.constant 7 : i32
        %add3A_740 = arith.addi %mul3A_258, %add3A_739 : i32
        %get3A_741 = arith.index_cast %sub3A_132 : i32 to index
        %get3A_742 = arith.index_cast %add3A_740 : i32 to index
        %get3A_743 = arith.constant 112 : index
        %get3A_744 = tpu.vector_load %arg9[%get3A_741, %get3A_742, %get3A_743] {strides = array<i32>} : memref<6x100x128xf32, #tpu.memory_space<vmem>>, vector<1x1x16xf32>,
        %get3A_745 = vector.shape_cast %get3A_744 : vector<1x1x16xf32> to vector<16xf32>
        %add3A_746 = arith.addf %add3A_682, %get3A_745 : vector<16xf32>
        %add3A_747 = arith.constant 8 : i32
        %add3A_748 = arith.addi %mul3A_258, %add3A_747 : i32
        %get3A_749 = arith.index_cast %sub3A_132 : i32 to index
        %get3A_750 = arith.index_cast %add3A_748 : i32 to index
        %get3A_751 = arith.constant 0 : index
        %get3A_752 = tpu.vector_load %arg9[%get3A_749, %get3A_750, %get3A_751] {strides = array<i32>} : memref<6x100x128xf32, #tpu.memory_space<vmem>>, vector<1x1x16xf32>,
        %get3A_753 = vector.shape_cast %get3A_752 : vector<1x1x16xf32> to vector<16xf32>
        %add3A_754 = arith.addf %add3A_690, %get3A_753 : vector<16xf32>
        %add3A_755 = arith.constant 8 : i32
        %add3A_756 = arith.addi %mul3A_258, %add3A_755 : i32
        %get3A_757 = arith.index_cast %sub3A_132 : i32 to index
        %get3A_758 = arith.index_cast %add3A_756 : i32 to index
        %get3A_759 = arith.constant 16 : index
        %get3A_760 = tpu.vector_load %arg9[%get3A_757, %get3A_758, %get3A_759] {strides = array<i32>} : memref<6x100x128xf32, #tpu.memory_space<vmem>>, vector<1x1x16xf32>,
        %get3A_761 = vector.shape_cast %get3A_760 : vector<1x1x16xf32> to vector<16xf32>
        %add3A_762 = arith.addf %add3A_698, %get3A_761 : vector<16xf32>
        %add3A_763 = arith.constant 8 : i32
        %add3A_764 = arith.addi %mul3A_258, %add3A_763 : i32
        %get3A_765 = arith.index_cast %sub3A_132 : i32 to index
        %get3A_766 = arith.index_cast %add3A_764 : i32 to index
        %get3A_767 = arith.constant 32 : index
        %get3A_768 = tpu.vector_load %arg9[%get3A_765, %get3A_766, %get3A_767] {strides = array<i32>} : memref<6x100x128xf32, #tpu.memory_space<vmem>>, vector<1x1x16xf32>,
        %get3A_769 = vector.shape_cast %get3A_768 : vector<1x1x16xf32> to vector<16xf32>
        %add3A_770 = arith.addf %add3A_706, %get3A_769 : vector<16xf32>
        %add3A_771 = arith.constant 8 : i32
        %add3A_772 = arith.addi %mul3A_258, %add3A_771 : i32
        %get3A_773 = arith.index_cast %sub3A_132 : i32 to index
        %get3A_774 = arith.index_cast %add3A_772 : i32 to index
        %get3A_775 = arith.constant 48 : index
        %get3A_776 = tpu.vector_load %arg9[%get3A_773, %get3A_774, %get3A_775] {strides = array<i32>} : memref<6x100x128xf32, #tpu.memory_space<vmem>>, vector<1x1x16xf32>,
        %get3A_777 = vector.shape_cast %get3A_776 : vector<1x1x16xf32> to vector<16xf32>
        %add3A_778 = arith.addf %add3A_714, %get3A_777 : vector<16xf32>
        %add3A_779 = arith.constant 8 : i32
        %add3A_780 = arith.addi %mul3A_258, %add3A_779 : i32
        %get3A_781 = arith.index_cast %sub3A_132 : i32 to index
        %get3A_782 = arith.index_cast %add3A_780 : i32 to index
        %get3A_783 = arith.constant 64 : index
        %get3A_784 = tpu.vector_load %arg9[%get3A_781, %get3A_782, %get3A_783] {strides = array<i32>} : memref<6x100x128xf32, #tpu.memory_space<vmem>>, vector<1x1x16xf32>,
        %get3A_785 = vector.shape_cast %get3A_784 : vector<1x1x16xf32> to vector<16xf32>
        %add3A_786 = arith.addf %add3A_722, %get3A_785 : vector<16xf32>
        %add3A_787 = arith.constant 8 : i32
        %add3A_788 = arith.addi %mul3A_258, %add3A_787 : i32
        %get3A_789 = arith.index_cast %sub3A_132 : i32 to index
        %get3A_790 = arith.index_cast %add3A_788 : i32 to index
        %get3A_791 = arith.constant 80 : index
        %get3A_792 = tpu.vector_load %arg9[%get3A_789, %get3A_790, %get3A_791] {strides = array<i32>} : memref<6x100x128xf32, #tpu.memory_space<vmem>>, vector<1x1x16xf32>,
        %get3A_793 = vector.shape_cast %get3A_792 : vector<1x1x16xf32> to vector<16xf32>
        %add3A_794 = arith.addf %add3A_730, %get3A_793 : vector<16xf32>
        %add3A_795 = arith.constant 8 : i32
        %add3A_796 = arith.addi %mul3A_258, %add3A_795 : i32
        %get3A_797 = arith.index_cast %sub3A_132 : i32 to index
        %get3A_798 = arith.index_cast %add3A_796 : i32 to index
        %get3A_799 = arith.constant 96 : index
        %get3A_800 = tpu.vector_load %arg9[%get3A_797, %get3A_798, %get3A_799] {strides = array<i32>} : memref<6x100x128xf32, #tpu.memory_space<vmem>>, vector<1x1x16xf32>,
        %get3A_801 = vector.shape_cast %get3A_800 : vector<1x1x16xf32> to vector<16xf32>
        %add3A_802 = arith.addf %add3A_738, %get3A_801 : vector<16xf32>
        %add3A_803 = arith.constant 8 : i32
        %add3A_804 = arith.addi %mul3A_258, %add3A_803 : i32
        %get3A_805 = arith.index_cast %sub3A_132 : i32 to index
        %get3A_806 = arith.index_cast %add3A_804 : i32 to index
        %get3A_807 = arith.constant 112 : index
        %get3A_808 = tpu.vector_load %arg9[%get3A_805, %get3A_806, %get3A_807] {strides = array<i32>} : memref<6x100x128xf32, #tpu.memory_space<vmem>>, vector<1x1x16xf32>,
        %get3A_809 = vector.shape_cast %get3A_808 : vector<1x1x16xf32> to vector<16xf32>
        %add3A_810 = arith.addf %add3A_746, %get3A_809 : vector<16xf32>
        %add3A_811 = arith.constant 9 : i32
        %add3A_812 = arith.addi %mul3A_258, %add3A_811 : i32
        %get3A_813 = arith.index_cast %sub3A_132 : i32 to index
        %get3A_814 = arith.index_cast %add3A_812 : i32 to index
        %get3A_815 = arith.constant 0 : index
        %get3A_816 = tpu.vector_load %arg9[%get3A_813, %get3A_814, %get3A_815] {strides = array<i32>} : memref<6x100x128xf32, #tpu.memory_space<vmem>>, vector<1x1x16xf32>,
        %get3A_817 = vector.shape_cast %get3A_816 : vector<1x1x16xf32> to vector<16xf32>
        %add3A_818 = arith.addf %add3A_754, %get3A_817 : vector<16xf32>
        %add3A_819 = arith.constant 9 : i32
        %add3A_820 = arith.addi %mul3A_258, %add3A_819 : i32
        %get3A_821 = arith.index_cast %sub3A_132 : i32 to index
        %get3A_822 = arith.index_cast %add3A_820 : i32 to index
        %get3A_823 = arith.constant 16 : index
        %get3A_824 = tpu.vector_load %arg9[%get3A_821, %get3A_822, %get3A_823] {strides = array<i32>} : memref<6x100x128xf32, #tpu.memory_space<vmem>>, vector<1x1x16xf32>,
        %get3A_825 = vector.shape_cast %get3A_824 : vector<1x1x16xf32> to vector<16xf32>
        %add3A_826 = arith.addf %add3A_762, %get3A_825 : vector<16xf32>
        %add3A_827 = arith.constant 9 : i32
        %add3A_828 = arith.addi %mul3A_258, %add3A_827 : i32
        %get3A_829 = arith.index_cast %sub3A_132 : i32 to index
        %get3A_830 = arith.index_cast %add3A_828 : i32 to index
        %get3A_831 = arith.constant 32 : index
        %get3A_832 = tpu.vector_load %arg9[%get3A_829, %get3A_830, %get3A_831] {strides = array<i32>} : memref<6x100x128xf32, #tpu.memory_space<vmem>>, vector<1x1x16xf32>,
        %get3A_833 = vector.shape_cast %get3A_832 : vector<1x1x16xf32> to vector<16xf32>
        %add3A_834 = arith.addf %add3A_770, %get3A_833 : vector<16xf32>
        %add3A_835 = arith.constant 9 : i32
        %add3A_836 = arith.addi %mul3A_258, %add3A_835 : i32
        %get3A_837 = arith.index_cast %sub3A_132 : i32 to index
        %get3A_838 = arith.index_cast %add3A_836 : i32 to index
        %get3A_839 = arith.constant 48 : index
        %get3A_840 = tpu.vector_load %arg9[%get3A_837, %get3A_838, %get3A_839] {strides = array<i32>} : memref<6x100x128xf32, #tpu.memory_space<vmem>>, vector<1x1x16xf32>,
        %get3A_841 = vector.shape_cast %get3A_840 : vector<1x1x16xf32> to vector<16xf32>
        %add3A_842 = arith.addf %add3A_778, %get3A_841 : vector<16xf32>
        %add3A_843 = arith.constant 9 : i32
        %add3A_844 = arith.addi %mul3A_258, %add3A_843 : i32
        %get3A_845 = arith.index_cast %sub3A_132 : i32 to index
        %get3A_846 = arith.index_cast %add3A_844 : i32 to index
        %get3A_847 = arith.constant 64 : index
        %get3A_848 = tpu.vector_load %arg9[%get3A_845, %get3A_846, %get3A_847] {strides = array<i32>} : memref<6x100x128xf32, #tpu.memory_space<vmem>>, vector<1x1x16xf32>,
        %get3A_849 = vector.shape_cast %get3A_848 : vector<1x1x16xf32> to vector<16xf32>
        %add3A_850 = arith.addf %add3A_786, %get3A_849 : vector<16xf32>
        %add3A_851 = arith.constant 9 : i32
        %add3A_852 = arith.addi %mul3A_258, %add3A_851 : i32
        %get3A_853 = arith.index_cast %sub3A_132 : i32 to index
        %get3A_854 = arith.index_cast %add3A_852 : i32 to index
        %get3A_855 = arith.constant 80 : index
        %get3A_856 = tpu.vector_load %arg9[%get3A_853, %get3A_854, %get3A_855] {strides = array<i32>} : memref<6x100x128xf32, #tpu.memory_space<vmem>>, vector<1x1x16xf32>,
        %get3A_857 = vector.shape_cast %get3A_856 : vector<1x1x16xf32> to vector<16xf32>
        %add3A_858 = arith.addf %add3A_794, %get3A_857 : vector<16xf32>
        %add3A_859 = arith.constant 9 : i32
        %add3A_860 = arith.addi %mul3A_258, %add3A_859 : i32
        %get3A_861 = arith.index_cast %sub3A_132 : i32 to index
        %get3A_862 = arith.index_cast %add3A_860 : i32 to index
        %get3A_863 = arith.constant 96 : index
        %get3A_864 = tpu.vector_load %arg9[%get3A_861, %get3A_862, %get3A_863] {strides = array<i32>} : memref<6x100x128xf32, #tpu.memory_space<vmem>>, vector<1x1x16xf32>,
        %get3A_865 = vector.shape_cast %get3A_864 : vector<1x1x16xf32> to vector<16xf32>
        %add3A_866 = arith.addf %add3A_802, %get3A_865 : vector<16xf32>
        %add3A_867 = arith.constant 9 : i32
        %add3A_868 = arith.addi %mul3A_258, %add3A_867 : i32
        %get3A_869 = arith.index_cast %sub3A_132 : i32 to index
        %get3A_870 = arith.index_cast %add3A_868 : i32 to index
        %get3A_871 = arith.constant 112 : index
        %get3A_872 = tpu.vector_load %arg9[%get3A_869, %get3A_870, %get3A_871] {strides = array<i32>} : memref<6x100x128xf32, #tpu.memory_space<vmem>>, vector<1x1x16xf32>,
        %get3A_873 = vector.shape_cast %get3A_872 : vector<1x1x16xf32> to vector<16xf32>
        %add3A_874 = arith.addf %add3A_810, %get3A_873 : vector<16xf32>
        %add3A_875 = arith.constant 10 : i32
        %add3A_876 = arith.addi %mul3A_258, %add3A_875 : i32
        %get3A_877 = arith.index_cast %sub3A_132 : i32 to index
        %get3A_878 = arith.index_cast %add3A_876 : i32 to index
        %get3A_879 = arith.constant 0 : index
        %get3A_880 = tpu.vector_load %arg9[%get3A_877, %get3A_878, %get3A_879] {strides = array<i32>} : memref<6x100x128xf32, #tpu.memory_space<vmem>>, vector<1x1x16xf32>,
        %get3A_881 = vector.shape_cast %get3A_880 : vector<1x1x16xf32> to vector<16xf32>
        %add3A_882 = arith.addf %add3A_818, %get3A_881 : vector<16xf32>
        %add3A_883 = arith.constant 10 : i32
        %add3A_884 = arith.addi %mul3A_258, %add3A_883 : i32
        %get3A_885 = arith.index_cast %sub3A_132 : i32 to index
        %get3A_886 = arith.index_cast %add3A_884 : i32 to index
        %get3A_887 = arith.constant 16 : index
        %get3A_888 = tpu.vector_load %arg9[%get3A_885, %get3A_886, %get3A_887] {strides = array<i32>} : memref<6x100x128xf32, #tpu.memory_space<vmem>>, vector<1x1x16xf32>,
        %get3A_889 = vector.shape_cast %get3A_888 : vector<1x1x16xf32> to vector<16xf32>
        %add3A_890 = arith.addf %add3A_826, %get3A_889 : vector<16xf32>
        %add3A_891 = arith.constant 10 : i32
        %add3A_892 = arith.addi %mul3A_258, %add3A_891 : i32
        %get3A_893 = arith.index_cast %sub3A_132 : i32 to index
        %get3A_894 = arith.index_cast %add3A_892 : i32 to index
        %get3A_895 = arith.constant 32 : index
        %get3A_896 = tpu.vector_load %arg9[%get3A_893, %get3A_894, %get3A_895] {strides = array<i32>} : memref<6x100x128xf32, #tpu.memory_space<vmem>>, vector<1x1x16xf32>,
        %get3A_897 = vector.shape_cast %get3A_896 : vector<1x1x16xf32> to vector<16xf32>
        %add3A_898 = arith.addf %add3A_834, %get3A_897 : vector<16xf32>
        %add3A_899 = arith.constant 10 : i32
        %add3A_900 = arith.addi %mul3A_258, %add3A_899 : i32
        %get3A_901 = arith.index_cast %sub3A_132 : i32 to index
        %get3A_902 = arith.index_cast %add3A_900 : i32 to index
        %get3A_903 = arith.constant 48 : index
        %get3A_904 = tpu.vector_load %arg9[%get3A_901, %get3A_902, %get3A_903] {strides = array<i32>} : memref<6x100x128xf32, #tpu.memory_space<vmem>>, vector<1x1x16xf32>,
        %get3A_905 = vector.shape_cast %get3A_904 : vector<1x1x16xf32> to vector<16xf32>
        %add3A_906 = arith.addf %add3A_842, %get3A_905 : vector<16xf32>
        %add3A_907 = arith.constant 10 : i32
        %add3A_908 = arith.addi %mul3A_258, %add3A_907 : i32
        %get3A_909 = arith.index_cast %sub3A_132 : i32 to index
        %get3A_910 = arith.index_cast %add3A_908 : i32 to index
        %get3A_911 = arith.constant 64 : index
        %get3A_912 = tpu.vector_load %arg9[%get3A_909, %get3A_910, %get3A_911] {strides = array<i32>} : memref<6x100x128xf32, #tpu.memory_space<vmem>>, vector<1x1x16xf32>,
        %get3A_913 = vector.shape_cast %get3A_912 : vector<1x1x16xf32> to vector<16xf32>
        %add3A_914 = arith.addf %add3A_850, %get3A_913 : vector<16xf32>
        %add3A_915 = arith.constant 10 : i32
        %add3A_916 = arith.addi %mul3A_258, %add3A_915 : i32
        %get3A_917 = arith.index_cast %sub3A_132 : i32 to index
        %get3A_918 = arith.index_cast %add3A_916 : i32 to index
        %get3A_919 = arith.constant 80 : index
        %get3A_920 = tpu.vector_load %arg9[%get3A_917, %get3A_918, %get3A_919] {strides = array<i32>} : memref<6x100x128xf32, #tpu.memory_space<vmem>>, vector<1x1x16xf32>,
        %get3A_921 = vector.shape_cast %get3A_920 : vector<1x1x16xf32> to vector<16xf32>
        %add3A_922 = arith.addf %add3A_858, %get3A_921 : vector<16xf32>
        %add3A_923 = arith.constant 10 : i32
        %add3A_924 = arith.addi %mul3A_258, %add3A_923 : i32
        %get3A_925 = arith.index_cast %sub3A_132 : i32 to index
        %get3A_926 = arith.index_cast %add3A_924 : i32 to index
        %get3A_927 = arith.constant 96 : index
        %get3A_928 = tpu.vector_load %arg9[%get3A_925, %get3A_926, %get3A_927] {strides = array<i32>} : memref<6x100x128xf32, #tpu.memory_space<vmem>>, vector<1x1x16xf32>,
        %get3A_929 = vector.shape_cast %get3A_928 : vector<1x1x16xf32> to vector<16xf32>
        %add3A_930 = arith.addf %add3A_866, %get3A_929 : vector<16xf32>
        %add3A_931 = arith.constant 10 : i32
        %add3A_932 = arith.addi %mul3A_258, %add3A_931 : i32
        %get3A_933 = arith.index_cast %sub3A_132 : i32 to index
        %get3A_934 = arith.index_cast %add3A_932 : i32 to index
        %get3A_935 = arith.constant 112 : index
        %get3A_936 = tpu.vector_load %arg9[%get3A_933, %get3A_934, %get3A_935] {strides = array<i32>} : memref<6x100x128xf32, #tpu.memory_space<vmem>>, vector<1x1x16xf32>,
        %get3A_937 = vector.shape_cast %get3A_936 : vector<1x1x16xf32> to vector<16xf32>
        %add3A_938 = arith.addf %add3A_874, %get3A_937 : vector<16xf32>
        %add3A_939 = arith.constant 11 : i32
        %add3A_940 = arith.addi %mul3A_258, %add3A_939 : i32
        %get3A_941 = arith.index_cast %sub3A_132 : i32 to index
        %get3A_942 = arith.index_cast %add3A_940 : i32 to index
        %get3A_943 = arith.constant 0 : index
        %get3A_944 = tpu.vector_load %arg9[%get3A_941, %get3A_942, %get3A_943] {strides = array<i32>} : memref<6x100x128xf32, #tpu.memory_space<vmem>>, vector<1x1x16xf32>,
        %get3A_945 = vector.shape_cast %get3A_944 : vector<1x1x16xf32> to vector<16xf32>
        %add3A_946 = arith.addf %add3A_882, %get3A_945 : vector<16xf32>
        %add3A_947 = arith.constant 11 : i32
        %add3A_948 = arith.addi %mul3A_258, %add3A_947 : i32
        %get3A_949 = arith.index_cast %sub3A_132 : i32 to index
        %get3A_950 = arith.index_cast %add3A_948 : i32 to index
        %get3A_951 = arith.constant 16 : index
        %get3A_952 = tpu.vector_load %arg9[%get3A_949, %get3A_950, %get3A_951] {strides = array<i32>} : memref<6x100x128xf32, #tpu.memory_space<vmem>>, vector<1x1x16xf32>,
        %get3A_953 = vector.shape_cast %get3A_952 : vector<1x1x16xf32> to vector<16xf32>
        %add3A_954 = arith.addf %add3A_890, %get3A_953 : vector<16xf32>
        %add3A_955 = arith.constant 11 : i32
        %add3A_956 = arith.addi %mul3A_258, %add3A_955 : i32
        %get3A_957 = arith.index_cast %sub3A_132 : i32 to index
        %get3A_958 = arith.index_cast %add3A_956 : i32 to index
        %get3A_959 = arith.constant 32 : index
        %get3A_960 = tpu.vector_load %arg9[%get3A_957, %get3A_958, %get3A_959] {strides = array<i32>} : memref<6x100x128xf32, #tpu.memory_space<vmem>>, vector<1x1x16xf32>,
        %get3A_961 = vector.shape_cast %get3A_960 : vector<1x1x16xf32> to vector<16xf32>
        %add3A_962 = arith.addf %add3A_898, %get3A_961 : vector<16xf32>
        %add3A_963 = arith.constant 11 : i32
        %add3A_964 = arith.addi %mul3A_258, %add3A_963 : i32
        %get3A_965 = arith.index_cast %sub3A_132 : i32 to index
        %get3A_966 = arith.index_cast %add3A_964 : i32 to index
        %get3A_967 = arith.constant 48 : index
        %get3A_968 = tpu.vector_load %arg9[%get3A_965, %get3A_966, %get3A_967] {strides = array<i32>} : memref<6x100x128xf32, #tpu.memory_space<vmem>>, vector<1x1x16xf32>,
        %get3A_969 = vector.shape_cast %get3A_968 : vector<1x1x16xf32> to vector<16xf32>
        %add3A_970 = arith.addf %add3A_906, %get3A_969 : vector<16xf32>
        %add3A_971 = arith.constant 11 : i32
        %add3A_972 = arith.addi %mul3A_258, %add3A_971 : i32
        %get3A_973 = arith.index_cast %sub3A_132 : i32 to index
        %get3A_974 = arith.index_cast %add3A_972 : i32 to index
        %get3A_975 = arith.constant 64 : index
        %get3A_976 = tpu.vector_load %arg9[%get3A_973, %get3A_974, %get3A_975] {strides = array<i32>} : memref<6x100x128xf32, #tpu.memory_space<vmem>>, vector<1x1x16xf32>,
        %get3A_977 = vector.shape_cast %get3A_976 : vector<1x1x16xf32> to vector<16xf32>
        %add3A_978 = arith.addf %add3A_914, %get3A_977 : vector<16xf32>
        %add3A_979 = arith.constant 11 : i32
        %add3A_980 = arith.addi %mul3A_258, %add3A_979 : i32
        %get3A_981 = arith.index_cast %sub3A_132 : i32 to index
        %get3A_982 = arith.index_cast %add3A_980 : i32 to index
        %get3A_983 = arith.constant 80 : index
        %get3A_984 = tpu.vector_load %arg9[%get3A_981, %get3A_982, %get3A_983] {strides = array<i32>} : memref<6x100x128xf32, #tpu.memory_space<vmem>>, vector<1x1x16xf32>,
        %get3A_985 = vector.shape_cast %get3A_984 : vector<1x1x16xf32> to vector<16xf32>
        %add3A_986 = arith.addf %add3A_922, %get3A_985 : vector<16xf32>
        %add3A_987 = arith.constant 11 : i32
        %add3A_988 = arith.addi %mul3A_258, %add3A_987 : i32
        %get3A_989 = arith.index_cast %sub3A_132 : i32 to index
        %get3A_990 = arith.index_cast %add3A_988 : i32 to index
        %get3A_991 = arith.constant 96 : index
        %get3A_992 = tpu.vector_load %arg9[%get3A_989, %get3A_990, %get3A_991] {strides = array<i32>} : memref<6x100x128xf32, #tpu.memory_space<vmem>>, vector<1x1x16xf32>,
        %get3A_993 = vector.shape_cast %get3A_992 : vector<1x1x16xf32> to vector<16xf32>
        %add3A_994 = arith.addf %add3A_930, %get3A_993 : vector<16xf32>
        %add3A_995 = arith.constant 11 : i32
        %add3A_996 = arith.addi %mul3A_258, %add3A_995 : i32
        %get3A_997 = arith.index_cast %sub3A_132 : i32 to index
        %get3A_998 = arith.index_cast %add3A_996 : i32 to index
        %get3A_999 = arith.constant 112 : index
        %get3A_1000 = tpu.vector_load %arg9[%get3A_997, %get3A_998, %get3A_999] {strides = array<i32>} : memref<6x100x128xf32, #tpu.memory_space<vmem>>, vector<1x1x16xf32>,
        %get3A_1001 = vector.shape_cast %get3A_1000 : vector<1x1x16xf32> to vector<16xf32>
        %add3A_1002 = arith.addf %add3A_938, %get3A_1001 : vector<16xf32>
        %add3A_1003 = arith.constant 12 : i32
        %add3A_1004 = arith.addi %mul3A_258, %add3A_1003 : i32
        %get3A_1005 = arith.index_cast %sub3A_132 : i32 to index
        %get3A_1006 = arith.index_cast %add3A_1004 : i32 to index
        %get3A_1007 = arith.constant 0 : index
        %get3A_1008 = tpu.vector_load %arg9[%get3A_1005, %get3A_1006, %get3A_1007] {strides = array<i32>} : memref<6x100x128xf32, #tpu.memory_space<vmem>>, vector<1x1x16xf32>,
        %get3A_1009 = vector.shape_cast %get3A_1008 : vector<1x1x16xf32> to vector<16xf32>
        %add3A_1010 = arith.addf %add3A_946, %get3A_1009 : vector<16xf32>
        %add3A_1011 = arith.constant 12 : i32
        %add3A_1012 = arith.addi %mul3A_258, %add3A_1011 : i32
        %get3A_1013 = arith.index_cast %sub3A_132 : i32 to index
        %get3A_1014 = arith.index_cast %add3A_1012 : i32 to index
        %get3A_1015 = arith.constant 16 : index
        %get3A_1016 = tpu.vector_load %arg9[%get3A_1013, %get3A_1014, %get3A_1015] {strides = array<i32>} : memref<6x100x128xf32, #tpu.memory_space<vmem>>, vector<1x1x16xf32>,
        %get3A_1017 = vector.shape_cast %get3A_1016 : vector<1x1x16xf32> to vector<16xf32>
        %add3A_1018 = arith.addf %add3A_954, %get3A_1017 : vector<16xf32>
        %add3A_1019 = arith.constant 12 : i32
        %add3A_1020 = arith.addi %mul3A_258, %add3A_1019 : i32
        %get3A_1021 = arith.index_cast %sub3A_132 : i32 to index
        %get3A_1022 = arith.index_cast %add3A_1020 : i32 to index
        %get3A_1023 = arith.constant 32 : index
        %get3A_1024 = tpu.vector_load %arg9[%get3A_1021, %get3A_1022, %get3A_1023] {strides = array<i32>} : memref<6x100x128xf32, #tpu.memory_space<vmem>>, vector<1x1x16xf32>,
        %get3A_1025 = vector.shape_cast %get3A_1024 : vector<1x1x16xf32> to vector<16xf32>
        %add3A_1026 = arith.addf %add3A_962, %get3A_1025 : vector<16xf32>
        %add3A_1027 = arith.constant 12 : i32
        %add3A_1028 = arith.addi %mul3A_258, %add3A_1027 : i32
        %get3A_1029 = arith.index_cast %sub3A_132 : i32 to index
        %get3A_1030 = arith.index_cast %add3A_1028 : i32 to index
        %get3A_1031 = arith.constant 48 : index
        %get3A_1032 = tpu.vector_load %arg9[%get3A_1029, %get3A_1030, %get3A_1031] {strides = array<i32>} : memref<6x100x128xf32, #tpu.memory_space<vmem>>, vector<1x1x16xf32>,
        %get3A_1033 = vector.shape_cast %get3A_1032 : vector<1x1x16xf32> to vector<16xf32>
        %add3A_1034 = arith.addf %add3A_970, %get3A_1033 : vector<16xf32>
        %add3A_1035 = arith.constant 12 : i32
        %add3A_1036 = arith.addi %mul3A_258, %add3A_1035 : i32
        %get3A_1037 = arith.index_cast %sub3A_132 : i32 to index
        %get3A_1038 = arith.index_cast %add3A_1036 : i32 to index
        %get3A_1039 = arith.constant 64 : index
        %get3A_1040 = tpu.vector_load %arg9[%get3A_1037, %get3A_1038, %get3A_1039] {strides = array<i32>} : memref<6x100x128xf32, #tpu.memory_space<vmem>>, vector<1x1x16xf32>,
        %get3A_1041 = vector.shape_cast %get3A_1040 : vector<1x1x16xf32> to vector<16xf32>
        %add3A_1042 = arith.addf %add3A_978, %get3A_1041 : vector<16xf32>
        %add3A_1043 = arith.constant 12 : i32
        %add3A_1044 = arith.addi %mul3A_258, %add3A_1043 : i32
        %get3A_1045 = arith.index_cast %sub3A_132 : i32 to index
        %get3A_1046 = arith.index_cast %add3A_1044 : i32 to index
        %get3A_1047 = arith.constant 80 : index
        %get3A_1048 = tpu.vector_load %arg9[%get3A_1045, %get3A_1046, %get3A_1047] {strides = array<i32>} : memref<6x100x128xf32, #tpu.memory_space<vmem>>, vector<1x1x16xf32>,
        %get3A_1049 = vector.shape_cast %get3A_1048 : vector<1x1x16xf32> to vector<16xf32>
        %add3A_1050 = arith.addf %add3A_986, %get3A_1049 : vector<16xf32>
        %add3A_1051 = arith.constant 12 : i32
        %add3A_1052 = arith.addi %mul3A_258, %add3A_1051 : i32
        %get3A_1053 = arith.index_cast %sub3A_132 : i32 to index
        %get3A_1054 = arith.index_cast %add3A_1052 : i32 to index
        %get3A_1055 = arith.constant 96 : index
        %get3A_1056 = tpu.vector_load %arg9[%get3A_1053, %get3A_1054, %get3A_1055] {strides = array<i32>} : memref<6x100x128xf32, #tpu.memory_space<vmem>>, vector<1x1x16xf32>,
        %get3A_1057 = vector.shape_cast %get3A_1056 : vector<1x1x16xf32> to vector<16xf32>
        %add3A_1058 = arith.addf %add3A_994, %get3A_1057 : vector<16xf32>
        %add3A_1059 = arith.constant 12 : i32
        %add3A_1060 = arith.addi %mul3A_258, %add3A_1059 : i32
        %get3A_1061 = arith.index_cast %sub3A_132 : i32 to index
        %get3A_1062 = arith.index_cast %add3A_1060 : i32 to index
        %get3A_1063 = arith.constant 112 : index
        %get3A_1064 = tpu.vector_load %arg9[%get3A_1061, %get3A_1062, %get3A_1063] {strides = array<i32>} : memref<6x100x128xf32, #tpu.memory_space<vmem>>, vector<1x1x16xf32>,
        %get3A_1065 = vector.shape_cast %get3A_1064 : vector<1x1x16xf32> to vector<16xf32>
        %add3A_1066 = arith.addf %add3A_1002, %get3A_1065 : vector<16xf32>
        %add3A_1067 = arith.constant 13 : i32
        %add3A_1068 = arith.addi %mul3A_258, %add3A_1067 : i32
        %get3A_1069 = arith.index_cast %sub3A_132 : i32 to index
        %get3A_1070 = arith.index_cast %add3A_1068 : i32 to index
        %get3A_1071 = arith.constant 0 : index
        %get3A_1072 = tpu.vector_load %arg9[%get3A_1069, %get3A_1070, %get3A_1071] {strides = array<i32>} : memref<6x100x128xf32, #tpu.memory_space<vmem>>, vector<1x1x16xf32>,
        %get3A_1073 = vector.shape_cast %get3A_1072 : vector<1x1x16xf32> to vector<16xf32>
        %add3A_1074 = arith.addf %add3A_1010, %get3A_1073 : vector<16xf32>
        %add3A_1075 = arith.constant 13 : i32
        %add3A_1076 = arith.addi %mul3A_258, %add3A_1075 : i32
        %get3A_1077 = arith.index_cast %sub3A_132 : i32 to index
        %get3A_1078 = arith.index_cast %add3A_1076 : i32 to index
        %get3A_1079 = arith.constant 16 : index
        %get3A_1080 = tpu.vector_load %arg9[%get3A_1077, %get3A_1078, %get3A_1079] {strides = array<i32>} : memref<6x100x128xf32, #tpu.memory_space<vmem>>, vector<1x1x16xf32>,
        %get3A_1081 = vector.shape_cast %get3A_1080 : vector<1x1x16xf32> to vector<16xf32>
        %add3A_1082 = arith.addf %add3A_1018, %get3A_1081 : vector<16xf32>
        %add3A_1083 = arith.constant 13 : i32
        %add3A_1084 = arith.addi %mul3A_258, %add3A_1083 : i32
        %get3A_1085 = arith.index_cast %sub3A_132 : i32 to index
        %get3A_1086 = arith.index_cast %add3A_1084 : i32 to index
        %get3A_1087 = arith.constant 32 : index
        %get3A_1088 = tpu.vector_load %arg9[%get3A_1085, %get3A_1086, %get3A_1087] {strides = array<i32>} : memref<6x100x128xf32, #tpu.memory_space<vmem>>, vector<1x1x16xf32>,
        %get3A_1089 = vector.shape_cast %get3A_1088 : vector<1x1x16xf32> to vector<16xf32>
        %add3A_1090 = arith.addf %add3A_1026, %get3A_1089 : vector<16xf32>
        %add3A_1091 = arith.constant 13 : i32
        %add3A_1092 = arith.addi %mul3A_258, %add3A_1091 : i32
        %get3A_1093 = arith.index_cast %sub3A_132 : i32 to index
        %get3A_1094 = arith.index_cast %add3A_1092 : i32 to index
        %get3A_1095 = arith.constant 48 : index
        %get3A_1096 = tpu.vector_load %arg9[%get3A_1093, %get3A_1094, %get3A_1095] {strides = array<i32>} : memref<6x100x128xf32, #tpu.memory_space<vmem>>, vector<1x1x16xf32>,
        %get3A_1097 = vector.shape_cast %get3A_1096 : vector<1x1x16xf32> to vector<16xf32>
        %add3A_1098 = arith.addf %add3A_1034, %get3A_1097 : vector<16xf32>
        %add3A_1099 = arith.constant 13 : i32
        %add3A_1100 = arith.addi %mul3A_258, %add3A_1099 : i32
        %get3A_1101 = arith.index_cast %sub3A_132 : i32 to index
        %get3A_1102 = arith.index_cast %add3A_1100 : i32 to index
        %get3A_1103 = arith.constant 64 : index
        %get3A_1104 = tpu.vector_load %arg9[%get3A_1101, %get3A_1102, %get3A_1103] {strides = array<i32>} : memref<6x100x128xf32, #tpu.memory_space<vmem>>, vector<1x1x16xf32>,
        %get3A_1105 = vector.shape_cast %get3A_1104 : vector<1x1x16xf32> to vector<16xf32>
        %add3A_1106 = arith.addf %add3A_1042, %get3A_1105 : vector<16xf32>
        %add3A_1107 = arith.constant 13 : i32
        %add3A_1108 = arith.addi %mul3A_258, %add3A_1107 : i32
        %get3A_1109 = arith.index_cast %sub3A_132 : i32 to index
        %get3A_1110 = arith.index_cast %add3A_1108 : i32 to index
        %get3A_1111 = arith.constant 80 : index
        %get3A_1112 = tpu.vector_load %arg9[%get3A_1109, %get3A_1110, %get3A_1111] {strides = array<i32>} : memref<6x100x128xf32, #tpu.memory_space<vmem>>, vector<1x1x16xf32>,
        %get3A_1113 = vector.shape_cast %get3A_1112 : vector<1x1x16xf32> to vector<16xf32>
        %add3A_1114 = arith.addf %add3A_1050, %get3A_1113 : vector<16xf32>
        %add3A_1115 = arith.constant 13 : i32
        %add3A_1116 = arith.addi %mul3A_258, %add3A_1115 : i32
        %get3A_1117 = arith.index_cast %sub3A_132 : i32 to index
        %get3A_1118 = arith.index_cast %add3A_1116 : i32 to index
        %get3A_1119 = arith.constant 96 : index
        %get3A_1120 = tpu.vector_load %arg9[%get3A_1117, %get3A_1118, %get3A_1119] {strides = array<i32>} : memref<6x100x128xf32, #tpu.memory_space<vmem>>, vector<1x1x16xf32>,
        %get3A_1121 = vector.shape_cast %get3A_1120 : vector<1x1x16xf32> to vector<16xf32>
        %add3A_1122 = arith.addf %add3A_1058, %get3A_1121 : vector<16xf32>
        %add3A_1123 = arith.constant 13 : i32
        %add3A_1124 = arith.addi %mul3A_258, %add3A_1123 : i32
        %get3A_1125 = arith.index_cast %sub3A_132 : i32 to index
        %get3A_1126 = arith.index_cast %add3A_1124 : i32 to index
        %get3A_1127 = arith.constant 112 : index
        %get3A_1128 = tpu.vector_load %arg9[%get3A_1125, %get3A_1126, %get3A_1127] {strides = array<i32>} : memref<6x100x128xf32, #tpu.memory_space<vmem>>, vector<1x1x16xf32>,
        %get3A_1129 = vector.shape_cast %get3A_1128 : vector<1x1x16xf32> to vector<16xf32>
        %add3A_1130 = arith.addf %add3A_1066, %get3A_1129 : vector<16xf32>
        %add3A_1131 = arith.constant 14 : i32
        %add3A_1132 = arith.addi %mul3A_258, %add3A_1131 : i32
        %get3A_1133 = arith.index_cast %sub3A_132 : i32 to index
        %get3A_1134 = arith.index_cast %add3A_1132 : i32 to index
        %get3A_1135 = arith.constant 0 : index
        %get3A_1136 = tpu.vector_load %arg9[%get3A_1133, %get3A_1134, %get3A_1135] {strides = array<i32>} : memref<6x100x128xf32, #tpu.memory_space<vmem>>, vector<1x1x16xf32>,
        %get3A_1137 = vector.shape_cast %get3A_1136 : vector<1x1x16xf32> to vector<16xf32>
        %add3A_1138 = arith.addf %add3A_1074, %get3A_1137 : vector<16xf32>
        %add3A_1139 = arith.constant 14 : i32
        %add3A_1140 = arith.addi %mul3A_258, %add3A_1139 : i32
        %get3A_1141 = arith.index_cast %sub3A_132 : i32 to index
        %get3A_1142 = arith.index_cast %add3A_1140 : i32 to index
        %get3A_1143 = arith.constant 16 : index
        %get3A_1144 = tpu.vector_load %arg9[%get3A_1141, %get3A_1142, %get3A_1143] {strides = array<i32>} : memref<6x100x128xf32, #tpu.memory_space<vmem>>, vector<1x1x16xf32>,
        %get3A_1145 = vector.shape_cast %get3A_1144 : vector<1x1x16xf32> to vector<16xf32>
        %add3A_1146 = arith.addf %add3A_1082, %get3A_1145 : vector<16xf32>
        %add3A_1147 = arith.constant 14 : i32
        %add3A_1148 = arith.addi %mul3A_258, %add3A_1147 : i32
        %get3A_1149 = arith.index_cast %sub3A_132 : i32 to index
        %get3A_1150 = arith.index_cast %add3A_1148 : i32 to index
        %get3A_1151 = arith.constant 32 : index
        %get3A_1152 = tpu.vector_load %arg9[%get3A_1149, %get3A_1150, %get3A_1151] {strides = array<i32>} : memref<6x100x128xf32, #tpu.memory_space<vmem>>, vector<1x1x16xf32>,
        %get3A_1153 = vector.shape_cast %get3A_1152 : vector<1x1x16xf32> to vector<16xf32>
        %add3A_1154 = arith.addf %add3A_1090, %get3A_1153 : vector<16xf32>
        %add3A_1155 = arith.constant 14 : i32
        %add3A_1156 = arith.addi %mul3A_258, %add3A_1155 : i32
        %get3A_1157 = arith.index_cast %sub3A_132 : i32 to index
        %get3A_1158 = arith.index_cast %add3A_1156 : i32 to index
        %get3A_1159 = arith.constant 48 : index
        %get3A_1160 = tpu.vector_load %arg9[%get3A_1157, %get3A_1158, %get3A_1159] {strides = array<i32>} : memref<6x100x128xf32, #tpu.memory_space<vmem>>, vector<1x1x16xf32>,
        %get3A_1161 = vector.shape_cast %get3A_1160 : vector<1x1x16xf32> to vector<16xf32>
        %add3A_1162 = arith.addf %add3A_1098, %get3A_1161 : vector<16xf32>
        %add3A_1163 = arith.constant 14 : i32
        %add3A_1164 = arith.addi %mul3A_258, %add3A_1163 : i32
        %get3A_1165 = arith.index_cast %sub3A_132 : i32 to index
        %get3A_1166 = arith.index_cast %add3A_1164 : i32 to index
        %get3A_1167 = arith.constant 64 : index
        %get3A_1168 = tpu.vector_load %arg9[%get3A_1165, %get3A_1166, %get3A_1167] {strides = array<i32>} : memref<6x100x128xf32, #tpu.memory_space<vmem>>, vector<1x1x16xf32>,
        %get3A_1169 = vector.shape_cast %get3A_1168 : vector<1x1x16xf32> to vector<16xf32>
        %add3A_1170 = arith.addf %add3A_1106, %get3A_1169 : vector<16xf32>
        %add3A_1171 = arith.constant 14 : i32
        %add3A_1172 = arith.addi %mul3A_258, %add3A_1171 : i32
        %get3A_1173 = arith.index_cast %sub3A_132 : i32 to index
        %get3A_1174 = arith.index_cast %add3A_1172 : i32 to index
        %get3A_1175 = arith.constant 80 : index
        %get3A_1176 = tpu.vector_load %arg9[%get3A_1173, %get3A_1174, %get3A_1175] {strides = array<i32>} : memref<6x100x128xf32, #tpu.memory_space<vmem>>, vector<1x1x16xf32>,
        %get3A_1177 = vector.shape_cast %get3A_1176 : vector<1x1x16xf32> to vector<16xf32>
        %add3A_1178 = arith.addf %add3A_1114, %get3A_1177 : vector<16xf32>
        %add3A_1179 = arith.constant 14 : i32
        %add3A_1180 = arith.addi %mul3A_258, %add3A_1179 : i32
        %get3A_1181 = arith.index_cast %sub3A_132 : i32 to index
        %get3A_1182 = arith.index_cast %add3A_1180 : i32 to index
        %get3A_1183 = arith.constant 96 : index
        %get3A_1184 = tpu.vector_load %arg9[%get3A_1181, %get3A_1182, %get3A_1183] {strides = array<i32>} : memref<6x100x128xf32, #tpu.memory_space<vmem>>, vector<1x1x16xf32>,
        %get3A_1185 = vector.shape_cast %get3A_1184 : vector<1x1x16xf32> to vector<16xf32>
        %add3A_1186 = arith.addf %add3A_1122, %get3A_1185 : vector<16xf32>
        %add3A_1187 = arith.constant 14 : i32
        %add3A_1188 = arith.addi %mul3A_258, %add3A_1187 : i32
        %get3A_1189 = arith.index_cast %sub3A_132 : i32 to index
        %get3A_1190 = arith.index_cast %add3A_1188 : i32 to index
        %get3A_1191 = arith.constant 112 : index
        %get3A_1192 = tpu.vector_load %arg9[%get3A_1189, %get3A_1190, %get3A_1191] {strides = array<i32>} : memref<6x100x128xf32, #tpu.memory_space<vmem>>, vector<1x1x16xf32>,
        %get3A_1193 = vector.shape_cast %get3A_1192 : vector<1x1x16xf32> to vector<16xf32>
        %add3A_1194 = arith.addf %add3A_1130, %get3A_1193 : vector<16xf32>
        %add3A_1195 = arith.constant 15 : i32
        %add3A_1196 = arith.addi %mul3A_258, %add3A_1195 : i32
        %get3A_1197 = arith.index_cast %sub3A_132 : i32 to index
        %get3A_1198 = arith.index_cast %add3A_1196 : i32 to index
        %get3A_1199 = arith.constant 0 : index
        %get3A_1200 = tpu.vector_load %arg9[%get3A_1197, %get3A_1198, %get3A_1199] {strides = array<i32>} : memref<6x100x128xf32, #tpu.memory_space<vmem>>, vector<1x1x16xf32>,
        %get3A_1201 = vector.shape_cast %get3A_1200 : vector<1x1x16xf32> to vector<16xf32>
        %add3A_1202 = arith.addf %add3A_1138, %get3A_1201 : vector<16xf32>
        %add3A_1203 = arith.constant 15 : i32
        %add3A_1204 = arith.addi %mul3A_258, %add3A_1203 : i32
        %get3A_1205 = arith.index_cast %sub3A_132 : i32 to index
        %get3A_1206 = arith.index_cast %add3A_1204 : i32 to index
        %get3A_1207 = arith.constant 16 : index
        %get3A_1208 = tpu.vector_load %arg9[%get3A_1205, %get3A_1206, %get3A_1207] {strides = array<i32>} : memref<6x100x128xf32, #tpu.memory_space<vmem>>, vector<1x1x16xf32>,
        %get3A_1209 = vector.shape_cast %get3A_1208 : vector<1x1x16xf32> to vector<16xf32>
        %add3A_1210 = arith.addf %add3A_1146, %get3A_1209 : vector<16xf32>
        %add3A_1211 = arith.constant 15 : i32
        %add3A_1212 = arith.addi %mul3A_258, %add3A_1211 : i32
        %get3A_1213 = arith.index_cast %sub3A_132 : i32 to index
        %get3A_1214 = arith.index_cast %add3A_1212 : i32 to index
        %get3A_1215 = arith.constant 32 : index
        %get3A_1216 = tpu.vector_load %arg9[%get3A_1213, %get3A_1214, %get3A_1215] {strides = array<i32>} : memref<6x100x128xf32, #tpu.memory_space<vmem>>, vector<1x1x16xf32>,
        %get3A_1217 = vector.shape_cast %get3A_1216 : vector<1x1x16xf32> to vector<16xf32>
        %add3A_1218 = arith.addf %add3A_1154, %get3A_1217 : vector<16xf32>
        %add3A_1219 = arith.constant 15 : i32
        %add3A_1220 = arith.addi %mul3A_258, %add3A_1219 : i32
        %get3A_1221 = arith.index_cast %sub3A_132 : i32 to index
        %get3A_1222 = arith.index_cast %add3A_1220 : i32 to index
        %get3A_1223 = arith.constant 48 : index
        %get3A_1224 = tpu.vector_load %arg9[%get3A_1221, %get3A_1222, %get3A_1223] {strides = array<i32>} : memref<6x100x128xf32, #tpu.memory_space<vmem>>, vector<1x1x16xf32>,
        %get3A_1225 = vector.shape_cast %get3A_1224 : vector<1x1x16xf32> to vector<16xf32>
        %add3A_1226 = arith.addf %add3A_1162, %get3A_1225 : vector<16xf32>
        %add3A_1227 = arith.constant 15 : i32
        %add3A_1228 = arith.addi %mul3A_258, %add3A_1227 : i32
        %get3A_1229 = arith.index_cast %sub3A_132 : i32 to index
        %get3A_1230 = arith.index_cast %add3A_1228 : i32 to index
        %get3A_1231 = arith.constant 64 : index
        %get3A_1232 = tpu.vector_load %arg9[%get3A_1229, %get3A_1230, %get3A_1231] {strides = array<i32>} : memref<6x100x128xf32, #tpu.memory_space<vmem>>, vector<1x1x16xf32>,
        %get3A_1233 = vector.shape_cast %get3A_1232 : vector<1x1x16xf32> to vector<16xf32>
        %add3A_1234 = arith.addf %add3A_1170, %get3A_1233 : vector<16xf32>
        %add3A_1235 = arith.constant 15 : i32
        %add3A_1236 = arith.addi %mul3A_258, %add3A_1235 : i32
        %get3A_1237 = arith.index_cast %sub3A_132 : i32 to index
        %get3A_1238 = arith.index_cast %add3A_1236 : i32 to index
        %get3A_1239 = arith.constant 80 : index
        %get3A_1240 = tpu.vector_load %arg9[%get3A_1237, %get3A_1238, %get3A_1239] {strides = array<i32>} : memref<6x100x128xf32, #tpu.memory_space<vmem>>, vector<1x1x16xf32>,
        %get3A_1241 = vector.shape_cast %get3A_1240 : vector<1x1x16xf32> to vector<16xf32>
        %add3A_1242 = arith.addf %add3A_1178, %get3A_1241 : vector<16xf32>
        %add3A_1243 = arith.constant 15 : i32
        %add3A_1244 = arith.addi %mul3A_258, %add3A_1243 : i32
        %get3A_1245 = arith.index_cast %sub3A_132 : i32 to index
        %get3A_1246 = arith.index_cast %add3A_1244 : i32 to index
        %get3A_1247 = arith.constant 96 : index
        %get3A_1248 = tpu.vector_load %arg9[%get3A_1245, %get3A_1246, %get3A_1247] {strides = array<i32>} : memref<6x100x128xf32, #tpu.memory_space<vmem>>, vector<1x1x16xf32>,
        %get3A_1249 = vector.shape_cast %get3A_1248 : vector<1x1x16xf32> to vector<16xf32>
        %add3A_1250 = arith.addf %add3A_1186, %get3A_1249 : vector<16xf32>
        %add3A_1251 = arith.constant 15 : i32
        %add3A_1252 = arith.addi %mul3A_258, %add3A_1251 : i32
        %get3A_1253 = arith.index_cast %sub3A_132 : i32 to index
        %get3A_1254 = arith.index_cast %add3A_1252 : i32 to index
        %get3A_1255 = arith.constant 112 : index
        %get3A_1256 = tpu.vector_load %arg9[%get3A_1253, %get3A_1254, %get3A_1255] {strides = array<i32>} : memref<6x100x128xf32, #tpu.memory_space<vmem>>, vector<1x1x16xf32>,
        %get3A_1257 = vector.shape_cast %get3A_1256 : vector<1x1x16xf32> to vector<16xf32>
        %add3A_1258 = arith.addf %add3A_1194, %get3A_1257 : vector<16xf32>
        %add3A_1259 = arith.constant 16 : i32
        %add3A_1260 = arith.addi %mul3A_258, %add3A_1259 : i32
        %get3A_1261 = arith.index_cast %sub3A_132 : i32 to index
        %get3A_1262 = arith.index_cast %add3A_1260 : i32 to index
        %get3A_1263 = arith.constant 0 : index
        %get3A_1264 = tpu.vector_load %arg9[%get3A_1261, %get3A_1262, %get3A_1263] {strides = array<i32>} : memref<6x100x128xf32, #tpu.memory_space<vmem>>, vector<1x1x16xf32>,
        %get3A_1265 = vector.shape_cast %get3A_1264 : vector<1x1x16xf32> to vector<16xf32>
        %add3A_1266 = arith.addf %add3A_1202, %get3A_1265 : vector<16xf32>
        %add3A_1267 = arith.constant 16 : i32
        %add3A_1268 = arith.addi %mul3A_258, %add3A_1267 : i32
        %get3A_1269 = arith.index_cast %sub3A_132 : i32 to index
        %get3A_1270 = arith.index_cast %add3A_1268 : i32 to index
        %get3A_1271 = arith.constant 16 : index
        %get3A_1272 = tpu.vector_load %arg9[%get3A_1269, %get3A_1270, %get3A_1271] {strides = array<i32>} : memref<6x100x128xf32, #tpu.memory_space<vmem>>, vector<1x1x16xf32>,
        %get3A_1273 = vector.shape_cast %get3A_1272 : vector<1x1x16xf32> to vector<16xf32>
        %add3A_1274 = arith.addf %add3A_1210, %get3A_1273 : vector<16xf32>
        %add3A_1275 = arith.constant 16 : i32
        %add3A_1276 = arith.addi %mul3A_258, %add3A_1275 : i32
        %get3A_1277 = arith.index_cast %sub3A_132 : i32 to index
        %get3A_1278 = arith.index_cast %add3A_1276 : i32 to index
        %get3A_1279 = arith.constant 32 : index
        %get3A_1280 = tpu.vector_load %arg9[%get3A_1277, %get3A_1278, %get3A_1279] {strides = array<i32>} : memref<6x100x128xf32, #tpu.memory_space<vmem>>, vector<1x1x16xf32>,
        %get3A_1281 = vector.shape_cast %get3A_1280 : vector<1x1x16xf32> to vector<16xf32>
        %add3A_1282 = arith.addf %add3A_1218, %get3A_1281 : vector<16xf32>
        %add3A_1283 = arith.constant 16 : i32
        %add3A_1284 = arith.addi %mul3A_258, %add3A_1283 : i32
        %get3A_1285 = arith.index_cast %sub3A_132 : i32 to index
        %get3A_1286 = arith.index_cast %add3A_1284 : i32 to index
        %get3A_1287 = arith.constant 48 : index
        %get3A_1288 = tpu.vector_load %arg9[%get3A_1285, %get3A_1286, %get3A_1287] {strides = array<i32>} : memref<6x100x128xf32, #tpu.memory_space<vmem>>, vector<1x1x16xf32>,
        %get3A_1289 = vector.shape_cast %get3A_1288 : vector<1x1x16xf32> to vector<16xf32>
        %add3A_1290 = arith.addf %add3A_1226, %get3A_1289 : vector<16xf32>
        %add3A_1291 = arith.constant 16 : i32
        %add3A_1292 = arith.addi %mul3A_258, %add3A_1291 : i32
        %get3A_1293 = arith.index_cast %sub3A_132 : i32 to index
        %get3A_1294 = arith.index_cast %add3A_1292 : i32 to index
        %get3A_1295 = arith.constant 64 : index
        %get3A_1296 = tpu.vector_load %arg9[%get3A_1293, %get3A_1294, %get3A_1295] {strides = array<i32>} : memref<6x100x128xf32, #tpu.memory_space<vmem>>, vector<1x1x16xf32>,
        %get3A_1297 = vector.shape_cast %get3A_1296 : vector<1x1x16xf32> to vector<16xf32>
        %add3A_1298 = arith.addf %add3A_1234, %get3A_1297 : vector<16xf32>
        %add3A_1299 = arith.constant 16 : i32
        %add3A_1300 = arith.addi %mul3A_258, %add3A_1299 : i32
        %get3A_1301 = arith.index_cast %sub3A_132 : i32 to index
        %get3A_1302 = arith.index_cast %add3A_1300 : i32 to index
        %get3A_1303 = arith.constant 80 : index
        %get3A_1304 = tpu.vector_load %arg9[%get3A_1301, %get3A_1302, %get3A_1303] {strides = array<i32>} : memref<6x100x128xf32, #tpu.memory_space<vmem>>, vector<1x1x16xf32>,
        %get3A_1305 = vector.shape_cast %get3A_1304 : vector<1x1x16xf32> to vector<16xf32>
        %add3A_1306 = arith.addf %add3A_1242, %get3A_1305 : vector<16xf32>
        %add3A_1307 = arith.constant 16 : i32
        %add3A_1308 = arith.addi %mul3A_258, %add3A_1307 : i32
        %get3A_1309 = arith.index_cast %sub3A_132 : i32 to index
        %get3A_1310 = arith.index_cast %add3A_1308 : i32 to index
        %get3A_1311 = arith.constant 96 : index
        %get3A_1312 = tpu.vector_load %arg9[%get3A_1309, %get3A_1310, %get3A_1311] {strides = array<i32>} : memref<6x100x128xf32, #tpu.memory_space<vmem>>, vector<1x1x16xf32>,
        %get3A_1313 = vector.shape_cast %get3A_1312 : vector<1x1x16xf32> to vector<16xf32>
        %add3A_1314 = arith.addf %add3A_1250, %get3A_1313 : vector<16xf32>
        %add3A_1315 = arith.constant 16 : i32
        %add3A_1316 = arith.addi %mul3A_258, %add3A_1315 : i32
        %get3A_1317 = arith.index_cast %sub3A_132 : i32 to index
        %get3A_1318 = arith.index_cast %add3A_1316 : i32 to index
        %get3A_1319 = arith.constant 112 : index
        %get3A_1320 = tpu.vector_load %arg9[%get3A_1317, %get3A_1318, %get3A_1319] {strides = array<i32>} : memref<6x100x128xf32, #tpu.memory_space<vmem>>, vector<1x1x16xf32>,
        %get3A_1321 = vector.shape_cast %get3A_1320 : vector<1x1x16xf32> to vector<16xf32>
        %add3A_1322 = arith.addf %add3A_1258, %get3A_1321 : vector<16xf32>
        %add3A_1323 = arith.constant 17 : i32
        %add3A_1324 = arith.addi %mul3A_258, %add3A_1323 : i32
        %get3A_1325 = arith.index_cast %sub3A_132 : i32 to index
        %get3A_1326 = arith.index_cast %add3A_1324 : i32 to index
        %get3A_1327 = arith.constant 0 : index
        %get3A_1328 = tpu.vector_load %arg9[%get3A_1325, %get3A_1326, %get3A_1327] {strides = array<i32>} : memref<6x100x128xf32, #tpu.memory_space<vmem>>, vector<1x1x16xf32>,
        %get3A_1329 = vector.shape_cast %get3A_1328 : vector<1x1x16xf32> to vector<16xf32>
        %add3A_1330 = arith.addf %add3A_1266, %get3A_1329 : vector<16xf32>
        %add3A_1331 = arith.constant 17 : i32
        %add3A_1332 = arith.addi %mul3A_258, %add3A_1331 : i32
        %get3A_1333 = arith.index_cast %sub3A_132 : i32 to index
        %get3A_1334 = arith.index_cast %add3A_1332 : i32 to index
        %get3A_1335 = arith.constant 16 : index
        %get3A_1336 = tpu.vector_load %arg9[%get3A_1333, %get3A_1334, %get3A_1335] {strides = array<i32>} : memref<6x100x128xf32, #tpu.memory_space<vmem>>, vector<1x1x16xf32>,
        %get3A_1337 = vector.shape_cast %get3A_1336 : vector<1x1x16xf32> to vector<16xf32>
        %add3A_1338 = arith.addf %add3A_1274, %get3A_1337 : vector<16xf32>
        %add3A_1339 = arith.constant 17 : i32
        %add3A_1340 = arith.addi %mul3A_258, %add3A_1339 : i32
        %get3A_1341 = arith.index_cast %sub3A_132 : i32 to index
        %get3A_1342 = arith.index_cast %add3A_1340 : i32 to index
        %get3A_1343 = arith.constant 32 : index
        %get3A_1344 = tpu.vector_load %arg9[%get3A_1341, %get3A_1342, %get3A_1343] {strides = array<i32>} : memref<6x100x128xf32, #tpu.memory_space<vmem>>, vector<1x1x16xf32>,
        %get3A_1345 = vector.shape_cast %get3A_1344 : vector<1x1x16xf32> to vector<16xf32>
        %add3A_1346 = arith.addf %add3A_1282, %get3A_1345 : vector<16xf32>
        %add3A_1347 = arith.constant 17 : i32
        %add3A_1348 = arith.addi %mul3A_258, %add3A_1347 : i32
        %get3A_1349 = arith.index_cast %sub3A_132 : i32 to index
        %get3A_1350 = arith.index_cast %add3A_1348 : i32 to index
        %get3A_1351 = arith.constant 48 : index
        %get3A_1352 = tpu.vector_load %arg9[%get3A_1349, %get3A_1350, %get3A_1351] {strides = array<i32>} : memref<6x100x128xf32, #tpu.memory_space<vmem>>, vector<1x1x16xf32>,
        %get3A_1353 = vector.shape_cast %get3A_1352 : vector<1x1x16xf32> to vector<16xf32>
        %add3A_1354 = arith.addf %add3A_1290, %get3A_1353 : vector<16xf32>
        %add3A_1355 = arith.constant 17 : i32
        %add3A_1356 = arith.addi %mul3A_258, %add3A_1355 : i32
        %get3A_1357 = arith.index_cast %sub3A_132 : i32 to index
        %get3A_1358 = arith.index_cast %add3A_1356 : i32 to index
        %get3A_1359 = arith.constant 64 : index
        %get3A_1360 = tpu.vector_load %arg9[%get3A_1357, %get3A_1358, %get3A_1359] {strides = array<i32>} : memref<6x100x128xf32, #tpu.memory_space<vmem>>, vector<1x1x16xf32>,
        %get3A_1361 = vector.shape_cast %get3A_1360 : vector<1x1x16xf32> to vector<16xf32>
        %add3A_1362 = arith.addf %add3A_1298, %get3A_1361 : vector<16xf32>
        %add3A_1363 = arith.constant 17 : i32
        %add3A_1364 = arith.addi %mul3A_258, %add3A_1363 : i32
        %get3A_1365 = arith.index_cast %sub3A_132 : i32 to index
        %get3A_1366 = arith.index_cast %add3A_1364 : i32 to index
        %get3A_1367 = arith.constant 80 : index
        %get3A_1368 = tpu.vector_load %arg9[%get3A_1365, %get3A_1366, %get3A_1367] {strides = array<i32>} : memref<6x100x128xf32, #tpu.memory_space<vmem>>, vector<1x1x16xf32>,
        %get3A_1369 = vector.shape_cast %get3A_1368 : vector<1x1x16xf32> to vector<16xf32>
        %add3A_1370 = arith.addf %add3A_1306, %get3A_1369 : vector<16xf32>
        %add3A_1371 = arith.constant 17 : i32
        %add3A_1372 = arith.addi %mul3A_258, %add3A_1371 : i32
        %get3A_1373 = arith.index_cast %sub3A_132 : i32 to index
        %get3A_1374 = arith.index_cast %add3A_1372 : i32 to index
        %get3A_1375 = arith.constant 96 : index
        %get3A_1376 = tpu.vector_load %arg9[%get3A_1373, %get3A_1374, %get3A_1375] {strides = array<i32>} : memref<6x100x128xf32, #tpu.memory_space<vmem>>, vector<1x1x16xf32>,
        %get3A_1377 = vector.shape_cast %get3A_1376 : vector<1x1x16xf32> to vector<16xf32>
        %add3A_1378 = arith.addf %add3A_1314, %get3A_1377 : vector<16xf32>
        %add3A_1379 = arith.constant 17 : i32
        %add3A_1380 = arith.addi %mul3A_258, %add3A_1379 : i32
        %get3A_1381 = arith.index_cast %sub3A_132 : i32 to index
        %get3A_1382 = arith.index_cast %add3A_1380 : i32 to index
        %get3A_1383 = arith.constant 112 : index
        %get3A_1384 = tpu.vector_load %arg9[%get3A_1381, %get3A_1382, %get3A_1383] {strides = array<i32>} : memref<6x100x128xf32, #tpu.memory_space<vmem>>, vector<1x1x16xf32>,
        %get3A_1385 = vector.shape_cast %get3A_1384 : vector<1x1x16xf32> to vector<16xf32>
        %add3A_1386 = arith.addf %add3A_1322, %get3A_1385 : vector<16xf32>
        %add3A_1387 = arith.constant 18 : i32
        %add3A_1388 = arith.addi %mul3A_258, %add3A_1387 : i32
        %get3A_1389 = arith.index_cast %sub3A_132 : i32 to index
        %get3A_1390 = arith.index_cast %add3A_1388 : i32 to index
        %get3A_1391 = arith.constant 0 : index
        %get3A_1392 = tpu.vector_load %arg9[%get3A_1389, %get3A_1390, %get3A_1391] {strides = array<i32>} : memref<6x100x128xf32, #tpu.memory_space<vmem>>, vector<1x1x16xf32>,
        %get3A_1393 = vector.shape_cast %get3A_1392 : vector<1x1x16xf32> to vector<16xf32>
        %add3A_1394 = arith.addf %add3A_1330, %get3A_1393 : vector<16xf32>
        %add3A_1395 = arith.constant 18 : i32
        %add3A_1396 = arith.addi %mul3A_258, %add3A_1395 : i32
        %get3A_1397 = arith.index_cast %sub3A_132 : i32 to index
        %get3A_1398 = arith.index_cast %add3A_1396 : i32 to index
        %get3A_1399 = arith.constant 16 : index
        %get3A_1400 = tpu.vector_load %arg9[%get3A_1397, %get3A_1398, %get3A_1399] {strides = array<i32>} : memref<6x100x128xf32, #tpu.memory_space<vmem>>, vector<1x1x16xf32>,
        %get3A_1401 = vector.shape_cast %get3A_1400 : vector<1x1x16xf32> to vector<16xf32>
        %add3A_1402 = arith.addf %add3A_1338, %get3A_1401 : vector<16xf32>
        %add3A_1403 = arith.constant 18 : i32
        %add3A_1404 = arith.addi %mul3A_258, %add3A_1403 : i32
        %get3A_1405 = arith.index_cast %sub3A_132 : i32 to index
        %get3A_1406 = arith.index_cast %add3A_1404 : i32 to index
        %get3A_1407 = arith.constant 32 : index
        %get3A_1408 = tpu.vector_load %arg9[%get3A_1405, %get3A_1406, %get3A_1407] {strides = array<i32>} : memref<6x100x128xf32, #tpu.memory_space<vmem>>, vector<1x1x16xf32>,
        %get3A_1409 = vector.shape_cast %get3A_1408 : vector<1x1x16xf32> to vector<16xf32>
        %add3A_1410 = arith.addf %add3A_1346, %get3A_1409 : vector<16xf32>
        %add3A_1411 = arith.constant 18 : i32
        %add3A_1412 = arith.addi %mul3A_258, %add3A_1411 : i32
        %get3A_1413 = arith.index_cast %sub3A_132 : i32 to index
        %get3A_1414 = arith.index_cast %add3A_1412 : i32 to index
        %get3A_1415 = arith.constant 48 : index
        %get3A_1416 = tpu.vector_load %arg9[%get3A_1413, %get3A_1414, %get3A_1415] {strides = array<i32>} : memref<6x100x128xf32, #tpu.memory_space<vmem>>, vector<1x1x16xf32>,
        %get3A_1417 = vector.shape_cast %get3A_1416 : vector<1x1x16xf32> to vector<16xf32>
        %add3A_1418 = arith.addf %add3A_1354, %get3A_1417 : vector<16xf32>
        %add3A_1419 = arith.constant 18 : i32
        %add3A_1420 = arith.addi %mul3A_258, %add3A_1419 : i32
        %get3A_1421 = arith.index_cast %sub3A_132 : i32 to index
        %get3A_1422 = arith.index_cast %add3A_1420 : i32 to index
        %get3A_1423 = arith.constant 64 : index
        %get3A_1424 = tpu.vector_load %arg9[%get3A_1421, %get3A_1422, %get3A_1423] {strides = array<i32>} : memref<6x100x128xf32, #tpu.memory_space<vmem>>, vector<1x1x16xf32>,
        %get3A_1425 = vector.shape_cast %get3A_1424 : vector<1x1x16xf32> to vector<16xf32>
        %add3A_1426 = arith.addf %add3A_1362, %get3A_1425 : vector<16xf32>
        %add3A_1427 = arith.constant 18 : i32
        %add3A_1428 = arith.addi %mul3A_258, %add3A_1427 : i32
        %get3A_1429 = arith.index_cast %sub3A_132 : i32 to index
        %get3A_1430 = arith.index_cast %add3A_1428 : i32 to index
        %get3A_1431 = arith.constant 80 : index
        %get3A_1432 = tpu.vector_load %arg9[%get3A_1429, %get3A_1430, %get3A_1431] {strides = array<i32>} : memref<6x100x128xf32, #tpu.memory_space<vmem>>, vector<1x1x16xf32>,
        %get3A_1433 = vector.shape_cast %get3A_1432 : vector<1x1x16xf32> to vector<16xf32>
        %add3A_1434 = arith.addf %add3A_1370, %get3A_1433 : vector<16xf32>
        %add3A_1435 = arith.constant 18 : i32
        %add3A_1436 = arith.addi %mul3A_258, %add3A_1435 : i32
        %get3A_1437 = arith.index_cast %sub3A_132 : i32 to index
        %get3A_1438 = arith.index_cast %add3A_1436 : i32 to index
        %get3A_1439 = arith.constant 96 : index
        %get3A_1440 = tpu.vector_load %arg9[%get3A_1437, %get3A_1438, %get3A_1439] {strides = array<i32>} : memref<6x100x128xf32, #tpu.memory_space<vmem>>, vector<1x1x16xf32>,
        %get3A_1441 = vector.shape_cast %get3A_1440 : vector<1x1x16xf32> to vector<16xf32>
        %add3A_1442 = arith.addf %add3A_1378, %get3A_1441 : vector<16xf32>
        %add3A_1443 = arith.constant 18 : i32
        %add3A_1444 = arith.addi %mul3A_258, %add3A_1443 : i32
        %get3A_1445 = arith.index_cast %sub3A_132 : i32 to index
        %get3A_1446 = arith.index_cast %add3A_1444 : i32 to index
        %get3A_1447 = arith.constant 112 : index
        %get3A_1448 = tpu.vector_load %arg9[%get3A_1445, %get3A_1446, %get3A_1447] {strides = array<i32>} : memref<6x100x128xf32, #tpu.memory_space<vmem>>, vector<1x1x16xf32>,
        %get3A_1449 = vector.shape_cast %get3A_1448 : vector<1x1x16xf32> to vector<16xf32>
        %add3A_1450 = arith.addf %add3A_1386, %get3A_1449 : vector<16xf32>
        %add3A_1451 = arith.constant 19 : i32
        %add3A_1452 = arith.addi %mul3A_258, %add3A_1451 : i32
        %get3A_1453 = arith.index_cast %sub3A_132 : i32 to index
        %get3A_1454 = arith.index_cast %add3A_1452 : i32 to index
        %get3A_1455 = arith.constant 0 : index
        %get3A_1456 = tpu.vector_load %arg9[%get3A_1453, %get3A_1454, %get3A_1455] {strides = array<i32>} : memref<6x100x128xf32, #tpu.memory_space<vmem>>, vector<1x1x16xf32>,
        %get3A_1457 = vector.shape_cast %get3A_1456 : vector<1x1x16xf32> to vector<16xf32>
        %add3A_1458 = arith.addf %add3A_1394, %get3A_1457 : vector<16xf32>
        %add3A_1459 = arith.constant 19 : i32
        %add3A_1460 = arith.addi %mul3A_258, %add3A_1459 : i32
        %get3A_1461 = arith.index_cast %sub3A_132 : i32 to index
        %get3A_1462 = arith.index_cast %add3A_1460 : i32 to index
        %get3A_1463 = arith.constant 16 : index
        %get3A_1464 = tpu.vector_load %arg9[%get3A_1461, %get3A_1462, %get3A_1463] {strides = array<i32>} : memref<6x100x128xf32, #tpu.memory_space<vmem>>, vector<1x1x16xf32>,
        %get3A_1465 = vector.shape_cast %get3A_1464 : vector<1x1x16xf32> to vector<16xf32>
        %add3A_1466 = arith.addf %add3A_1402, %get3A_1465 : vector<16xf32>
        %add3A_1467 = arith.constant 19 : i32
        %add3A_1468 = arith.addi %mul3A_258, %add3A_1467 : i32
        %get3A_1469 = arith.index_cast %sub3A_132 : i32 to index
        %get3A_1470 = arith.index_cast %add3A_1468 : i32 to index
        %get3A_1471 = arith.constant 32 : index
        %get3A_1472 = tpu.vector_load %arg9[%get3A_1469, %get3A_1470, %get3A_1471] {strides = array<i32>} : memref<6x100x128xf32, #tpu.memory_space<vmem>>, vector<1x1x16xf32>,
        %get3A_1473 = vector.shape_cast %get3A_1472 : vector<1x1x16xf32> to vector<16xf32>
        %add3A_1474 = arith.addf %add3A_1410, %get3A_1473 : vector<16xf32>
        %add3A_1475 = arith.constant 19 : i32
        %add3A_1476 = arith.addi %mul3A_258, %add3A_1475 : i32
        %get3A_1477 = arith.index_cast %sub3A_132 : i32 to index
        %get3A_1478 = arith.index_cast %add3A_1476 : i32 to index
        %get3A_1479 = arith.constant 48 : index
        %get3A_1480 = tpu.vector_load %arg9[%get3A_1477, %get3A_1478, %get3A_1479] {strides = array<i32>} : memref<6x100x128xf32, #tpu.memory_space<vmem>>, vector<1x1x16xf32>,
        %get3A_1481 = vector.shape_cast %get3A_1480 : vector<1x1x16xf32> to vector<16xf32>
        %add3A_1482 = arith.addf %add3A_1418, %get3A_1481 : vector<16xf32>
        %add3A_1483 = arith.constant 19 : i32
        %add3A_1484 = arith.addi %mul3A_258, %add3A_1483 : i32
        %get3A_1485 = arith.index_cast %sub3A_132 : i32 to index
        %get3A_1486 = arith.index_cast %add3A_1484 : i32 to index
        %get3A_1487 = arith.constant 64 : index
        %get3A_1488 = tpu.vector_load %arg9[%get3A_1485, %get3A_1486, %get3A_1487] {strides = array<i32>} : memref<6x100x128xf32, #tpu.memory_space<vmem>>, vector<1x1x16xf32>,
        %get3A_1489 = vector.shape_cast %get3A_1488 : vector<1x1x16xf32> to vector<16xf32>
        %add3A_1490 = arith.addf %add3A_1426, %get3A_1489 : vector<16xf32>
        %add3A_1491 = arith.constant 19 : i32
        %add3A_1492 = arith.addi %mul3A_258, %add3A_1491 : i32
        %get3A_1493 = arith.index_cast %sub3A_132 : i32 to index
        %get3A_1494 = arith.index_cast %add3A_1492 : i32 to index
        %get3A_1495 = arith.constant 80 : index
        %get3A_1496 = tpu.vector_load %arg9[%get3A_1493, %get3A_1494, %get3A_1495] {strides = array<i32>} : memref<6x100x128xf32, #tpu.memory_space<vmem>>, vector<1x1x16xf32>,
        %get3A_1497 = vector.shape_cast %get3A_1496 : vector<1x1x16xf32> to vector<16xf32>
        %add3A_1498 = arith.addf %add3A_1434, %get3A_1497 : vector<16xf32>
        %add3A_1499 = arith.constant 19 : i32
        %add3A_1500 = arith.addi %mul3A_258, %add3A_1499 : i32
        %get3A_1501 = arith.index_cast %sub3A_132 : i32 to index
        %get3A_1502 = arith.index_cast %add3A_1500 : i32 to index
        %get3A_1503 = arith.constant 96 : index
        %get3A_1504 = tpu.vector_load %arg9[%get3A_1501, %get3A_1502, %get3A_1503] {strides = array<i32>} : memref<6x100x128xf32, #tpu.memory_space<vmem>>, vector<1x1x16xf32>,
        %get3A_1505 = vector.shape_cast %get3A_1504 : vector<1x1x16xf32> to vector<16xf32>
        %add3A_1506 = arith.addf %add3A_1442, %get3A_1505 : vector<16xf32>
        %add3A_1507 = arith.constant 19 : i32
        %add3A_1508 = arith.addi %mul3A_258, %add3A_1507 : i32
        %get3A_1509 = arith.index_cast %sub3A_132 : i32 to index
        %get3A_1510 = arith.index_cast %add3A_1508 : i32 to index
        %get3A_1511 = arith.constant 112 : index
        %get3A_1512 = tpu.vector_load %arg9[%get3A_1509, %get3A_1510, %get3A_1511] {strides = array<i32>} : memref<6x100x128xf32, #tpu.memory_space<vmem>>, vector<1x1x16xf32>,
        %get3A_1513 = vector.shape_cast %get3A_1512 : vector<1x1x16xf32> to vector<16xf32>
        %add3A_1514 = arith.addf %add3A_1450, %get3A_1513 : vector<16xf32>
        %mul3A_1515 = arith.mulf %add3A_1458, %get3A_167 : vector<16xf32>
        %mul3A_1516 = arith.mulf %add3A_1466, %get3A_171 : vector<16xf32>
        %add3A_1517 = arith.addf %mul3A_1515, %mul3A_1516 : vector<16xf32>
        %mul3A_1518 = arith.mulf %add3A_1474, %get3A_175 : vector<16xf32>
        %add3A_1519 = arith.addf %add3A_1517, %mul3A_1518 : vector<16xf32>
        %mul3A_1520 = arith.mulf %add3A_1482, %get3A_179 : vector<16xf32>
        %add3A_1521 = arith.addf %add3A_1519, %mul3A_1520 : vector<16xf32>
        %xor3A = arith.constant 8 : i32
        %xor3A_1522 = vector.broadcast %xor3A : i32 to vector<16xi32>
        %xor3A_1523 = arith.xori %iota3A, %xor3A_1522 : vector<16xi32>
        %lt3A_1524 = arith.constant 0 : i32
        %lt3A_1525 = vector.broadcast %lt3A_1524 : i32 to vector<16xi32>
        %lt3A_1526 = arith.cmpi slt, %xor3A_1523, %lt3A_1525 : vector<16xi32>
        %add3A_1527 = arith.constant 16 : i32
        %add3A_1528 = vector.broadcast %add3A_1527 : i32 to vector<16xi32>
        %add3A_1529 = arith.addi %xor3A_1523, %add3A_1528 : vector<16xi32>
        %select_n3A_1530 = arith.select %lt3A_1526, %add3A_1529, %xor3A_1523 : vector<16xi1>, vector<16xi32>
        %broadcast_in_dim3A_1531 = vector.shape_cast %select_n3A_1530 : vector<16xi32> to vector<16x1xi32>
        %gather3A = vector.shape_cast %broadcast_in_dim3A_1531 : vector<16x1xi32> to vector<16xi32>
        %gather3A_1532 = tpu.dynamic_gather %add3A_1521[%gather3A] in [0] : vector<16xf32>, vector<16xi32> -> vector<16xf32>
        %add3A_1533 = arith.addf %add3A_1521, %gather3A_1532 : vector<16xf32>
        %xor3A_1534 = arith.constant 4 : i32
        %xor3A_1535 = vector.broadcast %xor3A_1534 : i32 to vector<16xi32>
        %xor3A_1536 = arith.xori %iota3A, %xor3A_1535 : vector<16xi32>
        %lt3A_1537 = arith.constant 0 : i32
        %lt3A_1538 = vector.broadcast %lt3A_1537 : i32 to vector<16xi32>
        %lt3A_1539 = arith.cmpi slt, %xor3A_1536, %lt3A_1538 : vector<16xi32>
        %add3A_1540 = arith.constant 16 : i32
        %add3A_1541 = vector.broadcast %add3A_1540 : i32 to vector<16xi32>
        %add3A_1542 = arith.addi %xor3A_1536, %add3A_1541 : vector<16xi32>
        %select_n3A_1543 = arith.select %lt3A_1539, %add3A_1542, %xor3A_1536 : vector<16xi1>, vector<16xi32>
        %broadcast_in_dim3A_1544 = vector.shape_cast %select_n3A_1543 : vector<16xi32> to vector<16x1xi32>
        %gather3A_1545 = vector.shape_cast %broadcast_in_dim3A_1544 : vector<16x1xi32> to vector<16xi32>
        %gather3A_1546 = tpu.dynamic_gather %add3A_1533[%gather3A_1545] in [0] : vector<16xf32>, vector<16xi32> -> vector<16xf32>
        %add3A_1547 = arith.addf %add3A_1533, %gather3A_1546 : vector<16xf32>
        %xor3A_1548 = arith.constant 2 : i32
        %xor3A_1549 = vector.broadcast %xor3A_1548 : i32 to vector<16xi32>
        %xor3A_1550 = arith.xori %iota3A, %xor3A_1549 : vector<16xi32>
        %lt3A_1551 = arith.constant 0 : i32
        %lt3A_1552 = vector.broadcast %lt3A_1551 : i32 to vector<16xi32>
        %lt3A_1553 = arith.cmpi slt, %xor3A_1550, %lt3A_1552 : vector<16xi32>
        %add3A_1554 = arith.constant 16 : i32
        %add3A_1555 = vector.broadcast %add3A_1554 : i32 to vector<16xi32>
        %add3A_1556 = arith.addi %xor3A_1550, %add3A_1555 : vector<16xi32>
        %select_n3A_1557 = arith.select %lt3A_1553, %add3A_1556, %xor3A_1550 : vector<16xi1>, vector<16xi32>
        %broadcast_in_dim3A_1558 = vector.shape_cast %select_n3A_1557 : vector<16xi32> to vector<16x1xi32>
        %gather3A_1559 = vector.shape_cast %broadcast_in_dim3A_1558 : vector<16x1xi32> to vector<16xi32>
        %gather3A_1560 = tpu.dynamic_gather %add3A_1547[%gather3A_1559] in [0] : vector<16xf32>, vector<16xi32> -> vector<16xf32>
        %add3A_1561 = arith.addf %add3A_1547, %gather3A_1560 : vector<16xf32>
        %xor3A_1562 = arith.constant 1 : i32
        %xor3A_1563 = vector.broadcast %xor3A_1562 : i32 to vector<16xi32>
        %xor3A_1564 = arith.xori %iota3A, %xor3A_1563 : vector<16xi32>
        %lt3A_1565 = arith.constant 0 : i32
        %lt3A_1566 = vector.broadcast %lt3A_1565 : i32 to vector<16xi32>
        %lt3A_1567 = arith.cmpi slt, %xor3A_1564, %lt3A_1566 : vector<16xi32>
        %add3A_1568 = arith.constant 16 : i32
        %add3A_1569 = vector.broadcast %add3A_1568 : i32 to vector<16xi32>
        %add3A_1570 = arith.addi %xor3A_1564, %add3A_1569 : vector<16xi32>
        %select_n3A_1571 = arith.select %lt3A_1567, %add3A_1570, %xor3A_1564 : vector<16xi1>, vector<16xi32>
        %broadcast_in_dim3A_1572 = vector.shape_cast %select_n3A_1571 : vector<16xi32> to vector<16x1xi32>
        %gather3A_1573 = vector.shape_cast %broadcast_in_dim3A_1572 : vector<16x1xi32> to vector<16xi32>
        %gather3A_1574 = tpu.dynamic_gather %add3A_1561[%gather3A_1573] in [0] : vector<16xf32>, vector<16xi32> -> vector<16xf32>
        %add3A_1575 = arith.addf %add3A_1561, %gather3A_1574 : vector<16xf32>
        %sub3A_1576 = arith.constant 0 : i32
        %sub3A_1577 = arith.subi %add3A_256, %sub3A_1576 : i32
        %eq3A_1578 = vector.broadcast %sub3A_1577 : i32 to vector<16xi32>
        %eq3A_1579 = arith.cmpi eq, %iota3A, %eq3A_1578 : vector<16xi32>
        %get3A_1580 = arith.constant 0 : index
        %get3A_1581 = tpu.vector_load %arg11[%get3A_1580] {strides = array<i32>} : memref<64xf32, #tpu.memory_space<vmem>>, vector<16xf32>,
        %get3A_1582 = vector.shape_cast %get3A_1581 : vector<16xf32> to vector<16xf32>
        %select_n3A_1583 = arith.select %eq3A_1579, %add3A_1575, %get3A_1582 : vector<16xi1>, vector<16xf32>
        %swap3A = arith.constant 0 : index
        %swap3A_1584 = tpu.vector_load %arg11[%swap3A] {strides = array<i32>} : memref<64xf32, #tpu.memory_space<vmem>>, vector<16xf32>,
        %swap3A_1585 = vector.shape_cast %swap3A_1584 : vector<16xf32> to vector<16xf32>
        %swap3A_1586 = vector.shape_cast %select_n3A_1583 : vector<16xf32> to vector<16xf32>
        tpu.vector_store %arg11[%swap3A], %swap3A_1586 {strides = array<i32>} : memref<64xf32, #tpu.memory_space<vmem>>, vector<16xf32>,
        %sub3A_1587 = arith.constant 16 : i32
        %sub3A_1588 = arith.subi %add3A_256, %sub3A_1587 : i32
        %eq3A_1589 = vector.broadcast %sub3A_1588 : i32 to vector<16xi32>
        %eq3A_1590 = arith.cmpi eq, %iota3A, %eq3A_1589 : vector<16xi32>
        %get3A_1591 = arith.constant 16 : index
        %get3A_1592 = tpu.vector_load %arg11[%get3A_1591] {strides = array<i32>} : memref<64xf32, #tpu.memory_space<vmem>>, vector<16xf32>,
        %get3A_1593 = vector.shape_cast %get3A_1592 : vector<16xf32> to vector<16xf32>
        %select_n3A_1594 = arith.select %eq3A_1590, %add3A_1575, %get3A_1593 : vector<16xi1>, vector<16xf32>
        %swap3A_1595 = arith.constant 16 : index
        %swap3A_1596 = tpu.vector_load %arg11[%swap3A_1595] {strides = array<i32>} : memref<64xf32, #tpu.memory_space<vmem>>, vector<16xf32>,
        %swap3A_1597 = vector.shape_cast %swap3A_1596 : vector<16xf32> to vector<16xf32>
        %swap3A_1598 = vector.shape_cast %select_n3A_1594 : vector<16xf32> to vector<16xf32>
        tpu.vector_store %arg11[%swap3A_1595], %swap3A_1598 {strides = array<i32>} : memref<64xf32, #tpu.memory_space<vmem>>, vector<16xf32>,
        %sub3A_1599 = arith.constant 32 : i32
        %sub3A_1600 = arith.subi %add3A_256, %sub3A_1599 : i32
        %eq3A_1601 = vector.broadcast %sub3A_1600 : i32 to vector<16xi32>
        %eq3A_1602 = arith.cmpi eq, %iota3A, %eq3A_1601 : vector<16xi32>
        %get3A_1603 = arith.constant 32 : index
        %get3A_1604 = tpu.vector_load %arg11[%get3A_1603] {strides = array<i32>} : memref<64xf32, #tpu.memory_space<vmem>>, vector<16xf32>,
        %get3A_1605 = vector.shape_cast %get3A_1604 : vector<16xf32> to vector<16xf32>
        %select_n3A_1606 = arith.select %eq3A_1602, %add3A_1575, %get3A_1605 : vector<16xi1>, vector<16xf32>
        %swap3A_1607 = arith.constant 32 : index
        %swap3A_1608 = tpu.vector_load %arg11[%swap3A_1607] {strides = array<i32>} : memref<64xf32, #tpu.memory_space<vmem>>, vector<16xf32>,
        %swap3A_1609 = vector.shape_cast %swap3A_1608 : vector<16xf32> to vector<16xf32>
        %swap3A_1610 = vector.shape_cast %select_n3A_1606 : vector<16xf32> to vector<16xf32>
        tpu.vector_store %arg11[%swap3A_1607], %swap3A_1610 {strides = array<i32>} : memref<64xf32, #tpu.memory_space<vmem>>, vector<16xf32>,
        %sub3A_1611 = arith.constant 48 : i32
        %sub3A_1612 = arith.subi %add3A_256, %sub3A_1611 : i32
        %eq3A_1613 = vector.broadcast %sub3A_1612 : i32 to vector<16xi32>
        %eq3A_1614 = arith.cmpi eq, %iota3A, %eq3A_1613 : vector<16xi32>
        %get3A_1615 = arith.constant 48 : index
        %get3A_1616 = tpu.vector_load %arg11[%get3A_1615] {strides = array<i32>} : memref<64xf32, #tpu.memory_space<vmem>>, vector<16xf32>,
        %get3A_1617 = vector.shape_cast %get3A_1616 : vector<16xf32> to vector<16xf32>
        %select_n3A_1618 = arith.select %eq3A_1614, %add3A_1575, %get3A_1617 : vector<16xi1>, vector<16xf32>
        %swap3A_1619 = arith.constant 48 : index
        %swap3A_1620 = tpu.vector_load %arg11[%swap3A_1619] {strides = array<i32>} : memref<64xf32, #tpu.memory_space<vmem>>, vector<16xf32>,
        %swap3A_1621 = vector.shape_cast %swap3A_1620 : vector<16xf32> to vector<16xf32>
        %swap3A_1622 = vector.shape_cast %select_n3A_1618 : vector<16xf32> to vector<16xf32>
        tpu.vector_store %arg11[%swap3A_1619], %swap3A_1622 {strides = array<i32>} : memref<64xf32, #tpu.memory_space<vmem>>, vector<16xf32>,
        %swap3A_1623 = arith.index_cast %add3A_256 : i32 to index
        %swap3A_1624 = arith.constant 0 : index
        %swap3A_1625 = tpu.vector_load %arg10[%swap3A_1623, %swap3A_1624] {strides = array<i32>} : memref<50x64xf32, #tpu.memory_space<vmem>>, vector<1x16xf32>,
        %swap3A_1626 = vector.shape_cast %swap3A_1625 : vector<1x16xf32> to vector<16xf32>
        %swap3A_1627 = vector.shape_cast %add3A_1490 : vector<16xf32> to vector<1x16xf32>
        tpu.vector_store %arg10[%swap3A_1623, %swap3A_1624], %swap3A_1627 {strides = array<i32>} : memref<50x64xf32, #tpu.memory_space<vmem>>, vector<1x16xf32>,
        %swap3A_1628 = arith.index_cast %add3A_256 : i32 to index
        %swap3A_1629 = arith.constant 16 : index
        %swap3A_1630 = tpu.vector_load %arg10[%swap3A_1628, %swap3A_1629] {strides = array<i32>} : memref<50x64xf32, #tpu.memory_space<vmem>>, vector<1x16xf32>,
        %swap3A_1631 = vector.shape_cast %swap3A_1630 : vector<1x16xf32> to vector<16xf32>
        %swap3A_1632 = vector.shape_cast %add3A_1498 : vector<16xf32> to vector<1x16xf32>
        tpu.vector_store %arg10[%swap3A_1628, %swap3A_1629], %swap3A_1632 {strides = array<i32>} : memref<50x64xf32, #tpu.memory_space<vmem>>, vector<1x16xf32>,
        %swap3A_1633 = arith.index_cast %add3A_256 : i32 to index
        %swap3A_1634 = arith.constant 32 : index
        %swap3A_1635 = tpu.vector_load %arg10[%swap3A_1633, %swap3A_1634] {strides = array<i32>} : memref<50x64xf32, #tpu.memory_space<vmem>>, vector<1x16xf32>,
        %swap3A_1636 = vector.shape_cast %swap3A_1635 : vector<1x16xf32> to vector<16xf32>
        %swap3A_1637 = vector.shape_cast %add3A_1506 : vector<16xf32> to vector<1x16xf32>
        tpu.vector_store %arg10[%swap3A_1633, %swap3A_1634], %swap3A_1637 {strides = array<i32>} : memref<50x64xf32, #tpu.memory_space<vmem>>, vector<1x16xf32>,
        %swap3A_1638 = arith.index_cast %add3A_256 : i32 to index
        %swap3A_1639 = arith.constant 48 : index
        %swap3A_1640 = tpu.vector_load %arg10[%swap3A_1638, %swap3A_1639] {strides = array<i32>} : memref<50x64xf32, #tpu.memory_space<vmem>>, vector<1x16xf32>,
        %swap3A_1641 = vector.shape_cast %swap3A_1640 : vector<1x16xf32> to vector<16xf32>
        %swap3A_1642 = vector.shape_cast %add3A_1514 : vector<16xf32> to vector<1x16xf32>
        tpu.vector_store %arg10[%swap3A_1638, %swap3A_1639], %swap3A_1642 {strides = array<i32>} : memref<50x64xf32, #tpu.memory_space<vmem>>, vector<1x16xf32>,
        %scan3A_1643 = arith.constant 0 : i32
        scf.yield %scan3A_1643 : i32
      }
      %scan3A_186 = arith.constant 5 : i32
      %eq3A_187 = arith.constant 0 : i32
      %eq3A_188 = arith.cmpi eq, %sub3A_132, %eq3A_187 : i32
      %add3A_189 = arith.constant 6 : i32
      %add3A_190 = arith.addi %scan3A_85, %add3A_189 : i32
      %lt3A = arith.constant 320 : i32
      %lt3A_191 = arith.cmpi slt, %add3A_190, %lt3A : i32
      %and3A_192 = arith.andi %eq3A_188, %lt3A_191 : i1
      %convert_element_type3A_193 = arith.extui %and3A_192 : i1 to i32
      %cond3A_194 = arith.constant 0 : i32
      %cond3A_195 = arith.cmpi ne, %convert_element_type3A_193, %cond3A_194 : i32
      scf.if %cond3A_195 {
        %add3A_252 = arith.constant 6 : i32
        %add3A_253 = arith.addi %scan3A_85, %add3A_252 : i32
        %dma_start3A_254 = arith.constant 0 : i32
        %dma_start3A_255 = arith.constant 0 : i32
        %dma_start3A_256 = arith.constant 0 : i32
        %dma_start3A_257 = tpu.memref_slice %arg9[%dma_start3A_254, %dma_start3A_255, %dma_start3A_256] : memref<6x100x128xf32, #tpu.memory_space<vmem>> -> memref<1x100x128xf32, #tpu.memory_space<vmem>>
        %dma_start3A_258 = tpu.memref_squeeze %dma_start3A_257 : memref<1x100x128xf32, #tpu.memory_space<vmem>> -> memref<100x128xf32, #tpu.memory_space<vmem>>
        %dma_start3A_259 = arith.constant 0 : i32
        %dma_start3A_260 = tpu.memref_slice %arg8[%add3A_253, %dma_start3A_259] : memref<320x100xi32, #tpu.memory_space<vmem>> -> memref<1x100xi32, #tpu.memory_space<vmem>>
        %dma_start3A_261 = tpu.memref_squeeze %dma_start3A_260 : memref<1x100xi32, #tpu.memory_space<vmem>> -> memref<100xi32, #tpu.memory_space<vmem>>
        %dma_start3A_262 = arith.constant 0 : i32
        %dma_start3A_263 = arith.constant 0 : i32
        %dma_start3A_264 = tpu.memref_slice %arg5[%dma_start3A_262, %dma_start3A_263] : memref<1000000x128xf32, #tpu.memory_space<hbm>> -> memref<1000000x128xf32, #tpu.memory_space<hbm>>
        tpu.enqueue_indirect_dma source(%dma_start3A_264 : memref<1000000x128xf32, #tpu.memory_space<hbm>>) target(%dma_start3A_258 : memref<100x128xf32, #tpu.memory_space<vmem>>) offsets(%dma_start3A_261 : memref<100xi32, #tpu.memory_space<vmem>>) semaphore(%arg17 : memref<!tpu.dma_semaphore, #tpu.memory_space<semaphore_mem>>)
      } else {
      }
      %eq3A_196 = arith.constant 1 : i32
      %eq3A_197 = arith.cmpi eq, %sub3A_132, %eq3A_196 : i32
      %add3A_198 = arith.constant 6 : i32
      %add3A_199 = arith.addi %scan3A_85, %add3A_198 : i32
      %lt3A_200 = arith.constant 320 : i32
      %lt3A_201 = arith.cmpi slt, %add3A_199, %lt3A_200 : i32
      %and3A_202 = arith.andi %eq3A_197, %lt3A_201 : i1
      %convert_element_type3A_203 = arith.extui %and3A_202 : i1 to i32
      %cond3A_204 = arith.constant 0 : i32
      %cond3A_205 = arith.cmpi ne, %convert_element_type3A_203, %cond3A_204 : i32
      scf.if %cond3A_205 {
        %add3A_252 = arith.constant 6 : i32
        %add3A_253 = arith.addi %scan3A_85, %add3A_252 : i32
        %dma_start3A_254 = arith.constant 1 : i32
        %dma_start3A_255 = arith.constant 0 : i32
        %dma_start3A_256 = arith.constant 0 : i32
        %dma_start3A_257 = tpu.memref_slice %arg9[%dma_start3A_254, %dma_start3A_255, %dma_start3A_256] : memref<6x100x128xf32, #tpu.memory_space<vmem>> -> memref<1x100x128xf32, #tpu.memory_space<vmem>>
        %dma_start3A_258 = tpu.memref_squeeze %dma_start3A_257 : memref<1x100x128xf32, #tpu.memory_space<vmem>> -> memref<100x128xf32, #tpu.memory_space<vmem>>
        %dma_start3A_259 = arith.constant 0 : i32
        %dma_start3A_260 = tpu.memref_slice %arg8[%add3A_253, %dma_start3A_259] : memref<320x100xi32, #tpu.memory_space<vmem>> -> memref<1x100xi32, #tpu.memory_space<vmem>>
        %dma_start3A_261 = tpu.memref_squeeze %dma_start3A_260 : memref<1x100xi32, #tpu.memory_space<vmem>> -> memref<100xi32, #tpu.memory_space<vmem>>
        %dma_start3A_262 = arith.constant 0 : i32
        %dma_start3A_263 = arith.constant 0 : i32
        %dma_start3A_264 = tpu.memref_slice %arg5[%dma_start3A_262, %dma_start3A_263] : memref<1000000x128xf32, #tpu.memory_space<hbm>> -> memref<1000000x128xf32, #tpu.memory_space<hbm>>
        tpu.enqueue_indirect_dma source(%dma_start3A_264 : memref<1000000x128xf32, #tpu.memory_space<hbm>>) target(%dma_start3A_258 : memref<100x128xf32, #tpu.memory_space<vmem>>) offsets(%dma_start3A_261 : memref<100xi32, #tpu.memory_space<vmem>>) semaphore(%arg18 : memref<!tpu.dma_semaphore, #tpu.memory_space<semaphore_mem>>)
      } else {
      }
      %eq3A_206 = arith.constant 2 : i32
      %eq3A_207 = arith.cmpi eq, %sub3A_132, %eq3A_206 : i32
      %add3A_208 = arith.constant 6 : i32
      %add3A_209 = arith.addi %scan3A_85, %add3A_208 : i32
      %lt3A_210 = arith.constant 320 : i32
      %lt3A_211 = arith.cmpi slt, %add3A_209, %lt3A_210 : i32
      %and3A_212 = arith.andi %eq3A_207, %lt3A_211 : i1
      %convert_element_type3A_213 = arith.extui %and3A_212 : i1 to i32
      %cond3A_214 = arith.constant 0 : i32
      %cond3A_215 = arith.cmpi ne, %convert_element_type3A_213, %cond3A_214 : i32
      scf.if %cond3A_215 {
        %add3A_252 = arith.constant 6 : i32
        %add3A_253 = arith.addi %scan3A_85, %add3A_252 : i32
        %dma_start3A_254 = arith.constant 2 : i32
        %dma_start3A_255 = arith.constant 0 : i32
        %dma_start3A_256 = arith.constant 0 : i32
        %dma_start3A_257 = tpu.memref_slice %arg9[%dma_start3A_254, %dma_start3A_255, %dma_start3A_256] : memref<6x100x128xf32, #tpu.memory_space<vmem>> -> memref<1x100x128xf32, #tpu.memory_space<vmem>>
        %dma_start3A_258 = tpu.memref_squeeze %dma_start3A_257 : memref<1x100x128xf32, #tpu.memory_space<vmem>> -> memref<100x128xf32, #tpu.memory_space<vmem>>
        %dma_start3A_259 = arith.constant 0 : i32
        %dma_start3A_260 = tpu.memref_slice %arg8[%add3A_253, %dma_start3A_259] : memref<320x100xi32, #tpu.memory_space<vmem>> -> memref<1x100xi32, #tpu.memory_space<vmem>>
        %dma_start3A_261 = tpu.memref_squeeze %dma_start3A_260 : memref<1x100xi32, #tpu.memory_space<vmem>> -> memref<100xi32, #tpu.memory_space<vmem>>
        %dma_start3A_262 = arith.constant 0 : i32
        %dma_start3A_263 = arith.constant 0 : i32
        %dma_start3A_264 = tpu.memref_slice %arg5[%dma_start3A_262, %dma_start3A_263] : memref<1000000x128xf32, #tpu.memory_space<hbm>> -> memref<1000000x128xf32, #tpu.memory_space<hbm>>
        tpu.enqueue_indirect_dma source(%dma_start3A_264 : memref<1000000x128xf32, #tpu.memory_space<hbm>>) target(%dma_start3A_258 : memref<100x128xf32, #tpu.memory_space<vmem>>) offsets(%dma_start3A_261 : memref<100xi32, #tpu.memory_space<vmem>>) semaphore(%arg19 : memref<!tpu.dma_semaphore, #tpu.memory_space<semaphore_mem>>)
      } else {
      }
      %eq3A_216 = arith.constant 3 : i32
      %eq3A_217 = arith.cmpi eq, %sub3A_132, %eq3A_216 : i32
      %add3A_218 = arith.constant 6 : i32
      %add3A_219 = arith.addi %scan3A_85, %add3A_218 : i32
      %lt3A_220 = arith.constant 320 : i32
      %lt3A_221 = arith.cmpi slt, %add3A_219, %lt3A_220 : i32
      %and3A_222 = arith.andi %eq3A_217, %lt3A_221 : i1
      %convert_element_type3A_223 = arith.extui %and3A_222 : i1 to i32
      %cond3A_224 = arith.constant 0 : i32
      %cond3A_225 = arith.cmpi ne, %convert_element_type3A_223, %cond3A_224 : i32
      scf.if %cond3A_225 {
        %add3A_252 = arith.constant 6 : i32
        %add3A_253 = arith.addi %scan3A_85, %add3A_252 : i32
        %dma_start3A_254 = arith.constant 3 : i32
        %dma_start3A_255 = arith.constant 0 : i32
        %dma_start3A_256 = arith.constant 0 : i32
        %dma_start3A_257 = tpu.memref_slice %arg9[%dma_start3A_254, %dma_start3A_255, %dma_start3A_256] : memref<6x100x128xf32, #tpu.memory_space<vmem>> -> memref<1x100x128xf32, #tpu.memory_space<vmem>>
        %dma_start3A_258 = tpu.memref_squeeze %dma_start3A_257 : memref<1x100x128xf32, #tpu.memory_space<vmem>> -> memref<100x128xf32, #tpu.memory_space<vmem>>
        %dma_start3A_259 = arith.constant 0 : i32
        %dma_start3A_260 = tpu.memref_slice %arg8[%add3A_253, %dma_start3A_259] : memref<320x100xi32, #tpu.memory_space<vmem>> -> memref<1x100xi32, #tpu.memory_space<vmem>>
        %dma_start3A_261 = tpu.memref_squeeze %dma_start3A_260 : memref<1x100xi32, #tpu.memory_space<vmem>> -> memref<100xi32, #tpu.memory_space<vmem>>
        %dma_start3A_262 = arith.constant 0 : i32
        %dma_start3A_263 = arith.constant 0 : i32
        %dma_start3A_264 = tpu.memref_slice %arg5[%dma_start3A_262, %dma_start3A_263] : memref<1000000x128xf32, #tpu.memory_space<hbm>> -> memref<1000000x128xf32, #tpu.memory_space<hbm>>
        tpu.enqueue_indirect_dma source(%dma_start3A_264 : memref<1000000x128xf32, #tpu.memory_space<hbm>>) target(%dma_start3A_258 : memref<100x128xf32, #tpu.memory_space<vmem>>) offsets(%dma_start3A_261 : memref<100xi32, #tpu.memory_space<vmem>>) semaphore(%arg20 : memref<!tpu.dma_semaphore, #tpu.memory_space<semaphore_mem>>)
      } else {
      }
      %eq3A_226 = arith.constant 4 : i32
      %eq3A_227 = arith.cmpi eq, %sub3A_132, %eq3A_226 : i32
      %add3A_228 = arith.constant 6 : i32
      %add3A_229 = arith.addi %scan3A_85, %add3A_228 : i32
      %lt3A_230 = arith.constant 320 : i32
      %lt3A_231 = arith.cmpi slt, %add3A_229, %lt3A_230 : i32
      %and3A_232 = arith.andi %eq3A_227, %lt3A_231 : i1
      %convert_element_type3A_233 = arith.extui %and3A_232 : i1 to i32
      %cond3A_234 = arith.constant 0 : i32
      %cond3A_235 = arith.cmpi ne, %convert_element_type3A_233, %cond3A_234 : i32
      scf.if %cond3A_235 {
        %add3A_252 = arith.constant 6 : i32
        %add3A_253 = arith.addi %scan3A_85, %add3A_252 : i32
        %dma_start3A_254 = arith.constant 4 : i32
        %dma_start3A_255 = arith.constant 0 : i32
        %dma_start3A_256 = arith.constant 0 : i32
        %dma_start3A_257 = tpu.memref_slice %arg9[%dma_start3A_254, %dma_start3A_255, %dma_start3A_256] : memref<6x100x128xf32, #tpu.memory_space<vmem>> -> memref<1x100x128xf32, #tpu.memory_space<vmem>>
        %dma_start3A_258 = tpu.memref_squeeze %dma_start3A_257 : memref<1x100x128xf32, #tpu.memory_space<vmem>> -> memref<100x128xf32, #tpu.memory_space<vmem>>
        %dma_start3A_259 = arith.constant 0 : i32
        %dma_start3A_260 = tpu.memref_slice %arg8[%add3A_253, %dma_start3A_259] : memref<320x100xi32, #tpu.memory_space<vmem>> -> memref<1x100xi32, #tpu.memory_space<vmem>>
        %dma_start3A_261 = tpu.memref_squeeze %dma_start3A_260 : memref<1x100xi32, #tpu.memory_space<vmem>> -> memref<100xi32, #tpu.memory_space<vmem>>
        %dma_start3A_262 = arith.constant 0 : i32
        %dma_start3A_263 = arith.constant 0 : i32
        %dma_start3A_264 = tpu.memref_slice %arg5[%dma_start3A_262, %dma_start3A_263] : memref<1000000x128xf32, #tpu.memory_space<hbm>> -> memref<1000000x128xf32, #tpu.memory_space<hbm>>
        tpu.enqueue_indirect_dma source(%dma_start3A_264 : memref<1000000x128xf32, #tpu.memory_space<hbm>>) target(%dma_start3A_258 : memref<100x128xf32, #tpu.memory_space<vmem>>) offsets(%dma_start3A_261 : memref<100xi32, #tpu.memory_space<vmem>>) semaphore(%arg21 : memref<!tpu.dma_semaphore, #tpu.memory_space<semaphore_mem>>)
      } else {
      }
      %eq3A_236 = arith.constant 5 : i32
      %eq3A_237 = arith.cmpi eq, %sub3A_132, %eq3A_236 : i32
      %add3A_238 = arith.constant 6 : i32
      %add3A_239 = arith.addi %scan3A_85, %add3A_238 : i32
      %lt3A_240 = arith.constant 320 : i32
      %lt3A_241 = arith.cmpi slt, %add3A_239, %lt3A_240 : i32
      %and3A_242 = arith.andi %eq3A_237, %lt3A_241 : i1
      %convert_element_type3A_243 = arith.extui %and3A_242 : i1 to i32
      %cond3A_244 = arith.constant 0 : i32
      %cond3A_245 = arith.cmpi ne, %convert_element_type3A_243, %cond3A_244 : i32
      scf.if %cond3A_245 {
        %add3A_252 = arith.constant 6 : i32
        %add3A_253 = arith.addi %scan3A_85, %add3A_252 : i32
        %dma_start3A_254 = arith.constant 5 : i32
        %dma_start3A_255 = arith.constant 0 : i32
        %dma_start3A_256 = arith.constant 0 : i32
        %dma_start3A_257 = tpu.memref_slice %arg9[%dma_start3A_254, %dma_start3A_255, %dma_start3A_256] : memref<6x100x128xf32, #tpu.memory_space<vmem>> -> memref<1x100x128xf32, #tpu.memory_space<vmem>>
        %dma_start3A_258 = tpu.memref_squeeze %dma_start3A_257 : memref<1x100x128xf32, #tpu.memory_space<vmem>> -> memref<100x128xf32, #tpu.memory_space<vmem>>
        %dma_start3A_259 = arith.constant 0 : i32
        %dma_start3A_260 = tpu.memref_slice %arg8[%add3A_253, %dma_start3A_259] : memref<320x100xi32, #tpu.memory_space<vmem>> -> memref<1x100xi32, #tpu.memory_space<vmem>>
        %dma_start3A_261 = tpu.memref_squeeze %dma_start3A_260 : memref<1x100xi32, #tpu.memory_space<vmem>> -> memref<100xi32, #tpu.memory_space<vmem>>
        %dma_start3A_262 = arith.constant 0 : i32
        %dma_start3A_263 = arith.constant 0 : i32
        %dma_start3A_264 = tpu.memref_slice %arg5[%dma_start3A_262, %dma_start3A_263] : memref<1000000x128xf32, #tpu.memory_space<hbm>> -> memref<1000000x128xf32, #tpu.memory_space<hbm>>
        tpu.enqueue_indirect_dma source(%dma_start3A_264 : memref<1000000x128xf32, #tpu.memory_space<hbm>>) target(%dma_start3A_258 : memref<100x128xf32, #tpu.memory_space<vmem>>) offsets(%dma_start3A_261 : memref<100xi32, #tpu.memory_space<vmem>>) semaphore(%arg22 : memref<!tpu.dma_semaphore, #tpu.memory_space<semaphore_mem>>)
      } else {
      }
      %eq3A_246 = arith.constant 9 : i32
      %eq3A_247 = arith.cmpi eq, %sub3A_105, %eq3A_246 : i32
      %convert_element_type3A_248 = arith.extui %eq3A_247 : i1 to i32
      %cond3A_249 = arith.constant 0 : i32
      %cond3A_250 = arith.cmpi ne, %convert_element_type3A_248, %cond3A_249 : i32
      scf.if %cond3A_250 {
        %get3A_252 = arith.index_cast %select_n3A : i32 to index
        %get3A_253 = arith.constant 0 : index
        %get3A_254 = tpu.vector_load %arg13[%get3A_252, %get3A_253] {strides = array<i32>} : memref<32x64xi32, #tpu.memory_space<vmem>>, vector<1x16xi32>,
        %get3A_255 = vector.shape_cast %get3A_254 : vector<1x16xi32> to vector<16xi32>
        %eq3A_256 = arith.constant 0 : i32
        %eq3A_257 = vector.broadcast %eq3A_256 : i32 to vector<16xi32>
        %eq3A_258 = arith.cmpi eq, %get3A_255, %eq3A_257 : vector<16xi32>
        %get3A_259 = arith.constant 0 : index
        %get3A_260 = tpu.vector_load %arg11[%get3A_259] {strides = array<i32>} : memref<64xf32, #tpu.memory_space<vmem>>, vector<16xf32>,
        %get3A_261 = vector.shape_cast %get3A_260 : vector<16xf32> to vector<16xf32>
        %jit3A_262 = arith.constant -1.000000e+09 : f32
        %broadcast_in_dim3A_263 = vector.broadcast %jit3A_262 : f32 to vector<16xf32>
        %select_n3A_264 = arith.select %eq3A_258, %broadcast_in_dim3A_263, %get3A_261 : vector<16xi1>, vector<16xf32>
        %get3A_265 = arith.index_cast %select_n3A : i32 to index
        %get3A_266 = arith.constant 16 : index
        %get3A_267 = tpu.vector_load %arg13[%get3A_265, %get3A_266] {strides = array<i32>} : memref<32x64xi32, #tpu.memory_space<vmem>>, vector<1x16xi32>,
        %get3A_268 = vector.shape_cast %get3A_267 : vector<1x16xi32> to vector<16xi32>
        %eq3A_269 = arith.constant 0 : i32
        %eq3A_270 = vector.broadcast %eq3A_269 : i32 to vector<16xi32>
        %eq3A_271 = arith.cmpi eq, %get3A_268, %eq3A_270 : vector<16xi32>
        %get3A_272 = arith.constant 16 : index
        %get3A_273 = tpu.vector_load %arg11[%get3A_272] {strides = array<i32>} : memref<64xf32, #tpu.memory_space<vmem>>, vector<16xf32>,
        %get3A_274 = vector.shape_cast %get3A_273 : vector<16xf32> to vector<16xf32>
        %jit3A_275 = arith.constant -1.000000e+09 : f32
        %broadcast_in_dim3A_276 = vector.broadcast %jit3A_275 : f32 to vector<16xf32>
        %select_n3A_277 = arith.select %eq3A_271, %broadcast_in_dim3A_276, %get3A_274 : vector<16xi1>, vector<16xf32>
        %get3A_278 = arith.index_cast %select_n3A : i32 to index
        %get3A_279 = arith.constant 32 : index
        %get3A_280 = tpu.vector_load %arg13[%get3A_278, %get3A_279] {strides = array<i32>} : memref<32x64xi32, #tpu.memory_space<vmem>>, vector<1x16xi32>,
        %get3A_281 = vector.shape_cast %get3A_280 : vector<1x16xi32> to vector<16xi32>
        %eq3A_282 = arith.constant 0 : i32
        %eq3A_283 = vector.broadcast %eq3A_282 : i32 to vector<16xi32>
        %eq3A_284 = arith.cmpi eq, %get3A_281, %eq3A_283 : vector<16xi32>
        %get3A_285 = arith.constant 32 : index
        %get3A_286 = tpu.vector_load %arg11[%get3A_285] {strides = array<i32>} : memref<64xf32, #tpu.memory_space<vmem>>, vector<16xf32>,
        %get3A_287 = vector.shape_cast %get3A_286 : vector<16xf32> to vector<16xf32>
        %jit3A_288 = arith.constant -1.000000e+09 : f32
        %broadcast_in_dim3A_289 = vector.broadcast %jit3A_288 : f32 to vector<16xf32>
        %select_n3A_290 = arith.select %eq3A_284, %broadcast_in_dim3A_289, %get3A_287 : vector<16xi1>, vector<16xf32>
        %get3A_291 = arith.index_cast %select_n3A : i32 to index
        %get3A_292 = arith.constant 48 : index
        %get3A_293 = tpu.vector_load %arg13[%get3A_291, %get3A_292] {strides = array<i32>} : memref<32x64xi32, #tpu.memory_space<vmem>>, vector<1x16xi32>,
        %get3A_294 = vector.shape_cast %get3A_293 : vector<1x16xi32> to vector<16xi32>
        %eq3A_295 = arith.constant 0 : i32
        %eq3A_296 = vector.broadcast %eq3A_295 : i32 to vector<16xi32>
        %eq3A_297 = arith.cmpi eq, %get3A_294, %eq3A_296 : vector<16xi32>
        %get3A_298 = arith.constant 48 : index
        %get3A_299 = tpu.vector_load %arg11[%get3A_298] {strides = array<i32>} : memref<64xf32, #tpu.memory_space<vmem>>, vector<16xf32>,
        %get3A_300 = vector.shape_cast %get3A_299 : vector<16xf32> to vector<16xf32>
        %jit3A_301 = arith.constant -1.000000e+09 : f32
        %broadcast_in_dim3A_302 = vector.broadcast %jit3A_301 : f32 to vector<16xf32>
        %select_n3A_303 = arith.select %eq3A_297, %broadcast_in_dim3A_302, %get3A_300 : vector<16xi1>, vector<16xf32>
        %ge3A = arith.constant 2 : i32
        %ge3A_304 = vector.broadcast %ge3A : i32 to vector<16xi32>
        %ge3A_305 = arith.cmpi sge, %iota3A, %ge3A_304 : vector<16xi32>
        %jit3A_306 = arith.constant -1.000000e+30 : f32
        %broadcast_in_dim3A_307 = vector.broadcast %jit3A_306 : f32 to vector<16xf32>
        %select_n3A_308 = arith.select %ge3A_305, %broadcast_in_dim3A_307, %select_n3A_303 : vector<16xi1>, vector<16xf32>
        %max3A = arith.maximumf %select_n3A_264, %select_n3A_277 : vector<16xf32>
        %max3A_309 = arith.maximumf %select_n3A_290, %select_n3A_308 : vector<16xf32>
        %max3A_310 = arith.maximumf %max3A, %max3A_309 : vector<16xf32>
        %xor3A = arith.constant 8 : i32
        %xor3A_311 = vector.broadcast %xor3A : i32 to vector<16xi32>
        %xor3A_312 = arith.xori %iota3A, %xor3A_311 : vector<16xi32>
        %lt3A_313 = arith.constant 0 : i32
        %lt3A_314 = vector.broadcast %lt3A_313 : i32 to vector<16xi32>
        %lt3A_315 = arith.cmpi slt, %xor3A_312, %lt3A_314 : vector<16xi32>
        %add3A_316 = arith.constant 16 : i32
        %add3A_317 = vector.broadcast %add3A_316 : i32 to vector<16xi32>
        %add3A_318 = arith.addi %xor3A_312, %add3A_317 : vector<16xi32>
        %select_n3A_319 = arith.select %lt3A_315, %add3A_318, %xor3A_312 : vector<16xi1>, vector<16xi32>
        %broadcast_in_dim3A_320 = vector.shape_cast %select_n3A_319 : vector<16xi32> to vector<16x1xi32>
        %gather3A = vector.shape_cast %broadcast_in_dim3A_320 : vector<16x1xi32> to vector<16xi32>
        %gather3A_321 = tpu.dynamic_gather %max3A_310[%gather3A] in [0] : vector<16xf32>, vector<16xi32> -> vector<16xf32>
        %max3A_322 = arith.maximumf %max3A_310, %gather3A_321 : vector<16xf32>
        %xor3A_323 = arith.constant 4 : i32
        %xor3A_324 = vector.broadcast %xor3A_323 : i32 to vector<16xi32>
        %xor3A_325 = arith.xori %iota3A, %xor3A_324 : vector<16xi32>
        %lt3A_326 = arith.constant 0 : i32
        %lt3A_327 = vector.broadcast %lt3A_326 : i32 to vector<16xi32>
        %lt3A_328 = arith.cmpi slt, %xor3A_325, %lt3A_327 : vector<16xi32>
        %add3A_329 = arith.constant 16 : i32
        %add3A_330 = vector.broadcast %add3A_329 : i32 to vector<16xi32>
        %add3A_331 = arith.addi %xor3A_325, %add3A_330 : vector<16xi32>
        %select_n3A_332 = arith.select %lt3A_328, %add3A_331, %xor3A_325 : vector<16xi1>, vector<16xi32>
        %broadcast_in_dim3A_333 = vector.shape_cast %select_n3A_332 : vector<16xi32> to vector<16x1xi32>
        %gather3A_334 = vector.shape_cast %broadcast_in_dim3A_333 : vector<16x1xi32> to vector<16xi32>
        %gather3A_335 = tpu.dynamic_gather %max3A_322[%gather3A_334] in [0] : vector<16xf32>, vector<16xi32> -> vector<16xf32>
        %max3A_336 = arith.maximumf %max3A_322, %gather3A_335 : vector<16xf32>
        %xor3A_337 = arith.constant 2 : i32
        %xor3A_338 = vector.broadcast %xor3A_337 : i32 to vector<16xi32>
        %xor3A_339 = arith.xori %iota3A, %xor3A_338 : vector<16xi32>
        %lt3A_340 = arith.constant 0 : i32
        %lt3A_341 = vector.broadcast %lt3A_340 : i32 to vector<16xi32>
        %lt3A_342 = arith.cmpi slt, %xor3A_339, %lt3A_341 : vector<16xi32>
        %add3A_343 = arith.constant 16 : i32
        %add3A_344 = vector.broadcast %add3A_343 : i32 to vector<16xi32>
        %add3A_345 = arith.addi %xor3A_339, %add3A_344 : vector<16xi32>
        %select_n3A_346 = arith.select %lt3A_342, %add3A_345, %xor3A_339 : vector<16xi1>, vector<16xi32>
        %broadcast_in_dim3A_347 = vector.shape_cast %select_n3A_346 : vector<16xi32> to vector<16x1xi32>
        %gather3A_348 = vector.shape_cast %broadcast_in_dim3A_347 : vector<16x1xi32> to vector<16xi32>
        %gather3A_349 = tpu.dynamic_gather %max3A_336[%gather3A_348] in [0] : vector<16xf32>, vector<16xi32> -> vector<16xf32>
        %max3A_350 = arith.maximumf %max3A_336, %gather3A_349 : vector<16xf32>
        %xor3A_351 = arith.constant 1 : i32
        %xor3A_352 = vector.broadcast %xor3A_351 : i32 to vector<16xi32>
        %xor3A_353 = arith.xori %iota3A, %xor3A_352 : vector<16xi32>
        %lt3A_354 = arith.constant 0 : i32
        %lt3A_355 = vector.broadcast %lt3A_354 : i32 to vector<16xi32>
        %lt3A_356 = arith.cmpi slt, %xor3A_353, %lt3A_355 : vector<16xi32>
        %add3A_357 = arith.constant 16 : i32
        %add3A_358 = vector.broadcast %add3A_357 : i32 to vector<16xi32>
        %add3A_359 = arith.addi %xor3A_353, %add3A_358 : vector<16xi32>
        %select_n3A_360 = arith.select %lt3A_356, %add3A_359, %xor3A_353 : vector<16xi1>, vector<16xi32>
        %broadcast_in_dim3A_361 = vector.shape_cast %select_n3A_360 : vector<16xi32> to vector<16x1xi32>
        %gather3A_362 = vector.shape_cast %broadcast_in_dim3A_361 : vector<16x1xi32> to vector<16xi32>
        %gather3A_363 = tpu.dynamic_gather %max3A_350[%gather3A_362] in [0] : vector<16xf32>, vector<16xi32> -> vector<16xf32>
        %max3A_364 = arith.maximumf %max3A_350, %gather3A_363 : vector<16xf32>
        %sub3A_365 = arith.subf %select_n3A_264, %max3A_364 : vector<16xf32>
        %exp3A = math.exp %sub3A_365 : vector<16xf32>
        %sub3A_366 = arith.subf %select_n3A_277, %max3A_364 : vector<16xf32>
        %exp3A_367 = math.exp %sub3A_366 : vector<16xf32>
        %sub3A_368 = arith.subf %select_n3A_290, %max3A_364 : vector<16xf32>
        %exp3A_369 = math.exp %sub3A_368 : vector<16xf32>
        %sub3A_370 = arith.subf %select_n3A_308, %max3A_364 : vector<16xf32>
        %exp3A_371 = math.exp %sub3A_370 : vector<16xf32>
        %add3A_372 = arith.addf %exp3A, %exp3A_367 : vector<16xf32>
        %add3A_373 = arith.addf %add3A_372, %exp3A_369 : vector<16xf32>
        %add3A_374 = arith.addf %add3A_373, %exp3A_371 : vector<16xf32>
        %xor3A_375 = arith.constant 8 : i32
        %xor3A_376 = vector.broadcast %xor3A_375 : i32 to vector<16xi32>
        %xor3A_377 = arith.xori %iota3A, %xor3A_376 : vector<16xi32>
        %lt3A_378 = arith.constant 0 : i32
        %lt3A_379 = vector.broadcast %lt3A_378 : i32 to vector<16xi32>
        %lt3A_380 = arith.cmpi slt, %xor3A_377, %lt3A_379 : vector<16xi32>
        %add3A_381 = arith.constant 16 : i32
        %add3A_382 = vector.broadcast %add3A_381 : i32 to vector<16xi32>
        %add3A_383 = arith.addi %xor3A_377, %add3A_382 : vector<16xi32>
        %select_n3A_384 = arith.select %lt3A_380, %add3A_383, %xor3A_377 : vector<16xi1>, vector<16xi32>
        %broadcast_in_dim3A_385 = vector.shape_cast %select_n3A_384 : vector<16xi32> to vector<16x1xi32>
        %gather3A_386 = vector.shape_cast %broadcast_in_dim3A_385 : vector<16x1xi32> to vector<16xi32>
        %gather3A_387 = tpu.dynamic_gather %add3A_374[%gather3A_386] in [0] : vector<16xf32>, vector<16xi32> -> vector<16xf32>
        %add3A_388 = arith.addf %add3A_374, %gather3A_387 : vector<16xf32>
        %xor3A_389 = arith.constant 4 : i32
        %xor3A_390 = vector.broadcast %xor3A_389 : i32 to vector<16xi32>
        %xor3A_391 = arith.xori %iota3A, %xor3A_390 : vector<16xi32>
        %lt3A_392 = arith.constant 0 : i32
        %lt3A_393 = vector.broadcast %lt3A_392 : i32 to vector<16xi32>
        %lt3A_394 = arith.cmpi slt, %xor3A_391, %lt3A_393 : vector<16xi32>
        %add3A_395 = arith.constant 16 : i32
        %add3A_396 = vector.broadcast %add3A_395 : i32 to vector<16xi32>
        %add3A_397 = arith.addi %xor3A_391, %add3A_396 : vector<16xi32>
        %select_n3A_398 = arith.select %lt3A_394, %add3A_397, %xor3A_391 : vector<16xi1>, vector<16xi32>
        %broadcast_in_dim3A_399 = vector.shape_cast %select_n3A_398 : vector<16xi32> to vector<16x1xi32>
        %gather3A_400 = vector.shape_cast %broadcast_in_dim3A_399 : vector<16x1xi32> to vector<16xi32>
        %gather3A_401 = tpu.dynamic_gather %add3A_388[%gather3A_400] in [0] : vector<16xf32>, vector<16xi32> -> vector<16xf32>
        %add3A_402 = arith.addf %add3A_388, %gather3A_401 : vector<16xf32>
        %xor3A_403 = arith.constant 2 : i32
        %xor3A_404 = vector.broadcast %xor3A_403 : i32 to vector<16xi32>
        %xor3A_405 = arith.xori %iota3A, %xor3A_404 : vector<16xi32>
        %lt3A_406 = arith.constant 0 : i32
        %lt3A_407 = vector.broadcast %lt3A_406 : i32 to vector<16xi32>
        %lt3A_408 = arith.cmpi slt, %xor3A_405, %lt3A_407 : vector<16xi32>
        %add3A_409 = arith.constant 16 : i32
        %add3A_410 = vector.broadcast %add3A_409 : i32 to vector<16xi32>
        %add3A_411 = arith.addi %xor3A_405, %add3A_410 : vector<16xi32>
        %select_n3A_412 = arith.select %lt3A_408, %add3A_411, %xor3A_405 : vector<16xi1>, vector<16xi32>
        %broadcast_in_dim3A_413 = vector.shape_cast %select_n3A_412 : vector<16xi32> to vector<16x1xi32>
        %gather3A_414 = vector.shape_cast %broadcast_in_dim3A_413 : vector<16x1xi32> to vector<16xi32>
        %gather3A_415 = tpu.dynamic_gather %add3A_402[%gather3A_414] in [0] : vector<16xf32>, vector<16xi32> -> vector<16xf32>
        %add3A_416 = arith.addf %add3A_402, %gather3A_415 : vector<16xf32>
        %xor3A_417 = arith.constant 1 : i32
        %xor3A_418 = vector.broadcast %xor3A_417 : i32 to vector<16xi32>
        %xor3A_419 = arith.xori %iota3A, %xor3A_418 : vector<16xi32>
        %lt3A_420 = arith.constant 0 : i32
        %lt3A_421 = vector.broadcast %lt3A_420 : i32 to vector<16xi32>
        %lt3A_422 = arith.cmpi slt, %xor3A_419, %lt3A_421 : vector<16xi32>
        %add3A_423 = arith.constant 16 : i32
        %add3A_424 = vector.broadcast %add3A_423 : i32 to vector<16xi32>
        %add3A_425 = arith.addi %xor3A_419, %add3A_424 : vector<16xi32>
        %select_n3A_426 = arith.select %lt3A_422, %add3A_425, %xor3A_419 : vector<16xi1>, vector<16xi32>
        %broadcast_in_dim3A_427 = vector.shape_cast %select_n3A_426 : vector<16xi32> to vector<16x1xi32>
        %gather3A_428 = vector.shape_cast %broadcast_in_dim3A_427 : vector<16x1xi32> to vector<16xi32>
        %gather3A_429 = tpu.dynamic_gather %add3A_416[%gather3A_428] in [0] : vector<16xf32>, vector<16xi32> -> vector<16xf32>
        %add3A_430 = arith.addf %add3A_416, %gather3A_429 : vector<16xf32>
        %div3A_431 = arith.constant 1.000000e+00 : f32
        %div3A_432 = vector.broadcast %div3A_431 : f32 to vector<16xf32>
        %div3A_433 = arith.divf %div3A_432, %add3A_430 : vector<16xf32>
        %mul3A_434 = arith.mulf %exp3A, %div3A_433 : vector<16xf32>
        %swap3A = arith.constant 0 : index
        %swap3A_435 = tpu.vector_load %arg16[%swap3A] {strides = array<i32>} : memref<80xf32, #tpu.memory_space<vmem>>, vector<16xf32>,
        %swap3A_436 = vector.shape_cast %swap3A_435 : vector<16xf32> to vector<16xf32>
        %swap3A_437 = vector.shape_cast %mul3A_434 : vector<16xf32> to vector<16xf32>
        tpu.vector_store %arg16[%swap3A], %swap3A_437 {strides = array<i32>} : memref<80xf32, #tpu.memory_space<vmem>>, vector<16xf32>,
        %swap3A_438 = arith.index_cast %select_n3A : i32 to index
        %swap3A_439 = arith.constant 0 : index
        %swap3A_440 = tpu.vector_load %arg15[%swap3A_438, %swap3A_439] {strides = array<i32>} : memref<32x64xf32, #tpu.memory_space<vmem>>, vector<1x16xf32>,
        %swap3A_441 = vector.shape_cast %swap3A_440 : vector<1x16xf32> to vector<16xf32>
        %swap3A_442 = vector.shape_cast %mul3A_434 : vector<16xf32> to vector<1x16xf32>
        tpu.vector_store %arg15[%swap3A_438, %swap3A_439], %swap3A_442 {strides = array<i32>} : memref<32x64xf32, #tpu.memory_space<vmem>>, vector<1x16xf32>,
        %mul3A_443 = arith.mulf %exp3A_367, %div3A_433 : vector<16xf32>
        %swap3A_444 = arith.constant 16 : index
        %swap3A_445 = tpu.vector_load %arg16[%swap3A_444] {strides = array<i32>} : memref<80xf32, #tpu.memory_space<vmem>>, vector<16xf32>,
        %swap3A_446 = vector.shape_cast %swap3A_445 : vector<16xf32> to vector<16xf32>
        %swap3A_447 = vector.shape_cast %mul3A_443 : vector<16xf32> to vector<16xf32>
        tpu.vector_store %arg16[%swap3A_444], %swap3A_447 {strides = array<i32>} : memref<80xf32, #tpu.memory_space<vmem>>, vector<16xf32>,
        %swap3A_448 = arith.index_cast %select_n3A : i32 to index
        %swap3A_449 = arith.constant 16 : index
        %swap3A_450 = tpu.vector_load %arg15[%swap3A_448, %swap3A_449] {strides = array<i32>} : memref<32x64xf32, #tpu.memory_space<vmem>>, vector<1x16xf32>,
        %swap3A_451 = vector.shape_cast %swap3A_450 : vector<1x16xf32> to vector<16xf32>
        %swap3A_452 = vector.shape_cast %mul3A_443 : vector<16xf32> to vector<1x16xf32>
        tpu.vector_store %arg15[%swap3A_448, %swap3A_449], %swap3A_452 {strides = array<i32>} : memref<32x64xf32, #tpu.memory_space<vmem>>, vector<1x16xf32>,
        %mul3A_453 = arith.mulf %exp3A_369, %div3A_433 : vector<16xf32>
        %swap3A_454 = arith.constant 32 : index
        %swap3A_455 = tpu.vector_load %arg16[%swap3A_454] {strides = array<i32>} : memref<80xf32, #tpu.memory_space<vmem>>, vector<16xf32>,
        %swap3A_456 = vector.shape_cast %swap3A_455 : vector<16xf32> to vector<16xf32>
        %swap3A_457 = vector.shape_cast %mul3A_453 : vector<16xf32> to vector<16xf32>
        tpu.vector_store %arg16[%swap3A_454], %swap3A_457 {strides = array<i32>} : memref<80xf32, #tpu.memory_space<vmem>>, vector<16xf32>,
        %swap3A_458 = arith.index_cast %select_n3A : i32 to index
        %swap3A_459 = arith.constant 32 : index
        %swap3A_460 = tpu.vector_load %arg15[%swap3A_458, %swap3A_459] {strides = array<i32>} : memref<32x64xf32, #tpu.memory_space<vmem>>, vector<1x16xf32>,
        %swap3A_461 = vector.shape_cast %swap3A_460 : vector<1x16xf32> to vector<16xf32>
        %swap3A_462 = vector.shape_cast %mul3A_453 : vector<16xf32> to vector<1x16xf32>
        tpu.vector_store %arg15[%swap3A_458, %swap3A_459], %swap3A_462 {strides = array<i32>} : memref<32x64xf32, #tpu.memory_space<vmem>>, vector<1x16xf32>,
        %mul3A_463 = arith.mulf %exp3A_371, %div3A_433 : vector<16xf32>
        %swap3A_464 = arith.constant 48 : index
        %swap3A_465 = tpu.vector_load %arg16[%swap3A_464] {strides = array<i32>} : memref<80xf32, #tpu.memory_space<vmem>>, vector<16xf32>,
        %swap3A_466 = vector.shape_cast %swap3A_465 : vector<16xf32> to vector<16xf32>
        %swap3A_467 = vector.shape_cast %mul3A_463 : vector<16xf32> to vector<16xf32>
        tpu.vector_store %arg16[%swap3A_464], %swap3A_467 {strides = array<i32>} : memref<80xf32, #tpu.memory_space<vmem>>, vector<16xf32>,
        %swap3A_468 = arith.index_cast %select_n3A : i32 to index
        %swap3A_469 = arith.constant 48 : index
        %swap3A_470 = tpu.vector_load %arg15[%swap3A_468, %swap3A_469] {strides = array<i32>} : memref<32x64xf32, #tpu.memory_space<vmem>>, vector<1x16xf32>,
        %swap3A_471 = vector.shape_cast %swap3A_470 : vector<1x16xf32> to vector<16xf32>
        %swap3A_472 = vector.shape_cast %mul3A_463 : vector<16xf32> to vector<1x16xf32>
        tpu.vector_store %arg15[%swap3A_468, %swap3A_469], %swap3A_472 {strides = array<i32>} : memref<32x64xf32, #tpu.memory_space<vmem>>, vector<1x16xf32>,
        %scan3A_473 = arith.constant 0 : i32
        %scan3A_474 = arith.constant 50 : i32
        %scan3A_475 = arith.addi %scan3A_473, %scan3A_474 : i32
        %scan3A_476 = arith.constant 1 : i32
        %scan3A_477:4 = scf.for %scan3A_503 = %scan3A_473 to %scan3A_475 step %scan3A_476 iter_args(%scan3A_504 = %broadcast_in_dim3A_5, %scan3A_505 = %broadcast_in_dim3A_5, %scan3A_506 = %broadcast_in_dim3A_5, %scan3A_507 = %broadcast_in_dim3A_5) -> (vector<16xf32>, vector<16xf32>, vector<16xf32>, vector<16xf32>)  : i32 {
          %get3A_508 = arith.index_cast %scan3A_503 : i32 to index
          %get3A_509 = tpu.vector_load %arg16[%get3A_508] {strides = array<i32>} : memref<80xf32, #tpu.memory_space<vmem>>, vector<16xf32>,
          %get3A_510 = vector.shape_cast %get3A_509 : vector<16xf32> to vector<16xf32>
          %lt3A_511 = arith.constant 0 : i32
          %lt3A_512 = vector.broadcast %lt3A_511 : i32 to vector<16xi32>
          %lt3A_513 = arith.cmpi slt, %broadcast_in_dim3A_3, %lt3A_512 : vector<16xi32>
          %add3A_514 = arith.constant 16 : i32
          %add3A_515 = vector.broadcast %add3A_514 : i32 to vector<16xi32>
          %add3A_516 = arith.addi %broadcast_in_dim3A_3, %add3A_515 : vector<16xi32>
          %select_n3A_517 = arith.select %lt3A_513, %add3A_516, %broadcast_in_dim3A_3 : vector<16xi1>, vector<16xi32>
          %broadcast_in_dim3A_518 = vector.shape_cast %select_n3A_517 : vector<16xi32> to vector<16x1xi32>
          %gather3A_519 = vector.shape_cast %broadcast_in_dim3A_518 : vector<16x1xi32> to vector<16xi32>
          %gather3A_520 = tpu.dynamic_gather %get3A_510[%gather3A_519] in [0] : vector<16xf32>, vector<16xi32> -> vector<16xf32>
          %get3A_521 = arith.index_cast %scan3A_503 : i32 to index
          %get3A_522 = arith.constant 0 : index
          %get3A_523 = tpu.vector_load %arg10[%get3A_521, %get3A_522] {strides = array<i32>} : memref<50x64xf32, #tpu.memory_space<vmem>>, vector<1x16xf32>,
          %get3A_524 = vector.shape_cast %get3A_523 : vector<1x16xf32> to vector<16xf32>
          %mul3A_525 = arith.mulf %gather3A_520, %get3A_524 : vector<16xf32>
          %add3A_526 = arith.addf %scan3A_504, %mul3A_525 : vector<16xf32>
          %get3A_527 = arith.index_cast %scan3A_503 : i32 to index
          %get3A_528 = arith.constant 16 : index
          %get3A_529 = tpu.vector_load %arg10[%get3A_527, %get3A_528] {strides = array<i32>} : memref<50x64xf32, #tpu.memory_space<vmem>>, vector<1x16xf32>,
          %get3A_530 = vector.shape_cast %get3A_529 : vector<1x16xf32> to vector<16xf32>
          %mul3A_531 = arith.mulf %gather3A_520, %get3A_530 : vector<16xf32>
          %add3A_532 = arith.addf %scan3A_505, %mul3A_531 : vector<16xf32>
          %get3A_533 = arith.index_cast %scan3A_503 : i32 to index
          %get3A_534 = arith.constant 32 : index
          %get3A_535 = tpu.vector_load %arg10[%get3A_533, %get3A_534] {strides = array<i32>} : memref<50x64xf32, #tpu.memory_space<vmem>>, vector<1x16xf32>,
          %get3A_536 = vector.shape_cast %get3A_535 : vector<1x16xf32> to vector<16xf32>
          %mul3A_537 = arith.mulf %gather3A_520, %get3A_536 : vector<16xf32>
          %add3A_538 = arith.addf %scan3A_506, %mul3A_537 : vector<16xf32>
          %get3A_539 = arith.index_cast %scan3A_503 : i32 to index
          %get3A_540 = arith.constant 48 : index
          %get3A_541 = tpu.vector_load %arg10[%get3A_539, %get3A_540] {strides = array<i32>} : memref<50x64xf32, #tpu.memory_space<vmem>>, vector<1x16xf32>,
          %get3A_542 = vector.shape_cast %get3A_541 : vector<1x16xf32> to vector<16xf32>
          %mul3A_543 = arith.mulf %gather3A_520, %get3A_542 : vector<16xf32>
          %add3A_544 = arith.addf %scan3A_507, %mul3A_543 : vector<16xf32>
          scf.yield %add3A_526, %add3A_532, %add3A_538, %add3A_544 : vector<16xf32>, vector<16xf32>, vector<16xf32>, vector<16xf32>
        }
        %scan3A_478 = arith.constant 50 : i32
        %add3A_479 = arith.addf %get3A_167, %scan3A_477#0 : vector<16xf32>
        %swap3A_480 = arith.index_cast %select_n3A : i32 to index
        %swap3A_481 = arith.constant 0 : index
        %swap3A_482 = tpu.vector_load %arg14[%swap3A_480, %swap3A_481] {strides = array<i32>} : memref<32x64xf32, #tpu.memory_space<vmem>>, vector<1x16xf32>,
        %swap3A_483 = vector.shape_cast %swap3A_482 : vector<1x16xf32> to vector<16xf32>
        %swap3A_484 = vector.shape_cast %add3A_479 : vector<16xf32> to vector<1x16xf32>
        tpu.vector_store %arg14[%swap3A_480, %swap3A_481], %swap3A_484 {strides = array<i32>} : memref<32x64xf32, #tpu.memory_space<vmem>>, vector<1x16xf32>,
        %add3A_485 = arith.addf %get3A_171, %scan3A_477#1 : vector<16xf32>
        %swap3A_486 = arith.index_cast %select_n3A : i32 to index
        %swap3A_487 = arith.constant 16 : index
        %swap3A_488 = tpu.vector_load %arg14[%swap3A_486, %swap3A_487] {strides = array<i32>} : memref<32x64xf32, #tpu.memory_space<vmem>>, vector<1x16xf32>,
        %swap3A_489 = vector.shape_cast %swap3A_488 : vector<1x16xf32> to vector<16xf32>
        %swap3A_490 = vector.shape_cast %add3A_485 : vector<16xf32> to vector<1x16xf32>
        tpu.vector_store %arg14[%swap3A_486, %swap3A_487], %swap3A_490 {strides = array<i32>} : memref<32x64xf32, #tpu.memory_space<vmem>>, vector<1x16xf32>,
        %add3A_491 = arith.addf %get3A_175, %scan3A_477#2 : vector<16xf32>
        %swap3A_492 = arith.index_cast %select_n3A : i32 to index
        %swap3A_493 = arith.constant 32 : index
        %swap3A_494 = tpu.vector_load %arg14[%swap3A_492, %swap3A_493] {strides = array<i32>} : memref<32x64xf32, #tpu.memory_space<vmem>>, vector<1x16xf32>,
        %swap3A_495 = vector.shape_cast %swap3A_494 : vector<1x16xf32> to vector<16xf32>
        %swap3A_496 = vector.shape_cast %add3A_491 : vector<16xf32> to vector<1x16xf32>
        tpu.vector_store %arg14[%swap3A_492, %swap3A_493], %swap3A_496 {strides = array<i32>} : memref<32x64xf32, #tpu.memory_space<vmem>>, vector<1x16xf32>,
        %add3A_497 = arith.addf %get3A_179, %scan3A_477#3 : vector<16xf32>
        %swap3A_498 = arith.index_cast %select_n3A : i32 to index
        %swap3A_499 = arith.constant 48 : index
        %swap3A_500 = tpu.vector_load %arg14[%swap3A_498, %swap3A_499] {strides = array<i32>} : memref<32x64xf32, #tpu.memory_space<vmem>>, vector<1x16xf32>,
        %swap3A_501 = vector.shape_cast %swap3A_500 : vector<1x16xf32> to vector<16xf32>
        %swap3A_502 = vector.shape_cast %add3A_497 : vector<16xf32> to vector<1x16xf32>
        tpu.vector_store %arg14[%swap3A_498, %swap3A_499], %swap3A_502 {strides = array<i32>} : memref<32x64xf32, #tpu.memory_space<vmem>>, vector<1x16xf32>,
      } else {
      }
      %scan3A_251 = arith.constant 0 : i32
      scf.yield %scan3A_251 : i32
    }
    %scan3A_84 = arith.constant 320 : i32
    "tpu.region"() ({
      %run_scoped3A = tpu.sem_alloc : memref<!tpu.dma_semaphore, #tpu.memory_space<semaphore_mem>>
      %dma_start3A_85 = arith.constant 0 : i32
      %dma_start3A_86 = tpu.memref_slice %arg6[%mul3A_2, %dma_start3A_85] : memref<1024x64xf32, #tpu.memory_space<hbm>> -> memref<32x64xf32, #tpu.memory_space<hbm>>
      %dma_start3A_87 = arith.constant 0 : i32
      %dma_start3A_88 = tpu.memref_slice %arg6[%mul3A_2, %dma_start3A_87] : memref<1024x64xf32, #tpu.memory_space<hbm>> -> memref<32x64xf32, #tpu.memory_space<hbm>>
      tpu.enqueue_dma source(%arg14 : memref<32x64xf32, #tpu.memory_space<vmem>>) target(%dma_start3A_88 : memref<32x64xf32, #tpu.memory_space<hbm>>) target_semaphore(%run_scoped3A : memref<!tpu.dma_semaphore, #tpu.memory_space<semaphore_mem>>)
      %dma_wait3A = arith.constant 0 : i32
      %dma_wait3A_89 = tpu.memref_slice %arg6[%mul3A_2, %dma_wait3A] : memref<1024x64xf32, #tpu.memory_space<hbm>> -> memref<32x64xf32, #tpu.memory_space<hbm>>
      %dma_wait3A_90 = arith.constant 0 : i32
      %dma_wait3A_91 = tpu.memref_slice %arg6[%mul3A_2, %dma_wait3A_90] : memref<1024x64xf32, #tpu.memory_space<hbm>> -> memref<32x64xf32, #tpu.memory_space<hbm>>
      tpu.wait_dma2 semaphore(%run_scoped3A : memref<!tpu.dma_semaphore, #tpu.memory_space<semaphore_mem>>) src(%arg14 : memref<32x64xf32, #tpu.memory_space<vmem>>) dst(%dma_wait3A_91 : memref<32x64xf32, #tpu.memory_space<hbm>>)
      tpu.yield
    }) : () -> ()
    "tpu.region"() ({
      %run_scoped3A = tpu.sem_alloc : memref<!tpu.dma_semaphore, #tpu.memory_space<semaphore_mem>>
      %dma_start3A_85 = arith.constant 0 : i32
      %dma_start3A_86 = tpu.memref_slice %arg7[%mul3A_2, %dma_start3A_85] : memref<1024x64xf32, #tpu.memory_space<hbm>> -> memref<32x64xf32, #tpu.memory_space<hbm>>
      %dma_start3A_87 = arith.constant 0 : i32
      %dma_start3A_88 = tpu.memref_slice %arg7[%mul3A_2, %dma_start3A_87] : memref<1024x64xf32, #tpu.memory_space<hbm>> -> memref<32x64xf32, #tpu.memory_space<hbm>>
      tpu.enqueue_dma source(%arg15 : memref<32x64xf32, #tpu.memory_space<vmem>>) target(%dma_start3A_88 : memref<32x64xf32, #tpu.memory_space<hbm>>) target_semaphore(%run_scoped3A : memref<!tpu.dma_semaphore, #tpu.memory_space<semaphore_mem>>)
      %dma_wait3A = arith.constant 0 : i32
      %dma_wait3A_89 = tpu.memref_slice %arg7[%mul3A_2, %dma_wait3A] : memref<1024x64xf32, #tpu.memory_space<hbm>> -> memref<32x64xf32, #tpu.memory_space<hbm>>
      %dma_wait3A_90 = arith.constant 0 : i32
      %dma_wait3A_91 = tpu.memref_slice %arg7[%mul3A_2, %dma_wait3A_90] : memref<1024x64xf32, #tpu.memory_space<hbm>> -> memref<32x64xf32, #tpu.memory_space<hbm>>
      tpu.wait_dma2 semaphore(%run_scoped3A : memref<!tpu.dma_semaphore, #tpu.memory_space<semaphore_mem>>) src(%arg15 : memref<32x64xf32, #tpu.memory_space<vmem>>) dst(%dma_wait3A_91 : memref<32x64xf32, #tpu.memory_space<hbm>>)
      tpu.yield
    }) : () -> ()
    return
  }
}

</mosaic_0001>

<sc_bundles>
// kernel: _run.3.cloned.1.call-start
scs
__scs_entry_jumppad:
0x0: {  	(pc) =	sbr.rel $0x88, $3  }
0x1: {  	(tag) =	ssettag $0x0;
	lr =	simm.s32 $0x1  }
0x2: {  	[smem:$0x3F9C] =	sst lr;
	_ =	strace $0xD0000000  }
0x3: {  	_ = 	snop  }
0x4: {  	_ = 	snop  }
0x5: {  	_ = 	snop  }
0x6: {  	_ = 	snop  }
0x7: {  	_ = 	snop  }
__scs_overlays_trampoline_lowered:
0x8: {  	[smem:$0x3FAB] =	sst s0  }
0x9: {  	[smem:$0x3FAC] =	sst s1  }
0xa: {  	[smem:$0x3FAD] =	sst s2  }
0xb: {  	[smem:$0x3FAE] =	sst s3  }
0xc: {  	[smem:$0x3FAF] =	sst s4  }
0xd: {  	[smem:$0x3FB0] =	sst s5  }
0xe: {  	[smem:$0x3FB1] =	sst s6  }
0xf: {  	[smem:$0x3FB2] =	sst s7  }
0x10: {  	[smem:$0x3FB3] =	sst s8  }
0x11: {  	[smem:$0x3FB4] =	sst s9;
	s0 =	simm.s32 @!p0 $0x0  }
0x12: {  	s1 =	sld [smem:$0x3F9A];
	s0 =	simm.s32 @p0 $0x1  }
0x13: {  	[smem:$0x3FB5] =	sst s0;
	s0 =	simm.s32 @!p1 $0x0  }
0x14: {  	s2 =	sld [smem:$0x3F99];
	s0 =	simm.s32 @p1 $0x1  }
0x15: {  	[smem:$0x3FB6] =	sst s0;
	s0 =	simm.s32 @!p2 $0x0  }
0x16: {  	s3 =	sld [smem:$0x3FDB];
	s0 =	simm.s32 @p2 $0x1  }
0x17: {  	s4 =	simm.s32 $0x1BF5;
	[smem:$0x3FB8] =	sst s0  }
0x18: {  	s0 =	sld [smem:$0x3F9B];
	_ =	swait.ge [sflag:s4], $0x0  }
0x19: {  	s7 =	sld [smem:$0x3F9C]  }
0x1a: {  	s8 =	sadd.s32 $0xFFFFE003, lr  }
0x1b: {  	s9 =	sadd.s32 $0xFFFFFEF7, lr;
	s5 =	simm.s32 $0xFFFFFFFF;
	p2 =	slt.u32 s8, $0xFFFFF086  }
0x1c: {  	p1 =	slt.u32 s9, $0xF7A;
	s5 =	simm.s32 @!p2 $0x0  }
0x1d: {  	s5 =	simm.s32 @p1 $0x1;
	p0 =	seq.s32 s7, s2  }
0x1e: {  	s7 =	smul.u32 @!p0 $0xF7A, s2;
	p2 =	seq.s32 @!p0 s5, $0x0  }
0x1f: {  	s9 =	smul.u32 $0xF7A, s1;
	s8 =	simm.s32 @!p0 $0x1BF5;
	p2 =	por !p2, p0  }
0x20: {  	[sflag:s8] =	ssyncset.s32 @!p0 $0xFFFFF086;
	s6 =	sadd.s32 @!p0 s3, s7;
	s7 =	simm.s32 @!p0 $0x108  }
0x21: {  	s3 =	sadd.s32 s3, s9;
	s6 =	sadd.s32 @!p0 $0x88, s6;
	s7 =	simm.s32 @p2 $0x1082  }
0x22: {  	[simem:s7], [sflag:s8] =	dma.local @!p0 [hbm:s6], $0xF7A  }
0x23: {  	s9 =	sor.u32 $0xD0000000, s2;
	s6 =	simm.s32 $0x108;
	_ =	swait.ge @!p0 [sflag:s8], $0x0  }
0x24: {  	s3 =	sadd.s32 $0x88, s3;
	s6 =	simm.s32 @!p1 $0x1082;
	[sflag:s4] =	ssyncset.s32 $0xFFFFF086  }
0x25: {  	[simem:s6], [sflag:s4] =	dma.local [hbm:s3], $0xF7A  }
0x26: {  	[smem:$0x3F9C] =	sst s1;
	(tag) =	ssettag s2;
	_ =	strace s9  }
0x27: {  	s1 =	sld [smem:$0x3FAC]  }
0x28: {  	s2 =	sld [smem:$0x3FAD]  }
0x29: {  	s4 =	sld [smem:$0x3FAF]  }
0x2a: {  	p0 =	seq.s32 s5, $0x0;
	s5 =	sld [smem:$0x3FB0]  }
0x2b: {  	s6 =	sld [smem:$0x3FB1]  }
0x2c: {  	s7 =	sld [smem:$0x3FB2]  }
0x2d: {  	s3 =	simm.s32 $0x108;
	s8 =	sld [smem:$0x3FB3]  }
0x2e: {  	s3 =	simm.s32 @!p0 $0x1082;
	s9 =	sld [smem:$0x3FB4]  }
0x2f: {  	lr =	sadd.s32 s0, s3;
	s0 =	sld [smem:$0x3FAB]  }
0x30: {  	s3 =	sld [smem:$0x3FAE]  }
0x31: {  	[smem:$0x3FB7] =	sst s10  }
0x32: {  	s10 =	sld [smem:$0x3FB5];
	_ =	sdelay $0x3  }
0x33: {  	p0 =	seq.s32 s10, $0x1;
	s10 =	sld [smem:$0x3FB7];
	_ =	sdelay $0x3  }
0x34: {  	[smem:$0x3FB7] =	sst s10  }
0x35: {  	s10 =	sld [smem:$0x3FB6];
	_ =	sdelay $0x3  }
0x36: {  	p1 =	seq.s32 s10, $0x1;
	s10 =	sld [smem:$0x3FB7];
	_ =	sdelay $0x3  }
0x37: {  	[smem:$0x3FB7] =	sst s10  }
0x38: {  	s10 =	sld [smem:$0x3FB8]  }
0x39: {  	_ = 	snop;
	(pc) =	sbr.ind lr, $3  }
0x3a: {  	_ = 	snop  }
0x3b: {  	_ = 	snop  }
0x3c: {  	p2 =	seq.s32 s10, $0x1;
	s10 =	sld [smem:$0x3FB7]  }
0x3d: {  	_ =	shalt  }
0x3e: {  	_ =	shalt  }
0x3f: {  	_ =	shalt  }
0x40: {  	_ =	shalt  }
0x41: {  	_ =	shalt  }
0x42: {  	_ =	shalt  }
0x43: {  	_ =	shalt  }
0x44: {  	_ =	shalt  }
0x45: {  	_ =	shalt  }
0x46: {  	_ =	shalt  }
0x47: {  	_ =	shalt  }
0x48: {  	_ =	shalt  }
0x49: {  	_ =	shalt  }
0x4a: {  	_ =	shalt  }
0x4b: {  	_ =	shalt  }
0x4c: {  	_ =	shalt  }
0x4d: {  	_ =	shalt  }
0x4e: {  	_ =	shalt  }
0x4f: {  	_ =	shalt  }
0x50: {  	_ =	shalt  }
0x51: {  	_ =	shalt  }
0x52: {  	_ =	shalt  }
0x53: {  	_ =	shalt  }
0x54: {  	_ =	shalt  }
0x55: {  	_ =	shalt  }
0x56: {  	_ =	shalt  }
0x57: {  	_ =	shalt  }
0x58: {  	_ =	shalt  }
0x59: {  	_ =	shalt  }
0x5a: {  	_ =	shalt  }
0x5b: {  	_ =	shalt  }
0x5c: {  	_ =	shalt  }
0x5d: {  	_ =	shalt  }
0x5e: {  	_ =	shalt  }
0x5f: {  	_ =	shalt  }
0x60: {  	_ =	shalt  }
0x61: {  	_ =	shalt  }
0x62: {  	_ =	shalt  }
0x63: {  	_ =	shalt  }
0x64: {  	_ =	shalt  }
0x65: {  	_ =	shalt  }
0x66: {  	_ =	shalt  }
0x67: {  	_ =	shalt  }
0x68: {  	_ =	shalt  }
0x69: {  	_ =	shalt  }
0x6a: {  	_ =	shalt  }
0x6b: {  	_ =	shalt  }
0x6c: {  	_ =	shalt  }
0x6d: {  	_ =	shalt  }
0x6e: {  	_ =	shalt  }
0x6f: {  	_ =	shalt  }
0x70: {  	_ =	shalt  }
0x71: {  	_ =	shalt  }
0x72: {  	_ =	shalt  }
0x73: {  	_ =	shalt  }
0x74: {  	_ =	shalt  }
0x75: {  	_ =	shalt  }
0x76: {  	_ =	shalt  }
0x77: {  	_ =	shalt  }
0x78: {  	_ =	shalt  }
0x79: {  	_ =	shalt  }
0x7a: {  	_ =	shalt  }
0x7b: {  	_ =	shalt  }
0x7c: {  	_ =	shalt  }
0x7d: {  	_ =	shalt  }
0x7e: {  	_ =	shalt  }
0x7f: {  	_ =	shalt  }
0x80: {  	_ =	shalt  }
0x81: {  	_ =	shalt  }
0x82: {  	_ =	shalt  }
0x83: {  	_ =	shalt  }
0x84: {  	_ =	shalt  }
0x85: {  	_ =	shalt  }
0x86: {  	_ =	shalt  }
0x87: {  	_ =	shalt  }
.Lfunc_end0:
.L_simem_size_0:
called_computation_lowered:
.L_overlay_start_0:
0x88: {  	s2 =	sld [smem:$0x3FD9]  }
0x89: {  	s3 =	sld [smem:$0x3FFE];
	_ =	sdelay $0x1  }
0x8a: {  	s1 =	srdreg.scid  }
0x8b: {  	s0 =	sand.u32 $0x1, s1  }
0x8c: {  	s14 =	sshll.u32 s0, $0xA;
	s2 =	sadd.s32 s3, s2  }
0x8d: {  	s2 =	sadd.s32 s2, s14  }
0x8e: {  	[smem:$0x3FC3] =	sst s2  }
0x8f: {  	_ = 	snop  }
0x90: {  	s2 =	sld [smem:$0x3FD0];
	_ =	sdelay $0x2  }
0x91: {  	s15 =	simm.s32 $0xA;
	s4 =	simm.s32 $0x10  }
0x92: {  	[smem:s4], [sflag:s15] =	dma.local [hbm:s2], $0x1  }
0x93: {  	_ =	swait.eq [sflag:s15], $0x1  }
0x94: {  	[sflag:s15] =	ssyncset.done $0x0  }
0x95: {  	s16 =	sld [smem:$0x10];
	[sflag:s15] =	ssyncadd.s32 $0xFFFFFFFF  }
0x96: {  	s17 =	sld [smem:$0x11];
	(tm) =	ssettm $0x1  }
0x97: {  	s18 =	sld [smem:$0x3FFB];
	_ =	sdelay $0x3  }
0x98: {  	_ =	strace s18  }
0x99: {  	s4 =	sld [smem:$0x3FFC];
	_ =	sdelay $0x3  }
0x9a: {  	_ =	strace s4  }
0x9b: {  	s4 =	sld [smem:$0x3FFD];
	_ =	sdelay $0x3  }
0x9c: {  	_ =	strace s4  }
0x9d: {  	_ =	strace $0x8FFFFFFF  }
0x9e: {  	s19 =	sld [smem:$0x3FDB];
	_ =	sdelay $0x1  }
0x9f: {  	s5 =	simm.s32 $_scs_section_size  }
0xa0: {  	s6 =	simm.s32 $_size__tile_overlayer_lowered;
	s7 =	simm.s32 $_tile_overlayer_lowered  }
0xa1: {  	s22 =	simm.s32 $0x1BFF;
	s21 =	sshll.u32 s7, $0x1;
	s4 =	sadd.s32 s5, s19  }
0xa2: {  	s8 =	simm.s32 $0x0;
	s20 =	sshll.u32 s6, $0x1;
	s6 =	sadd.s32 s21, s4  }
0xa3: {  	[timem:s8], [sflag:s22] =	dma.local [hbm:s6], s20  }
0xa4: {  	_ =	swait.ge [sflag:s22], s20  }
0xa5: {  	s5 =	ssub.s32 $0x0, s20;
	[sflag:s22] =	ssyncset.done $0x0  }
0xa6: {  	[sflag:s22] =	ssyncadd.s32 s5;
	_ =	sdelay $0x1  }
0xa7: {  	s23 =	simm.s32 $0x1B8B  }
0xa8: {  	_ =	swait.ge [sflag:s23], $0x1  }
0xa9: {  	[sflag:s23] =	ssyncset.done $0x0  }
0xaa: {  	s25 =	simm.s32 $0x1B8E;
	s24 =	sld [smem:$0x3FFE];
	[sflag:s23] =	ssyncadd.s32 $0xFFFFFFFF  }
0xab: {  	s26 =	simm.s32 $execute0_lowered;
	[smem:$0x3FD2] =	sst s25  }
0xac: {  	s6 =	sshll.u32 s26, $0x1;
	_ =	strace $0x80000046;
	[dreg:$0x1] =	wrdreg $0xFFFFFFFF  }
0xad: {  	s28 =	simm.s32 $_size_execute0_lowered;
	s4 =	sadd.s32 s4, s6;
	[dreg:$0x0] =	wrdreg $0x0  }
0xae: {  	s6 =	sshll.u32 s28, $0x1;
	[dreg:$0x2] =	wrdreg s4  }
0xaf: {  	[dreg:$0x3] =	wrdreg s6  }
0xb0: {  	[dreg:$0x4] =	wrdreg $0xC0  }
0xb1: {  	_ =	task [dreg:s8], $0x5FFFF  }
0xb2: {  	[dreg:$0x1] =	wrdreg $0xFFFFFFFF  }
0xb3: {  	[dreg:$0x0] =	wrdreg $0x60  }
0xb4: {  	[dreg:$0x2] =	wrdreg s24  }
0xb5: {  	[dreg:$0x3] =	wrdreg s17  }
0xb6: {  	[dreg:$0x4] =	wrdreg s16  }
0xb7: {  	[dreg:$0x5] =	wrdreg $0x9  }
0xb8: {  	_ =	task.clear_ibuf [dreg:s8], $0x6FFFF;
	_ =	strace $0x90000046  }
0xb9: {  	s29 =	simm.s32 $0x9;
	_ =	strace $0x80000048  }
0xba: {  	_ =	swait.ge [sflag:s29], $0x1  }
0xbb: {  	[sflag:s29] =	ssyncadd.s32 $0xFFFFFFFF  }
0xbc: {  	_ =	strace $0x90000048  }
0xbd: {  	_ =	sfence  }
0xbe: {  	s30 =	sld [smem:$0x0];
	_ =	sdelay $0x2  }
0xbf: {  	s31 =	sshll.u32 s1, $0xD;
	s1 =	sshrl.u32 s1, $0x2  }
0xc0: {  	s3 =	sand.u32 $0x4000, s31;
	s1 =	sadd.s32 s1, s30  }
0xc1: {  	s0 =	sor.u32 s3, s0;
	s1 =	sshll.u32 s1, $0x11  }
0xc2: {  	s0 =	sor.u32 s1, s0  }
0xc3: {  	s0 =	sadd.s32 $0x8F2B, s0  }
0xc4: {  	[sflag:s0] =	ssyncadd.remote.s32 $0x1  }
0xc5: {  	_ =	sfence.sel $0xFFFF  }
0xc6: {  	[dreg:$0x0] =	wrdreg $0xFFFFFFFF;
	(pc) =	sbr.abs _section_cstart, $3  }
0xc7: {  	[dreg:$0x1] =	wrdreg $0xFFFFFFFF  }
0xc8: {  	_ =	task.clear_ibuf [dreg:s8], $0x2FFFF;
	_ =	strace $0x9FFFFFFF  }
0xc9: {  	(tm) =	ssettm $0x7FFFFFFF  }
tec
execute0_lowered:
.L_overlay_start_1:
0x0: {  	(tag) =	ssettag $0x1  }
0x1: {  	v0 =	vimm.s32 $0xFEDCBA98;
	v1 =	vimm.s32 $0x76543210  }
0x2: {  	v2 =	vimm.s32 $0xBA98FEDC;
	v3 =	vimm.s32 $0x32107654;
	v4 =	vimm.s32 $0xDCFE98BA  }
0x3: {  	v5 =	vimm.s32 $0x54761032;
	v6 =	vimm.s32 $0xEFCDAB89;
	v7 =	vimm.s32 $0x67452301  }
0x4: {  	s0 =	rddreg [dreg:$0x0];
	v0 =	vunpack.c.l.s4.s8 v0;
	v2 =	vunpack.c.l.s4.s8 v2;
	v3 =	vunpack.c.l.s4.s8 v3  }
0x5: {  	s1 =	srdreg.scid;
	s6 =	rddreg [dreg:$0x1];
	v4 =	vunpack.c.l.s4.s8 v4;
	v5 =	vunpack.c.l.s4.s8 v5;
	v6 =	vunpack.c.l.s4.s8 v6  }
0x6: {  	s5 =	rddreg [dreg:$0x2];
	s4 =	stileid.u32;
	v7 =	vunpack.c.l.s4.s8 v7;
	v2 =	vunpack.c.0.s8.s32 v2;
	v3 =	vunpack.c.0.s8.s32 v3  }
0x7: {  	s2 =	simm.s32 $0x0;
	s10 =	simm.s32 $0x7;
	s13 =	simm.s32 $0x64;
	v1 =	vunpack.c.l.s4.s8 v1;
	v4 =	vunpack.c.0.s8.s32 v4;
	v5 =	vunpack.c.0.s8.s32 v5  }
0x8: {  	s28 =	simm.s32 $0x0;
	s1 =	sand.u32 $0x1, s1;
	[smem:$0x7FF] =	sst s2;
	v6 =	vunpack.c.0.s8.s32 v6;
	v7 =	vunpack.c.0.s8.s32 v7;
	v29 =	vcombine.low v3, v2  }
0x9: {  	s3 =	sshll.u32 s1, $0x4;
	_ =	strace $0x80000047;
	s1 =	ssub.s32 $0x2, s1;
	v0 =	vunpack.c.0.s8.s32 v0;
	v30 =	vcombine.low v5, v4  }
.Ltmp0:
0xa: {  	s4 =	sor.u32 s4, s3;
	s3 =	sadd.s32 $0x1EA5E00, s0;
	v1 =	vunpack.c.0.s8.s32 v1;
	v31 =	vcombine.low v7, v6;
	v61 =	vand.u32 $0xF, v29;
	(pc) =	sbr.rel .LBB2_1-.Ltmp0, $4  }
0xb: {  	s9 =	sshrl.u32 s1, $0x1;
	s7 =	smul.u32 $0x1040, s4;
	s8 =	sshll.u32 s4, $0x8;
	v0 =	vand.u32 $0xF, v0;
	v62 =	vand.u32 $0xF, v30;
	[tilespmem:$0x1FFC0] =	vst v61  }
0xc: {  	s1 =	ssub.s32 s1, s9;
	s5 =	sadd.s32 s5, s8;
	s6 =	sadd.s32 s6, s8;
	v17 =	vcombine.low v0, v1;
	v63 =	vand.u32 $0xF, v31;
	[tilespmem:$0x1FFD0] =	vst v62  }
0xd: {  	s9 =	smax.u32 s1, $0x1;
	s7 =	sadd.s32 s7, s0;
	s0 =	sadd.s32 s8, s0;
	[tilespmem:$0x1FFE0] =	vst v63  }
0xe: {  	v32 =	vlaneseq.u32;
	vm0 =	vmmov $0x3;
	s4 =	sadd.s32 $0x1E85600, s7;
	s7 =	sadd.s32 $0xE00, s0;
	s8 =	sadd.s32 $0x2E00, s0;
	[tilespmem:$0x1FFF0] =	vst v17  }
.LBB2_21:
0xf: {  	s0 =	simm.s32 $0x1CAC0  }
0x10: {  	[hbm4b:s7+s2] =	stream.linear.scatter [tilespmem:s0], [sflag:$0x7], $0x800, $0x38;
	[tilespmem:$0x1DB10] =	vst v63  }
0x11: {  	s28 =	sadd.s32 $0x1, s28;
	_ =	swait.ge [sflag:s10], $0x800  }
0x12: {  	p0 =	sne.s32 s28, s9;
	[sflag:s10] =	ssyncset.done $0x0  }
.Ltmp1:
0x13: {  	s31 =	simm.s32 $0x1D2C0;
	[sflag:s10] =	ssyncadd.s32 $0xFFFFF800;
	(pc) =	sbr.rel @!p0 .LBB2_22-.Ltmp1, $4  }
0x14: {  	[hbm4b:s8+s2] =	stream.linear.scatter [tilespmem:s31], [sflag:$0x7], $0x800, $0x38;
	[tilespmem:$0x1DB10] =	vst v63  }
0x15: {  	_ =	swait.ge [sflag:s10], $0x800  }
0x16: {  	[sflag:s10] =	ssyncset.done $0x0  }
0x17: {  	[sflag:s10] =	ssyncadd.s32 $0xFFFFF800  }
.LBB2_1:
0x18: {  	[tilespmem:s2], [sflag:$0x7] =	stream.linear.gather [hbm4b:s4+s2], $0x8200, $0x38;
	[tilespmem:$0x1DB10] =	vst v63  }
0x19: {  	_ =	swait.ge [sflag:s10], $0x8200  }
0x1a: {  	[sflag:s10] =	ssyncset.done $0x0  }
0x1b: {  	s0 =	simm.s32 $0x1BAC0;
	[sflag:s10] =	ssyncadd.s32 $0xFFFF7E00  }
0x1c: {  	[tilespmem:s0], [sflag:$0x7] =	stream.linear.gather [hbm4b:s5+s2], $0x800, $0x38;
	[tilespmem:$0x1DB10] =	vst v63  }
0x1d: {  	_ =	swait.ge [sflag:s10], $0x800  }
0x1e: {  	[sflag:s10] =	ssyncset.done $0x0  }
0x1f: {  	s16 =	simm.s32 $0x1C2C0;
	[sflag:s10] =	ssyncadd.s32 $0xFFFFF800  }
0x20: {  	[tilespmem:s16], [sflag:$0x7] =	stream.linear.gather [hbm4b:s6+s2], $0x800, $0x38;
	[tilespmem:$0x1DB10] =	vst v63  }
0x21: {  	_ =	swait.ge [sflag:s10], $0x800  }
0x22: {  	[sflag:s10] =	ssyncset.done $0x0  }
0x23: {  	s17 =	simm.s32 $0x8200;
	[sflag:s10] =	ssyncadd.s32 $0xFFFFF800  }
0x24: {  	[tilespmem:s17], [sflag:$0x1] =	stream.indirect.gather [hbm4b:s3+s13], $0x80, s2, s13, $0xb8;
	[tilespmem:$0x1DB10] =	vst v63  }
0x25: {  	s18 =	simm.s32 $0x68;
	s1 =	simm.s32 $0xB400  }
0x26: {  	[tilespmem:s1], [sflag:$0x2] =	stream.indirect.gather [hbm4b:s3+s13], $0x80, s18, s13, $0xb8;
	[tilespmem:$0x1DB10] =	vst v63  }
0x27: {  	s19 =	simm.s32 $0xD0;
	s20 =	simm.s32 $0xE600  }
0x28: {  	[tilespmem:s20], [sflag:$0x3] =	stream.indirect.gather [hbm4b:s3+s13], $0x80, s19, s13, $0xb8;
	[tilespmem:$0x1DB10] =	vst v63  }
0x29: {  	s21 =	simm.s32 $0x138;
	s22 =	simm.s32 $0x11800;
	s23 =	simm.s32 $0x1A0  }
0x2a: {  	[tilespmem:s22], [sflag:$0x4] =	stream.indirect.gather [hbm4b:s3+s13], $0x80, s21, s13, $0xb8;
	[tilespmem:$0x1DB10] =	vst v63  }
.Ltmp2:
0x2b: {  	s24 =	simm.s32 $0x14A00;
	s25 =	simm.s32 $0x208;
	(pc) =	sbr.rel .LBB2_2-.Ltmp2, $4  }
0x2c: {  	s26 =	simm.s32 $0x17C00;
	s29 =	simm.s32 $0x1AE00;
	s30 =	simm.s32 $0x0  }
0x2d: {  	[tilespmem:s24], [sflag:$0x5] =	stream.indirect.gather [hbm4b:s3+s13], $0x80, s23, s13, $0xb8;
	[tilespmem:$0x1DB10] =	vst v63  }
0x2e: {  	s31 =	simm.s32 $0x0;
	s0 =	simm.s32 $0x0;
	s1 =	simm.s32 $0x0  }
0x2f: {  	[tilespmem:s26], [sflag:$0x6] =	stream.indirect.gather [hbm4b:s3+s13], $0x80, s25, s13, $0xb8;
	[tilespmem:$0x1DB10] =	vst v63  }
.LBB2_20:
0x30: {  	s0 =	sadd.s32 $0x1, s0  }
0x31: {  	p0 =	sne.s32 s0, $0x140  }
.Ltmp3:
0x32: {  	_ = 	snop;
	(pc) =	sbr.rel @!p0 .LBB2_21-.Ltmp3, $3  }
0x33: {  	_ =	sdelay $0x1  }
0x34: {  	s1 =	sadd.s32 $0x5, s1  }
0x35: {  	s29 =	sadd.s32 $0x140, s29;
	s31 =	sadd.s32 $0x3200, s31;
	s30 =	sadd.s32 $0x1, s30  }
.LBB2_2:
0x36: {  	s11 =	smul.u32 $0xAAAB, s0;
	_ =	sdelay $0x1  }
0x37: {  	s11 =	sshrl.u32 s11, $0x12  }
0x38: {  	s11 =	smul.u32 $0x6, s11;
	_ =	sdelay $0x1  }
0x39: {  	s12 =	ssub.s32 s0, s11  }
0x3a: {  	s11 =	sand.u32 $0xFFFF, s12  }
0x3b: {  	p1 =	seq.s32 s11, $0x0  }
.Ltmp4:
0x3c: {  	_ = 	snop;
	(pc) =	sbr.rel @p1 .LBB2_3-.Ltmp4, $2  }
0x3d: {  	_ =	sdelay $0x2  }
0x3e: {  	p0 =	por $0x0, $0x0  }
0x3f: {  	p1 =	sgt.s32 s11, $0x2  }
.Ltmp5:
0x40: {  	_ = 	snop;
	(pc) =	sbr.rel @p1 .LBB2_7-.Ltmp5, $1  }
0x41: {  	_ =	sdelay $0x3  }
0x42: {  	p1 =	seq.s32 s11, $0x1  }
.Ltmp6:
0x43: {  	_ = 	snop;
	(pc) =	sbr.rel @p1 .LBB2_6-.Ltmp6, $1  }
0x44: {  	_ =	sdelay $0x3  }
0x45: {  	p1 =	seq.s32 s11, $0x2  }
.Ltmp7:
0x46: {  	_ = 	snop;
	(pc) =	sbr.rel @!p1 .LBB2_13-.Ltmp7, $1  }
0x47: {  	_ =	sdelay $0x3  }
.Ltmp8:
0x48: {  	(pc) =	sbr.rel .LBB2_14-.Ltmp8, $3  }
0x49: {  	_ =	sdelay $0x1  }
0x4a: {  	p3 =	por $0x1, $0x1;
	s11 =	simm.s32 $0x3  }
0x4b: {  	p1 =	por $0x0, $0x0;
	p2 =	por $0x0, $0x0;
	p4 =	por $0x0, $0x0  }
.LBB2_3:
.Ltmp9:
0x4c: {  	(pc) =	sbr.rel .LBB2_14-.Ltmp9, $3  }
0x4d: {  	_ =	sdelay $0x1  }
0x4e: {  	s11 =	simm.s32 $0x1;
	p1 =	por $0x0, $0x0  }
0x4f: {  	p2 =	por $0x0, $0x0;
	p4 =	por $0x0, $0x0;
	p3 =	por $0x0, $0x0  }
.LBB2_7:
0x50: {  	p1 =	seq.s32 s11, $0x3  }
.Ltmp10:
0x51: {  	_ = 	snop;
	(pc) =	sbr.rel @p1 .LBB2_11-.Ltmp10, $1  }
0x52: {  	_ =	sdelay $0x3  }
0x53: {  	p1 =	seq.s32 s11, $0x4  }
.Ltmp11:
0x54: {  	_ = 	snop;
	(pc) =	sbr.rel @!p1 .LBB2_13-.Ltmp11, $1  }
0x55: {  	_ =	sdelay $0x3  }
.Ltmp12:
0x56: {  	(pc) =	sbr.rel .LBB2_14-.Ltmp12, $3  }
0x57: {  	_ =	sdelay $0x1  }
0x58: {  	p0 =	por $0x1, $0x1;
	s11 =	simm.s32 $0x5;
	p1 =	por $0x0, $0x0  }
0x59: {  	p2 =	por $0x0, $0x0;
	p4 =	por $0x0, $0x0;
	p3 =	por $0x0, $0x0  }
.LBB2_13:
.Ltmp13:
0x5a: {  	(pc) =	sbr.rel .LBB2_14-.Ltmp13, $3  }
0x5b: {  	_ =	sdelay $0x1  }
0x5c: {  	p1 =	por $0x1, $0x1;
	s11 =	simm.s32 $0x6  }
0x5d: {  	p2 =	por $0x0, $0x0;
	p4 =	por $0x0, $0x0;
	p3 =	por $0x0, $0x0  }
.LBB2_6:
.Ltmp14:
0x5e: {  	(pc) =	sbr.rel .LBB2_14-.Ltmp14, $3  }
0x5f: {  	_ =	sdelay $0x1  }
0x60: {  	p4 =	por $0x1, $0x1;
	s11 =	simm.s32 $0x2  }
0x61: {  	p1 =	por $0x0, $0x0;
	p2 =	por $0x0, $0x0;
	p3 =	por $0x0, $0x0  }
.LBB2_11:
0x62: {  	p2 =	por $0x1, $0x1;
	s11 =	simm.s32 $0x4  }
0x63: {  	p1 =	por $0x0, $0x0;
	p4 =	por $0x0, $0x0;
	p3 =	por $0x0, $0x0  }
.LBB2_14:
0x64: {  	s14 =	smul.u32 $0xCCCD, s0;
	_ =	sdelay $0x1  }
0x65: {  	s15 =	sshrl.u32 s14, $0x13  }
0x66: {  	s16 =	sand.u32 $0xFFFF, s30;
	s14 =	smul.u32 $0xFFFFFFF6, s15  }
0x67: {  	_ =	swait.ge [sflag:s11], $0x3200;
	s19 =	smul.u32 $0xAAAB, s16  }
0x68: {  	[sflag:s11] =	ssyncset.done $0x0;
	s14 =	sadd.s32 s0, s14  }
0x69: {  	[sflag:s11] =	ssyncadd.s32 $0xFFFFCE00;
	s11 =	sshrl.u32 s19, $0x12;
	p5 =	sne.s32 s14, $0x0  }
0x6a: {  	s20 =	smul.u32 $0x2C00, s11;
	v0 =	vimm.f32 @!p5 $0.0e+00  }
0x6b: {  	[tilespmem:$0x1BA80] =	vst @!p5 v0  }
0x6c: {  	s21 =	ssub.s32 s31, s20;
	[tilespmem:$0x1BA90] =	vst @!p5 v0  }
0x6d: {  	s11 =	sshll.u32 s15, $0x6;
	s15 =	sand.u32 $0xFFFF, s21;
	[tilespmem:$0x1BAA0] =	vst @!p5 v0  }
0x6e: {  	[tilespmem:$0x1BAB0] =	vst @!p5 v0;
	s23 =	sadd.s32 $0x8700, s15  }
0x6f: {  	v0 =	vld [tilespmem:s23+$0x440];
	_ =	sdelay $0x4  }
0x70: {  	[tilespmem:$0x1FDF0] =	vst v0;
	v0 =	vld [tilespmem:s23+$0x2E0];
	_ =	sdelay $0x4  }
0x71: {  	[tilespmem:$0x1FE00] =	vst v0;
	v0 =	vld [tilespmem:s23+$0x3C0];
	_ =	sdelay $0x4  }
0x72: {  	[tilespmem:$0x1FE10] =	vst v0;
	v0 =	vld [tilespmem:s23+$0x1E0];
	_ =	sdelay $0x4  }
0x73: {  	[tilespmem:$0x1FE20] =	vst v0;
	v0 =	vld [tilespmem:s23+$0x2C0];
	_ =	sdelay $0x4  }
0x74: {  	[tilespmem:$0x1FF80] =	vst v0;
	v0 =	vld [tilespmem:s23+$0x4B0];
	_ =	sdelay $0x4  }
0x75: {  	[tilespmem:$0x1FF70] =	vst v0;
	v0 =	vld [tilespmem:s23+$0x240];
	_ =	sdelay $0x4  }
0x76: {  	[tilespmem:$0x1FF60] =	vst v0;
	v0 =	vld [tilespmem:s23+$0xE0];
	_ =	sdelay $0x4  }
0x77: {  	[tilespmem:$0x1FF50] =	vst v0;
	v0 =	vld [tilespmem:s23+$0x1C0];
	_ =	sdelay $0x4  }
0x78: {  	[tilespmem:$0x1FF40] =	vst v0;
	v0 =	vld [tilespmem:s23+$0x60];
	_ =	sdelay $0x4  }
0x79: {  	[tilespmem:$0x1FF30] =	vst v0;
	v0 =	vld [tilespmem:s23+$0x140];
	_ =	sdelay $0x4  }
0x7a: {  	[tilespmem:$0x1FF20] =	vst v0;
	v0 =	vld [tilespmem:s23+$0xFFFFFFE0];
	_ =	sdelay $0x4  }
0x7b: {  	[tilespmem:$0x1FF10] =	vst v0;
	v0 =	vld [tilespmem:s23+$0xC0];
	_ =	sdelay $0x4  }
0x7c: {  	[tilespmem:$0x1FF00] =	vst v0;
	v0 =	vld [tilespmem:s23+$0xFFFFFF60];
	_ =	sdelay $0x4  }
0x7d: {  	[tilespmem:$0x1FEF0] =	vst v0;
	v0 =	vld [tilespmem:s23+$0x40];
	_ =	sdelay $0x4  }
0x7e: {  	[tilespmem:$0x1FEE0] =	vst v0;
	v0 =	vld [tilespmem:s23+$0xFFFFFEE0];
	_ =	sdelay $0x4  }
0x7f: {  	[tilespmem:$0x1FED0] =	vst v0;
	v0 =	vld [tilespmem:s23+$0xFFFFFFC0];
	_ =	sdelay $0x4  }
0x80: {  	[tilespmem:$0x1FEC0] =	vst v0;
	v0 =	vld [tilespmem:s23+$0xFFFFFE60];
	_ =	sdelay $0x4  }
0x81: {  	[tilespmem:$0x1FEB0] =	vst v0;
	v0 =	vld [tilespmem:s23+$0xFFFFFF40]  }
0x82: {  	v40 =	vld [tilespmem:s23+$0xFFFFFC40]  }
0x83: {  	v44 =	vld [tilespmem:s23+$0xFFFFFBD0]  }
0x84: {  	v38 =	vld [tilespmem:s23+$0x2B0]  }
0x85: {  	v37 =	vld [tilespmem:s23+$0x320]  }
0x86: {  	[tilespmem:$0x1FEA0] =	vst v0;
	v0 =	vld [tilespmem:s23+$0xFFFFFDE0]  }
0x87: {  	v47 =	vld [tilespmem:s23+$0xFFFFFBC0]  }
0x88: {  	v49 =	vld [tilespmem:s23+$0x310]  }
0x89: {  	v51 =	vld [tilespmem:s23+$0x290]  }
0x8a: {  	v52 =	vld [tilespmem:s23+$0x200]  }
0x8b: {  	[tilespmem:$0x1FE90] =	vst v0;
	v0 =	vld [tilespmem:s23+$0xFFFFFD60]  }
0x8c: {  	v53 =	vld [tilespmem:s23+$0x210]  }
0x8d: {  	v56 =	vld [tilespmem:s23+$0xA0]  }
0x8e: {  	v57 =	vld [tilespmem:s23+$0x90]  }
0x8f: {  	v58 =	vld [tilespmem:s23+$0x80]  }
0x90: {  	[tilespmem:$0x1FE80] =	vst v0;
	v0 =	vld [tilespmem:s23+$0x430]  }
0x91: {  	v59 =	vld [tilespmem:s23+$0x10]  }
0x92: {  	v61 =	vld [tilespmem:s23+$0xFFFFFF90]  }
0x93: {  	v63 =	vld [tilespmem:s23+$0xFFFFFF10]  }
0x94: {  	v14 =	vld [tilespmem:s23+$0xFFFFFF00]  }
0x95: {  	[tilespmem:$0x1FE70] =	vst v0;
	v0 =	vld [tilespmem:s23+$0xFFFFFDC0]  }
0x96: {  	v12 =	vld [tilespmem:s23+$0xFFFFFE90]  }
0x97: {  	v13 =	vld [tilespmem:s23+$0xFFFFFE80]  }
0x98: {  	v10 =	vld [tilespmem:s23+$0xFFFFFE10]  }
0x99: {  	v11 =	vld [tilespmem:s23+$0xFFFFFE00]  }
0x9a: {  	[tilespmem:$0x1FE60] =	vst v0;
	v0 =	vld [tilespmem:s23+$0xFFFFFCC0]  }
0x9b: {  	v4 =	vld [tilespmem:s23+$0xFFFFFD90]  }
0x9c: {  	v9 =	vld [tilespmem:s23+$0xFFFFFD80]  }
0x9d: {  	v27 =	vld [tilespmem:s23+$0xFFFFFD10]  }
0x9e: {  	v28 =	vld [tilespmem:s23+$0xFFFFFD00]  }
0x9f: {  	[tilespmem:$0x1FE40] =	vst v0;
	v0 =	vld [tilespmem:s23+$0xFFFFFC50]  }
0xa0: {  	v25 =	vld [tilespmem:s23+$0xFFFFFC90]  }
0xa1: {  	v26 =	vld [tilespmem:s23+$0xFFFFFC80]  }
0xa2: {  	v24 =	vld [tilespmem:s23+$0xFFFFFC20]  }
0xa3: {  	v7 =	vld [tilespmem:s23+$0xFFFFFC10]  }
0xa4: {  	[tilespmem:$0x1FE30] =	vst v0;
	v0 =	vld [tilespmem:s23+$0xFFFFFBE0]  }
0xa5: {  	v2 =	vld [tilespmem:s23+$0xFFFFFB90]  }
0xa6: {  	v6 =	vld [tilespmem:s23+$0xFFFFFB80]  }
0xa7: {  	v1 =	vld [tilespmem:s23+$0xFFFFFB00]  }
0xa8: {  	v5 =	vld [tilespmem:s23+$0xFFFFFB20]  }
0xa9: {  	[tilespmem:$0x1FE50] =	vst v0;
	v0 =	vld [tilespmem:s23+$0xFFFFFB10]  }
0xaa: {  	v3 =	vld [tilespmem:s23+$0xFFFFFBA0]  }
0xab: {  	v22 =	vld [tilespmem:s23+$0xFFFFFBB0]  }
0xac: {  	v8 =	vld [tilespmem:s23+$0xFFFFFB30]  }
0xad: {  	v23 =	vld [tilespmem:s23+$0xFFFFFC00]  }
0xae: {  	v1 =	vadd.f32 v6, v1;
	v6 =	vld [tilespmem:s23+$0xFFFFFC30];
	v0 =	vadd.f32 v2, v0  }
0xaf: {  	v2 =	vld [tilespmem:s23+$0xFFFFFCA0]  }
0xb0: {  	v3 =	vadd.f32 v3, v5;
	v5 =	vld [tilespmem:s23+$0xFFFFFD20];
	v0 =	vadd.f32 v7, v0  }
0xb1: {  	v8 =	vadd.f32 v22, v8;
	v22 =	vld [tilespmem:s23+$0xFFFFFD30]  }
0xb2: {  	v3 =	vadd.f32 v24, v3;
	v7 =	vld [tilespmem:s23+$0xFFFFFCB0];
	v0 =	vadd.f32 v25, v0  }
0xb3: {  	v1 =	vadd.f32 v23, v1;
	v23 =	vld [tilespmem:s23+$0xFFFFFDA0];
	v6 =	vadd.f32 v6, v8  }
0xb4: {  	v8 =	vld [tilespmem:s23+$0xFFFFFDB0];
	v2 =	vadd.f32 v2, v3;
	v0 =	vadd.f32 v27, v0  }
0xb5: {  	v3 =	vld [tilespmem:s23+$0xFFFFFE20]  }
0xb6: {  	v2 =	vadd.f32 v5, v2;
	v5 =	vld [tilespmem:s23+$0xFFFFFEA0];
	v0 =	vadd.f32 v4, v0  }
0xb7: {  	v6 =	vadd.f32 v7, v6;
	v7 =	vld [tilespmem:s23+$0xFFFFFE30]  }
0xb8: {  	v2 =	vadd.f32 v23, v2;
	v23 =	vld [tilespmem:s23+$0xFFFFFF20];
	v0 =	vadd.f32 v10, v0  }
0xb9: {  	v6 =	vadd.f32 v22, v6;
	v22 =	vld [tilespmem:s23+$0xFFFFFEB0]  }
0xba: {  	v2 =	vadd.f32 v3, v2;
	v3 =	vld [tilespmem:s23+$0xFFFFFFA0];
	v0 =	vadd.f32 v12, v0  }
0xbb: {  	v6 =	vadd.f32 v8, v6;
	v8 =	vld [tilespmem:s23+$0xFFFFFF30]  }
0xbc: {  	v2 =	vadd.f32 v5, v2;
	v5 =	vld [tilespmem:s23+$0x20];
	v0 =	vadd.f32 v63, v0  }
0xbd: {  	v1 =	vadd.f32 v26, v1;
	v6 =	vadd.f32 v7, v6;
	v7 =	vld [tilespmem:s23+$0xFFFFFFB0]  }
0xbe: {  	v2 =	vadd.f32 v23, v2;
	v23 =	vld [tilespmem:s23+$0x110];
	v0 =	vadd.f32 v61, v0  }
0xbf: {  	v1 =	vadd.f32 v28, v1;
	v6 =	vadd.f32 v22, v6;
	v22 =	vld [tilespmem:s23+$0x30]  }
0xc0: {  	v2 =	vadd.f32 v3, v2;
	v3 =	vld [tilespmem:s23+$0x190];
	v0 =	vadd.f32 v59, v0  }
0xc1: {  	v1 =	vadd.f32 v9, v1;
	v6 =	vadd.f32 v8, v6;
	v8 =	vld [tilespmem:s23+$0x120]  }
0xc2: {  	v2 =	vadd.f32 v5, v2;
	v5 =	vld [tilespmem:s23+$0xB0];
	v0 =	vadd.f32 v57, v0  }
0xc3: {  	v1 =	vadd.f32 v11, v1;
	v6 =	vadd.f32 v7, v6;
	v7 =	vld [tilespmem:s23+$0x1A0]  }
0xc4: {  	v2 =	vadd.f32 v56, v2;
	v0 =	vadd.f32 v23, v0;
	v23 =	vld [tilespmem:s23+$0x130]  }
0xc5: {  	v62 =	vld [tilespmem:s23+$0xFFFFFF80];
	v1 =	vadd.f32 v13, v1;
	v6 =	vadd.f32 v22, v6  }
0xc6: {  	v2 =	vadd.f32 v8, v2;
	v0 =	vadd.f32 v3, v0;
	v3 =	vld [tilespmem:s23+$0x1B0]  }
0xc7: {  	v60 =	vld [tilespmem:s23+$0x0];
	v1 =	vadd.f32 v14, v1;
	v5 =	vadd.f32 v5, v6  }
0xc8: {  	v2 =	vadd.f32 v7, v2;
	v7 =	vld [tilespmem:s23+$0x230];
	v0 =	vadd.f32 v53, v0  }
0xc9: {  	v8 =	vld [tilespmem:s23+$0x390];
	v5 =	vadd.f32 v23, v5  }
0xca: {  	v54 =	vld [tilespmem:s23+$0x180];
	v1 =	vadd.f32 v62, v1;
	v0 =	vadd.f32 v51, v0  }
0xcb: {  	v55 =	vld [tilespmem:s23+$0x100];
	v3 =	vadd.f32 v3, v5  }
0xcc: {  	v1 =	vadd.f32 v60, v1;
	v22 =	vld [tilespmem:s23+$0x220];
	v0 =	vadd.f32 v49, v0  }
0xcd: {  	v3 =	vadd.f32 v7, v3;
	v7 =	vld [tilespmem:s23+$0x330]  }
0xce: {  	v1 =	vadd.f32 v58, v1;
	v0 =	vadd.f32 v8, v0;
	v8 =	vld [tilespmem:s23+$0xFFFFFB50]  }
0xcf: {  	v4 =	vld [tilespmem:$0x1FE30]  }
0xd0: {  	v1 =	vadd.f32 v55, v1;
	v6 =	vld [tilespmem:s23+$0x2A0]  }
0xd1: {  	v2 =	vadd.f32 v22, v2;
	v22 =	vld [tilespmem:s23+$0xFFFFFB40];
	v3 =	vadd.f32 v38, v3  }
0xd2: {  	v50 =	vld [tilespmem:s23+$0x280];
	v1 =	vadd.f32 v54, v1  }
0xd3: {  	v36 =	vld [tilespmem:s23+$0x300];
	v3 =	vadd.f32 v7, v3;
	v7 =	vadd.f32 v44, v8  }
0xd4: {  	v1 =	vadd.f32 v52, v1;
	v5 =	vld [tilespmem:s23+$0x3A0]  }
0xd5: {  	v2 =	vadd.f32 v6, v2;
	v7 =	vadd.f32 v4, v7;
	v4 =	vld [tilespmem:$0x1FE40]  }
0xd6: {  	v48 =	vld [tilespmem:s23+$0x380];
	v22 =	vadd.f32 v47, v22  }
0xd7: {  	v1 =	vadd.f32 v50, v1;
	v2 =	vadd.f32 v37, v2  }
0xd8: {  	v6 =	vld [tilespmem:s23+$0x400];
	v22 =	vadd.f32 v40, v22  }
0xd9: {  	v1 =	vadd.f32 v36, v1;
	v2 =	vadd.f32 v5, v2;
	v5 =	vld [tilespmem:s23+$0xFFFFFB60]  }
0xda: {  	v22 =	vadd.f32 v4, v22;
	v4 =	vld [tilespmem:$0x1FE50]  }
0xdb: {  	v1 =	vadd.f32 v48, v1;
	_ =	sdelay $0x1  }
0xdc: {  	v1 =	vadd.f32 v6, v1;
	v6 =	vld [tilespmem:s23+$0xFFFFFD40];
	_ =	sdelay $0x1  }
0xdd: {  	v5 =	vadd.f32 v4, v5;
	v4 =	vld [tilespmem:$0x1FE60];
	_ =	sdelay $0x2  }
0xde: {  	v24 =	vld [tilespmem:s23+$0x3B0];
	v6 =	vadd.f32 v6, v22  }
0xdf: {  	v8 =	vld [tilespmem:s23+$0xFFFFFC60]  }
0xe0: {  	v6 =	vadd.f32 v4, v6;
	v4 =	vld [tilespmem:$0x1FE70];
	_ =	sdelay $0x1  }
0xe1: {  	v25 =	vld [tilespmem:s23+$0xFFFFFCD0]  }
0xe2: {  	v27 =	vld [tilespmem:s23+$0xFFFFFCE0];
	v3 =	vadd.f32 v24, v3  }
0xe3: {  	v5 =	vadd.f32 v8, v5;
	v8 =	vld [tilespmem:s23+$0xFFFFFD50]  }
0xe4: {  	v3 =	vadd.f32 v4, v3;
	v4 =	vld [tilespmem:$0x1FE80];
	_ =	sdelay $0x1  }
0xe5: {  	v18 =	vld [tilespmem:s11+$0x1BAC0]  }
0xe6: {  	v19 =	vld [tilespmem:s11+$0x1BAD0];
	v7 =	vadd.f32 v25, v7;
	v5 =	vadd.f32 v27, v5  }
0xe7: {  	v41 =	vld [tilespmem:s23+$0x4A0]  }
0xe8: {  	v7 =	vadd.f32 v8, v7;
	v8 =	vadd.f32 v4, v5;
	v4 =	vld [tilespmem:$0x1FE90]  }
0xe9: {  	v24 =	vld [tilespmem:s23+$0xFFFFFE40]  }
0xea: {  	v43 =	vld [tilespmem:s23+$0x480]  }
0xeb: {  	v22 =	vld [tilespmem:s23+$0xFFFFFEC0]  }
0xec: {  	v39 =	vld [tilespmem:s23+$0x410]  }
0xed: {  	v8 =	vadd.f32 v4, v8;
	v4 =	vld [tilespmem:$0x1FEA0]  }
0xee: {  	v46 =	vld [tilespmem:s23+$0x490];
	v6 =	vadd.f32 v24, v6  }
0xef: {  	v45 =	vld [tilespmem:s23+$0x420]  }
0xf0: {  	v42 =	vld [tilespmem:s23+$0xFFFFFBF0];
	v6 =	vadd.f32 v22, v6  }
0xf1: {  	v23 =	vld [tilespmem:s23+$0xFFFFFB70];
	v0 =	vadd.f32 v39, v0  }
0xf2: {  	v6 =	vadd.f32 v4, v6;
	v4 =	vld [tilespmem:$0x1FEB0]  }
0xf3: {  	v20 =	vld [tilespmem:s11+$0x1BAE0];
	v0 =	vadd.f32 v46, v0  }
0xf4: {  	v26 =	vld [tilespmem:s23+$0xFFFFFC70];
	v2 =	vadd.f32 v45, v2;
	v1 =	vadd.f32 v43, v1;
	_ =	sdelay $0x1  }
0xf5: {  	v2 =	vadd.f32 v41, v2;
	v0 =	vmul.f32 v0, v19;
	v1 =	vmul.f32 v1, v18;
	v25 =	vld [tilespmem:s23+$0xFFFFFCF0]  }
0xf6: {  	v23 =	vadd.f32 v42, v23;
	v8 =	vadd.f32 v4, v8;
	v4 =	vld [tilespmem:$0x1FEC0]  }
0xf7: {  	v0 =	vadd.f32 v0, v1;
	v2 =	vmul.f32 v2, v20;
	v24 =	vld [tilespmem:s23+$0xFFFFFD70]  }
0xf8: {  	v23 =	vadd.f32 v26, v23  }
0xf9: {  	v5 =	vadd.f32 v2, v0;
	v0 =	vld [tilespmem:s23+$0xFFFFFDF0]  }
0xfa: {  	v2 =	vadd.f32 v25, v23  }
0xfb: {  	v6 =	vadd.f32 v4, v6;
	v4 =	vld [tilespmem:$0x1FEE0]  }
0xfc: {  	v2 =	vadd.f32 v24, v2;
	_ =	sdelay $0x1  }
0xfd: {  	v0 =	vadd.f32 v0, v2;
	v2 =	vld [tilespmem:$0x1FED0];
	_ =	sdelay $0x1  }
0xfe: {  	v6 =	vadd.f32 v4, v6;
	v4 =	vld [tilespmem:$0x1FEF0];
	_ =	sdelay $0x2  }
0xff: {  	v21 =	vld [tilespmem:s11+$0x1BAF0];
	v2 =	vadd.f32 v2, v8  }
0x100: {  	v16 =	vld [tilespmem:s23+$0x1F0]  }
0x101: {  	v2 =	vadd.f32 v4, v2;
	v4 =	vld [tilespmem:$0x1FF00]  }
0x102: {  	v33 =	vld [tilespmem:s23+$0x3F0]  }
0x103: {  	v1 =	vld [tilespmem:s23+$0xFFFFFDD0]  }
0x104: {  	v34 =	vld [tilespmem:s23+$0x370]  }
0x105: {  	v26 =	vld [tilespmem:s23+$0xFFFFFE50]  }
0x106: {  	v6 =	vadd.f32 v4, v6;
	v4 =	vld [tilespmem:$0x1FF10]  }
0x107: {  	v22 =	vld [tilespmem:s23+$0xFFFFFED0]  }
0x108: {  	v1 =	vadd.f32 v1, v7;
	v7 =	vld [tilespmem:s23+$0xFFFFFE70]  }
0x109: {  	v23 =	vld [tilespmem:s23+$0xFFFFFF50]  }
0x10a: {  	v1 =	vadd.f32 v26, v1;
	v24 =	vld [tilespmem:s23+$0xFFFFFEF0]  }
0x10b: {  	v2 =	vadd.f32 v4, v2;
	v4 =	vld [tilespmem:$0x1FF20]  }
0x10c: {  	v1 =	vadd.f32 v22, v1;
	v22 =	vld [tilespmem:s23+$0xFFFFFF70]  }
0x10d: {  	v35 =	vld [tilespmem:s23+$0x3E0];
	v0 =	vadd.f32 v7, v0  }
0x10e: {  	v1 =	vadd.f32 v23, v1;
	v23 =	vld [tilespmem:s23+$0xFFFFFFF0]  }
0x10f: {  	v0 =	vadd.f32 v24, v0;
	v8 =	vld [tilespmem:s23+$0xFFFFFFD0]  }
0x110: {  	v6 =	vadd.f32 v4, v6;
	v4 =	vld [tilespmem:$0x1FF30]  }
0x111: {  	v7 =	vld [tilespmem:s23+$0x50];
	v0 =	vadd.f32 v22, v0  }
0x112: {  	v15 =	vld [tilespmem:s23+$0x340]  }
0x113: {  	v26 =	vadd.f32 v23, v0;
	v0 =	vld [tilespmem:$0x1FF50]  }
0x114: {  	v25 =	vld [tilespmem:s23+$0x70];
	v1 =	vadd.f32 v8, v1  }
0x115: {  	s22 =	smulhi.u32 $0xCCCCCCCD, s0;
	v2 =	vadd.f32 v4, v2;
	v4 =	vld [tilespmem:$0x1FF70]  }
0x116: {  	v7 =	vadd.f32 v7, v1;
	v1 =	vld [tilespmem:$0x1FF40]  }
0x117: {  	s15 =	sshrl.u32 s22, $0x3;
	v24 =	vld [tilespmem:s23+$0xD0]  }
0x118: {  	s24 =	smul.u32 $0x32, s15;
	v27 =	vadd.f32 v0, v2;
	v0 =	vld [tilespmem:$0x1FF60]  }
0x119: {  	v8 =	vld [tilespmem:s23+$0x160]  }
0x11a: {  	s20 =	ssub.s32 s1, s24;
	v28 =	vadd.f32 v4, v3;
	v4 =	vld [tilespmem:$0x1FF80]  }
0x11b: {  	s15 =	smul.u32 $0xFFFFCE00, s15;
	s17 =	sadd.s32 $0x0, s20;
	v6 =	vadd.f32 v1, v6;
	v1 =	vld [tilespmem:s23+$0x150]  }
0x11c: {  	s16 =	sor.u32 $0x10, s11;
	s18 =	sadd.s32 $0xFFFFFFE0, s17;
	v2 =	vld [tilespmem:s23+$0xF0]  }
0x11d: {  	s22 =	simm.s32 $0x1;
	s15 =	sshra.s32 s15, $0x2;
	s25 =	sadd.s32 $0xFFFFFFF0, s17;
	[tilespmem:$0x1FF90] =	vst v18;
	v36 =	vmov s18;
	v23 =	vmov s17;
	v3 =	vld [tilespmem:s23+$0x170];
	v6 =	vadd.f32 v0, v6  }
0x11e: {  	s19 =	sadd.s32 s15, s29;
	s15 =	smov.u32 s23;
	s26 =	sadd.s32 $0xFFFFFFD0, s17;
	[tilespmem:$0x1FFA0] =	vst v19;
	v7 =	vadd.f32 v24, v7;
	v24 =	vmov s25;
	v8 =	vadd.f32 v8, v27;
	v0 =	vld [tilespmem:s23+$0x260]  }
0x11f: {  	s21 =	smov.u32 s19;
	[tilespmem:$0x1FFB0] =	vst v20;
	s18 =	sor.u32 $0x30, s11;
	s17 =	sor.u32 $0x20, s11;
	v27 =	vadd.f32 v25, v26;
	v25 =	vmov s26;
	v26 =	vadd.f32 v4, v6;
	v6 =	vld [tilespmem:s23+$0x1D0]  }
.LBB2_15:
0x120: {  	v4 =	vld [tilespmem:$0x1FE20];
	_ =	sdelay $0x4  }
0x121: {  	v1 =	vadd.f32 v1, v7;
	v7 =	vadd.f32 v4, v8;
	v4 =	vld [tilespmem:$0x1FE10];
	_ =	sdelay $0x2  }
0x122: {  	v20 =	vadd.f32 v15, v26;
	_ =	sdelay $0x1  }
0x123: {  	v19 =	vadd.f32 v4, v20;
	v4 =	vld [tilespmem:$0x1FE00];
	_ =	sdelay $0x2  }
0x124: {  	v0 =	vadd.f32 v0, v7  }
0x125: {  	v26 =	vld [tilespmem:s23+$0x360]  }
0x126: {  	v44 =	vmov v21;
	v21 =	vmul.f32 v28, v21;
	v0 =	vadd.f32 v4, v0;
	v4 =	vld [tilespmem:$0x1FDF0]  }
0x127: {  	v2 =	vadd.f32 v2, v27;
	v8 =	vld [tilespmem:s23+$0x4C0]  }
0x128: {  	v5 =	vadd.f32 v21, v5;
	v7 =	vld [tilespmem:s23+$0x270]  }
0x129: {  	v2 =	vadd.f32 v3, v2;
	v3 =	vld [tilespmem:s23+$0x250]  }
0x12a: {  	v18 =	vperm.xlane v5, v17;
	v1 =	vadd.f32 v6, v1;
	v6 =	vld [tilespmem:s23+$0x2F0]  }
0x12b: {  	v17 =	vld [tilespmem:s23+$0x460];
	v2 =	vadd.f32 v16, v2;
	v16 =	vadd.f32 v4, v19  }
0x12c: {  	v28 =	vld [tilespmem:s23+$0x2D0];
	v5 =	vadd.f32 v18, v5;
	v0 =	vadd.f32 v26, v0  }
0x12d: {  	v2 =	vadd.f32 v7, v2;
	v7 =	vadd.f32 v8, v16;
	v8 =	vld [tilespmem:s23+$0x4E0]  }
0x12e: {  	v15 =	vperm.xlane v5, v29;
	v0 =	vadd.f32 v35, v0  }
0x12f: {  	v1 =	vadd.f32 v3, v1;
	v3 =	vld [tilespmem:s23+$0x350];
	v2 =	vadd.f32 v6, v2  }
0x130: {  	v5 =	vadd.f32 v15, v5;
	v6 =	vld [tilespmem:s23+$0x470];
	v0 =	vadd.f32 v17, v0  }
0x131: {  	v14 =	vld [tilespmem:s23+$0x450];
	v2 =	vadd.f32 v34, v2  }
0x132: {  	v15 =	vld [tilespmem:$0x1BAB0];
	v1 =	vadd.f32 v28, v1;
	v0 =	vadd.f32 v8, v0;
	v8 =	vperm.xlane v5, v30  }
0x133: {  	v2 =	vadd.f32 v33, v2;
	v16 =	vld [tilespmem:s23+$0x3D0]  }
0x134: {  	v1 =	vadd.f32 v3, v1;
	v3 =	vld [tilespmem:$0x1BAA0];
	v5 =	vadd.f32 v8, v5  }
0x135: {  	v2 =	vadd.f32 v6, v2;
	v6 =	vld [tilespmem:$0x1BA80]  }
0x136: {  	v8 =	vld [tilespmem:$0x1BA90];
	v13 =	vperm.xlane v5, v31;
	_ =	sdelay $0x1  }
0x137: {  	v1 =	vadd.f32 v16, v1;
	v5 =	vadd.f32 v13, v5  }
0x138: {  	vm1 =	veq.s32 v25, v32;
	vm3 =	veq.s32 v24, v32;
	vm2 =	veq.s32 v23, v32  }
0x139: {  	vm4 =	veq.s32 v36, v32;
	v1 =	vadd.f32 v14, v1;
	v14 =	vld [tilespmem:s23+$0x4F0];
	v6 =	vsel vm2, v5, v6  }
0x13a: {  	v13 =	vld [tilespmem:s23+$0x4D0];
	v8 =	vsel vm3, v5, v8;
	v3 =	vsel vm4, v5, v3;
	v5 =	vsel vm1, v5, v15;
	[tilespmem:$0x1BA80] =	vst v6  }
0x13b: {  	[tilespmem:$0x1BAB0] =	vst v5  }
0x13c: {  	[tilespmem:$0x1BA90] =	vst v8  }
0x13d: {  	[tilespmem:$0x1BAA0] =	vst v3  }
0x13e: {  	v2 =	vadd.f32 v14, v2;
	[tilespmem:s21+$0x0] =	vst v7  }
0x13f: {  	[tilespmem:s21+$0x20] =	vst v0;
	v1 =	vadd.f32 v13, v1  }
0x140: {  	[tilespmem:s21+$0x30] =	vst v2  }
0x141: {  	s15 =	sadd.s32 $0xA00, s15;
	[tilespmem:s21+$0x10] =	vst v1  }
0x142: {  	v0 =	vld [tilespmem:s15+$0x440];
	_ =	sdelay $0x4  }
0x143: {  	[tilespmem:$0x1FDF0] =	vst v0;
	v0 =	vld [tilespmem:s15+$0x2E0];
	_ =	sdelay $0x4  }
0x144: {  	[tilespmem:$0x1FE00] =	vst v0;
	v0 =	vld [tilespmem:s15+$0x3C0];
	_ =	sdelay $0x4  }
0x145: {  	[tilespmem:$0x1FE10] =	vst v0;
	v0 =	vld [tilespmem:s15+$0x1E0];
	_ =	sdelay $0x4  }
0x146: {  	[tilespmem:$0x1FE20] =	vst v0;
	v0 =	vld [tilespmem:s15+$0x2C0];
	_ =	sdelay $0x4  }
0x147: {  	[tilespmem:$0x1FDE0] =	vst v0;
	v0 =	vld [tilespmem:s15+$0x4B0]  }
0x148: {  	v46 =	vld [tilespmem:s15+$0x1F0]  }
0x149: {  	v24 =	vld [tilespmem:s15+$0x3F0]  }
0x14a: {  	v25 =	vld [tilespmem:s15+$0x370]  }
0x14b: {  	v5 =	vld [tilespmem:s15+$0x3E0]  }
0x14c: {  	[tilespmem:$0x1FDD0] =	vst v0;
	v0 =	vld [tilespmem:s15+$0x240]  }
0x14d: {  	v45 =	vld [tilespmem:s15+$0x340]  }
0x14e: {  	v47 =	vld [tilespmem:s15+$0xFFFFFC50]  }
0x14f: {  	v48 =	vld [tilespmem:s15+$0x4A0]  }
0x150: {  	v49 =	vld [tilespmem:s15+$0x480]  }
0x151: {  	[tilespmem:$0x1FDC0] =	vst v0;
	v0 =	vld [tilespmem:s15+$0xE0]  }
0x152: {  	v51 =	vld [tilespmem:s15+$0xFFFFFC40]  }
0x153: {  	v52 =	vld [tilespmem:s15+$0xFFFFFBD0]  }
0x154: {  	v53 =	vld [tilespmem:s15+$0x420]  }
0x155: {  	v54 =	vld [tilespmem:s15+$0x490]  }
0x156: {  	[tilespmem:$0x1FDB0] =	vst v0;
	v0 =	vld [tilespmem:s15+$0x1C0]  }
0x157: {  	v55 =	vld [tilespmem:s15+$0x410]  }
0x158: {  	v56 =	vld [tilespmem:s15+$0x2B0]  }
0x159: {  	v50 =	vld [tilespmem:s15+$0xFFFFFBF0]  }
0x15a: {  	v58 =	vld [tilespmem:s15+$0x380]  }
0x15b: {  	[tilespmem:$0x1FDA0] =	vst v0;
	v0 =	vld [tilespmem:s15+$0x60]  }
0x15c: {  	v59 =	vld [tilespmem:s15+$0x320]  }
0x15d: {  	v57 =	vld [tilespmem:s15+$0xFFFFFBC0]  }
0x15e: {  	v60 =	vld [tilespmem:s15+$0x390]  }
0x15f: {  	v61 =	vld [tilespmem:s15+$0x300]  }
0x160: {  	[tilespmem:$0x1FD90] =	vst v0;
	v0 =	vld [tilespmem:s15+$0x140]  }
0x161: {  	v62 =	vld [tilespmem:s15+$0x310]  }
0x162: {  	v63 =	vld [tilespmem:s15+$0x280]  }
0x163: {  	v23 =	vld [tilespmem:s15+$0x290]  }
0x164: {  	v6 =	vld [tilespmem:s15+$0x200]  }
0x165: {  	[tilespmem:$0x1FD80] =	vst v0;
	v0 =	vld [tilespmem:s15+$0xFFFFFFE0]  }
0x166: {  	v7 =	vld [tilespmem:s15+$0x210]  }
0x167: {  	v8 =	vld [tilespmem:s15+$0x180]  }
0x168: {  	v1 =	vld [tilespmem:s15+$0x100]  }
0x169: {  	v3 =	vld [tilespmem:s15+$0x90]  }
0x16a: {  	[tilespmem:$0x1FD70] =	vst v0;
	v0 =	vld [tilespmem:s15+$0xC0]  }
0x16b: {  	v2 =	vld [tilespmem:s15+$0x80]  }
0x16c: {  	v9 =	vld [tilespmem:s15+$0x10]  }
0x16d: {  	v10 =	vld [tilespmem:s15+$0x0]  }
0x16e: {  	s24 =	sadd.s32 s22, s20;
	v11 =	vld [tilespmem:s15+$0xFFFFFF90]  }
0x16f: {  	v27 =	vmov s24;
	[tilespmem:$0x1FD60] =	vst v0;
	v0 =	vld [tilespmem:s15+$0xFFFFFF60]  }
0x170: {  	v4 =	vmov v27;
	v12 =	vld [tilespmem:s15+$0xFFFFFF80]  }
0x171: {  	[tilespmem:$0x1FC90] =	vst v4;
	v4 =	vld [tilespmem:s15+$0xFFFFFF10]  }
0x172: {  	v13 =	vld [tilespmem:s15+$0xFFFFFF00]  }
0x173: {  	v14 =	vld [tilespmem:s15+$0xFFFFFE90]  }
0x174: {  	[tilespmem:$0x1FD50] =	vst v0;
	v0 =	vld [tilespmem:s15+$0x40]  }
0x175: {  	v15 =	vld [tilespmem:s15+$0xFFFFFE80]  }
0x176: {  	v16 =	vld [tilespmem:s15+$0xFFFFFE10]  }
0x177: {  	v41 =	vmov v29;
	v29 =	vld [tilespmem:s15+$0xFFFFFE00]  }
0x178: {  	v17 =	vld [tilespmem:s15+$0xFFFFFD90]  }
0x179: {  	[tilespmem:$0x1FD40] =	vst v0;
	v0 =	vld [tilespmem:s15+$0xFFFFFEE0]  }
0x17a: {  	v42 =	vmov v30;
	v30 =	vld [tilespmem:s15+$0xFFFFFD80]  }
0x17b: {  	s25 =	sadd.s32 $0xFFFFFFF0, s24;
	s26 =	sadd.s32 $0xFFFFFFE0, s24;
	s24 =	sadd.s32 $0xFFFFFFD0, s24;
	v18 =	vld [tilespmem:s15+$0xFFFFFD10]  }
0x17c: {  	v43 =	vmov v31;
	v19 =	vmov s24;
	v31 =	vld [tilespmem:s15+$0xFFFFFD00]  }
0x17d: {  	v28 =	vmov v19;
	v19 =	vld [tilespmem:s15+$0xFFFFFC90]  }
0x17e: {  	[tilespmem:$0x1FD30] =	vst v0;
	v0 =	vld [tilespmem:s15+$0xFFFFFFC0]  }
0x17f: {  	v20 =	vmov s26;
	v32 =	vld [tilespmem:s15+$0xFFFFFC80]  }
0x180: {  	v26 =	vmov v20;
	v20 =	vld [tilespmem:s15+$0xFFFFFC20]  }
0x181: {  	v33 =	vld [tilespmem:s15+$0xFFFFFC10]  }
0x182: {  	v34 =	vld [tilespmem:s15+$0xFFFFFC00]  }
0x183: {  	v21 =	vmov s25;
	[tilespmem:$0x1FD20] =	vst v0;
	v0 =	vld [tilespmem:s15+$0xFFFFFE60]  }
0x184: {  	v27 =	vmov v21;
	v21 =	vld [tilespmem:s15+$0xFFFFFB90]  }
0x185: {  	v35 =	vld [tilespmem:s15+$0xFFFFFB80]  }
0x186: {  	v22 =	vld [tilespmem:s15+$0xFFFFFB10]  }
0x187: {  	v36 =	vld [tilespmem:s15+$0xFFFFFB00]  }
0x188: {  	[tilespmem:$0x1FD10] =	vst v0;
	v0 =	vld [tilespmem:s15+$0xFFFFFF40]  }
0x189: {  	v37 =	vld [tilespmem:s15+$0xFFFFFB20]  }
0x18a: {  	v38 =	vld [tilespmem:s15+$0xFFFFFBA0]  }
0x18b: {  	v39 =	vld [tilespmem:s15+$0xFFFFFBB0]  }
0x18c: {  	v40 =	vld [tilespmem:s15+$0xFFFFFB30]  }
0x18d: {  	v21 =	vadd.f32 v21, v22;
	[tilespmem:$0x1FD00] =	vst v0;
	v0 =	vld [tilespmem:s15+$0xFFFFFDE0]  }
0x18e: {  	v22 =	vadd.f32 v35, v36;
	v35 =	vld [tilespmem:s15+$0xFFFFFCA0]  }
0x18f: {  	v21 =	vadd.f32 v33, v21;
	v33 =	vld [tilespmem:s15+$0xFFFFFC30]  }
0x190: {  	v22 =	vadd.f32 v34, v22;
	v34 =	vld [tilespmem:s15+$0xFFFFFD20]  }
0x191: {  	v19 =	vadd.f32 v19, v21;
	v21 =	vld [tilespmem:s15+$0xFFFFFCB0]  }
0x192: {  	v36 =	vadd.f32 v38, v37;
	[tilespmem:$0x1FCF0] =	vst v0;
	v0 =	vld [tilespmem:s15+$0xFFFFFD60]  }
0x193: {  	v22 =	vadd.f32 v32, v22;
	v32 =	vld [tilespmem:s15+$0xFFFFFDA0]  }
0x194: {  	v20 =	vadd.f32 v20, v36;
	v18 =	vadd.f32 v18, v19;
	v19 =	vld [tilespmem:s15+$0xFFFFFD30]  }
0x195: {  	v40 =	vadd.f32 v39, v40;
	v22 =	vadd.f32 v31, v22;
	v31 =	vld [tilespmem:s15+$0xFFFFFE20]  }
0x196: {  	v20 =	vadd.f32 v35, v20;
	v17 =	vadd.f32 v17, v18;
	v18 =	vld [tilespmem:s15+$0xFFFFFDB0]  }
0x197: {  	v35 =	vmov v5;
	v5 =	vadd.f32 v33, v40;
	[tilespmem:$0x1FCE0] =	vst v0;
	v0 =	vld [tilespmem:s15+$0x430]  }
0x198: {  	v20 =	vadd.f32 v34, v20;
	v22 =	vadd.f32 v30, v22;
	v30 =	vld [tilespmem:s15+$0xFFFFFEA0]  }
0x199: {  	v21 =	vadd.f32 v21, v5;
	v16 =	vadd.f32 v16, v17;
	v17 =	vld [tilespmem:s15+$0xFFFFFE30]  }
0x19a: {  	v20 =	vadd.f32 v32, v20;
	v22 =	vadd.f32 v29, v22;
	v29 =	vld [tilespmem:s15+$0xFFFFFF20]  }
0x19b: {  	v19 =	vadd.f32 v19, v21;
	v21 =	vld [tilespmem:s15+$0xFFFFFFA0]  }
0x19c: {  	v20 =	vadd.f32 v31, v20;
	[tilespmem:$0x1FCD0] =	vst v0;
	v0 =	vld [tilespmem:s15+$0xFFFFFDC0]  }
0x19d: {  	v14 =	vadd.f32 v14, v16;
	v16 =	vld [tilespmem:s15+$0xFFFFFEB0];
	v15 =	vadd.f32 v15, v22  }
0x19e: {  	v18 =	vadd.f32 v18, v19;
	v19 =	vadd.f32 v30, v20;
	v20 =	vld [tilespmem:$0x1FFB0]  }
0x19f: {  	v4 =	vadd.f32 v4, v14;
	v14 =	vld [tilespmem:s15+$0xFFFFFF30]  }
0x1a0: {  	v13 =	vadd.f32 v13, v15;
	v15 =	vld [tilespmem:s15+$0x20]  }
0x1a1: {  	[tilespmem:$0x1FCC0] =	vst v0;
	v0 =	vld [tilespmem:s15+$0xFFFFFCC0]  }
0x1a2: {  	v17 =	vadd.f32 v17, v18;
	v18 =	vadd.f32 v29, v19;
	v19 =	vld [tilespmem:$0x1FFA0]  }
0x1a3: {  	v4 =	vadd.f32 v11, v4;
	v11 =	vld [tilespmem:s15+$0xFFFFFFB0]  }
0x1a4: {  	v12 =	vadd.f32 v12, v13;
	v13 =	vld [tilespmem:s15+$0x110]  }
0x1a5: {  	v5 =	vadd.f32 v16, v17;
	v17 =	vadd.f32 v21, v18;
	v18 =	vld [tilespmem:$0x1FF90]  }
0x1a6: {  	[tilespmem:$0x1FCA0] =	vst v0;
	v0 =	vld [tilespmem:s15+$0xFFFFFBE0]  }
0x1a7: {  	v4 =	vadd.f32 v9, v4;
	v9 =	vld [tilespmem:s15+$0x30]  }
0x1a8: {  	v10 =	vadd.f32 v10, v12;
	v12 =	vld [tilespmem:s15+$0x190]  }
0x1a9: {  	v3 =	vadd.f32 v3, v4;
	v4 =	vld [tilespmem:s15+$0x120]  }
0x1aa: {  	v14 =	vadd.f32 v14, v5;
	v2 =	vadd.f32 v2, v10;
	v10 =	vld [tilespmem:s15+$0xB0]  }
0x1ab: {  	[tilespmem:$0x1FCB0] =	vst v0;
	v0 =	vld [tilespmem:s15+$0xA0]  }
0x1ac: {  	v11 =	vadd.f32 v11, v14;
	v3 =	vadd.f32 v13, v3;
	v13 =	vld [tilespmem:s15+$0x1A0]  }
0x1ad: {  	v1 =	vadd.f32 v1, v2;
	v2 =	vld [tilespmem:s15+$0x130]  }
0x1ae: {  	v5 =	vadd.f32 v15, v17;
	v9 =	vadd.f32 v9, v11;
	v11 =	vld [tilespmem:s15+$0x220]  }
0x1af: {  	v3 =	vadd.f32 v12, v3;
	v1 =	vadd.f32 v8, v1;
	v12 =	vld [tilespmem:s15+$0xFFFFFC70]  }
0x1b0: {  	v8 =	vadd.f32 v10, v9;
	v9 =	vld [tilespmem:s15+$0xFFFFFB40];
	v0 =	vadd.f32 v0, v5  }
0x1b1: {  	v10 =	vld [tilespmem:s15+$0x3B0]  }
0x1b2: {  	v0 =	vadd.f32 v4, v0;
	v4 =	vld [tilespmem:s15+$0x1B0]  }
0x1b3: {  	v3 =	vadd.f32 v7, v3;
	v7 =	vld [tilespmem:s15+$0x2A0]  }
0x1b4: {  	v1 =	vadd.f32 v6, v1;
	v6 =	vld [tilespmem:s15+$0x230];
	v0 =	vadd.f32 v13, v0  }
0x1b5: {  	v2 =	vadd.f32 v2, v8;
	v14 =	vld [tilespmem:$0x1FCB0]  }
0x1b6: {  	v3 =	vadd.f32 v23, v3;
	v0 =	vadd.f32 v11, v0;
	v11 =	vld [tilespmem:s15+$0xFFFFFB60]  }
0x1b7: {  	v1 =	vadd.f32 v63, v1;
	v2 =	vadd.f32 v4, v2;
	v4 =	vld [tilespmem:s15+$0x3A0]  }
0x1b8: {  	v3 =	vadd.f32 v62, v3;
	v0 =	vadd.f32 v7, v0;
	v7 =	vld [tilespmem:s15+$0x400]  }
0x1b9: {  	v1 =	vadd.f32 v61, v1;
	v2 =	vadd.f32 v6, v2;
	v6 =	vld [tilespmem:s15+$0x330]  }
0x1ba: {  	v8 =	vld [tilespmem:s15+$0xFFFFFB50];
	v9 =	vadd.f32 v57, v9;
	v3 =	vadd.f32 v60, v3  }
0x1bb: {  	v1 =	vadd.f32 v58, v1;
	v5 =	vld [tilespmem:s15+$0xFFFFFB70];
	v0 =	vadd.f32 v59, v0  }
0x1bc: {  	v3 =	vadd.f32 v55, v3;
	v13 =	vld [tilespmem:$0x1FCA0];
	v2 =	vadd.f32 v56, v2  }
0x1bd: {  	v11 =	vadd.f32 v14, v11;
	v14 =	vld [tilespmem:s15+$0xFFFFFE40];
	v0 =	vadd.f32 v4, v0  }
0x1be: {  	v4 =	vld [tilespmem:s15+$0xFFFFFCD0];
	v1 =	vadd.f32 v7, v1;
	v2 =	vadd.f32 v6, v2  }
0x1bf: {  	v7 =	vld [tilespmem:s15+$0xFFFFFD40];
	v6 =	vadd.f32 v52, v8;
	v8 =	vadd.f32 v51, v9  }
0x1c0: {  	v5 =	vadd.f32 v50, v5;
	v9 =	vld [tilespmem:s15+$0xFFFFFC60]  }
0x1c1: {  	v3 =	vadd.f32 v54, v3;
	v8 =	vadd.f32 v13, v8;
	v13 =	vld [tilespmem:s15+$0xFFFFFCE0]  }
0x1c2: {  	v2 =	vadd.f32 v10, v2;
	v10 =	vadd.f32 v12, v5;
	v5 =	vld [tilespmem:$0x1FCC0]  }
0x1c3: {  	v1 =	vadd.f32 v49, v1;
	v6 =	vadd.f32 v47, v6;
	v12 =	vld [tilespmem:$0x1FCD0]  }
0x1c4: {  	v0 =	vadd.f32 v53, v0;
	v7 =	vadd.f32 v7, v8;
	v8 =	vld [tilespmem:s15+$0xFFFFFD50]  }
0x1c5: {  	v3 =	vmul.f32 v3, v19;
	v1 =	vmul.f32 v1, v18;
	v4 =	vadd.f32 v4, v6;
	v6 =	vld [tilespmem:s15+$0xFFFFFEC0]  }
0x1c6: {  	v0 =	vadd.f32 v48, v0;
	v9 =	vadd.f32 v9, v11;
	v11 =	vld [tilespmem:s15+$0xFFFFFCF0]  }
0x1c7: {  	v1 =	vadd.f32 v3, v1;
	v3 =	vld [tilespmem:s15+$0xFFFFFD70];
	v5 =	vadd.f32 v5, v7  }
0x1c8: {  	v7 =	vadd.f32 v13, v9;
	v9 =	vld [tilespmem:s15+$0xFFFFFDD0];
	v12 =	vadd.f32 v12, v2  }
0x1c9: {  	v0 =	vmul.f32 v0, v20;
	v5 =	vadd.f32 v14, v5;
	v2 =	vadd.f32 v8, v4;
	v4 =	vld [tilespmem:$0x1FCE0]  }
0x1ca: {  	v8 =	vld [tilespmem:s15+$0xFFFFFDF0]  }
0x1cb: {  	v6 =	vadd.f32 v6, v5;
	v5 =	vadd.f32 v0, v1;
	v1 =	vld [tilespmem:$0x1FCF0]  }
0x1cc: {  	v0 =	vadd.f32 v11, v10;
	v10 =	vld [tilespmem:$0x1FD00]  }
0x1cd: {  	v2 =	vadd.f32 v9, v2;
	v9 =	vld [tilespmem:s15+$0xFFFFFE70]  }
0x1ce: {  	v0 =	vadd.f32 v3, v0;
	v3 =	vld [tilespmem:$0x1FD10]  }
0x1cf: {  	v4 =	vadd.f32 v4, v7;
	v7 =	vld [tilespmem:s15+$0xFFFFFE50]  }
0x1d0: {  	v0 =	vadd.f32 v8, v0;
	v8 =	vld [tilespmem:$0x1FD30]  }
0x1d1: {  	v1 =	vadd.f32 v1, v4;
	v4 =	vld [tilespmem:s15+$0xFFFFFED0]  }
0x1d2: {  	v6 =	vadd.f32 v10, v6;
	v10 =	vld [tilespmem:$0x1FD20]  }
0x1d3: {  	v0 =	vadd.f32 v9, v0;
	v9 =	vld [tilespmem:$0x1FD50]  }
0x1d4: {  	v1 =	vadd.f32 v3, v1;
	v3 =	vld [tilespmem:s15+$0xFFFFFF50]  }
0x1d5: {  	v2 =	vadd.f32 v7, v2;
	v7 =	vld [tilespmem:s15+$0xFFFFFEF0]  }
0x1d6: {  	v1 =	vadd.f32 v8, v1;
	v8 =	vld [tilespmem:s15+$0xFFFFFFD0]  }
0x1d7: {  	v2 =	vadd.f32 v4, v2;
	v4 =	vld [tilespmem:s15+$0xFFFFFF70]  }
0x1d8: {  	v6 =	vadd.f32 v10, v6;
	v10 =	vld [tilespmem:$0x1FD40]  }
0x1d9: {  	v2 =	vadd.f32 v3, v2;
	v3 =	vld [tilespmem:s15+$0xFFFFFFF0]  }
0x1da: {  	v0 =	vadd.f32 v7, v0;
	v7 =	vld [tilespmem:$0x1FD70]  }
0x1db: {  	v1 =	vadd.f32 v9, v1;
	v9 =	vld [tilespmem:s15+$0x50]  }
0x1dc: {  	v0 =	vadd.f32 v4, v0;
	v4 =	vld [tilespmem:$0x1FD90]  }
0x1dd: {  	v6 =	vadd.f32 v10, v6;
	v10 =	vld [tilespmem:$0x1FD60]  }
0x1de: {  	v11 =	vadd.f32 v3, v0;
	v0 =	vld [tilespmem:$0x1FDB0]  }
0x1df: {  	v2 =	vadd.f32 v8, v2;
	v8 =	vld [tilespmem:$0x1FD80];
	v1 =	vadd.f32 v7, v1  }
0x1e0: {  	v17 =	vld [tilespmem:$0x1FFF0]  }
0x1e1: {  	v9 =	vadd.f32 v9, v2;
	v2 =	vld [tilespmem:$0x1FDA0];
	v4 =	vadd.f32 v4, v1  }
0x1e2: {  	v7 =	vld [tilespmem:s15+$0xD0];
	v6 =	vadd.f32 v10, v6  }
0x1e3: {  	v3 =	vadd.f32 v0, v4;
	v0 =	vld [tilespmem:$0x1FDC0]  }
0x1e4: {  	v23 =	vld [tilespmem:$0x1FC90];
	v6 =	vadd.f32 v8, v6  }
0x1e5: {  	v10 =	vld [tilespmem:s15+$0x70]  }
0x1e6: {  	v8 =	vld [tilespmem:s15+$0x160];
	v6 =	vadd.f32 v2, v6  }
0x1e7: {  	v7 =	vadd.f32 v7, v9;
	v9 =	vld [tilespmem:$0x1FDE0]  }
0x1e8: {  	p5 =	sne.s32 s22, $0x4;
	v4 =	vadd.f32 v0, v6;
	v6 =	vld [tilespmem:$0x1FDD0]  }
.Ltmp15:
0x1e9: {  	v1 =	vld [tilespmem:s15+$0x150];
	(pc) =	sbr.rel @p5 .LBB2_15-.Ltmp15, $4  }
0x1ea: {  	v36 =	vmov v26;
	v2 =	vld [tilespmem:s15+$0xF0]  }
0x1eb: {  	v34 =	vmovc v25;
	v25 =	vmovc v28;
	v33 =	vmov v24;
	v24 =	vmov v27;
	v32 =	vlaneseq.u32;
	v0 =	vld [tilespmem:s15+$0x260]  }
0x1ec: {  	s19 =	sadd.s32 $0x40, s19;
	v31 =	vmovc v43;
	v30 =	vmovc v42;
	v29 =	vmov v41;
	v27 =	vadd.f32 v10, v11;
	v8 =	vadd.f32 v8, v3;
	v3 =	vld [tilespmem:s15+$0x170]  }
0x1ed: {  	s22 =	sadd.s32 $0x1, s22;
	s23 =	smov.u32 s15;
	s21 =	smov.u32 s19;
	v21 =	vmovc v44;
	v16 =	vmovc v46;
	v15 =	vmov v45;
	v26 =	vadd.f32 v9, v4;
	v28 =	vadd.f32 v6, v12;
	v6 =	vld [tilespmem:s15+$0x1D0]  }
0x1ee: {  	_ = 	snop  }
0x1ef: {  	v49 =	vld [tilespmem:s23+$0x4C0];
	v4 =	vmul.f32 v28, v21  }
0x1f0: {  	v12 =	vld [tilespmem:s23+$0x250]  }
0x1f1: {  	v1 =	vadd.f32 v1, v7;
	v22 =	vld [tilespmem:$0x1FE20];
	v4 =	vadd.f32 v4, v5  }
0x1f2: {  	v9 =	vld [tilespmem:s23+$0x360]  }
0x1f3: {  	v11 =	vld [tilespmem:s23+$0x270];
	v1 =	vadd.f32 v6, v1;
	v10 =	vperm.xlane v4, v17  }
0x1f4: {  	v50 =	vld [tilespmem:s23+$0x2F0]  }
0x1f5: {  	v1 =	vadd.f32 v12, v1;
	v12 =	vld [tilespmem:$0x1FE00];
	v4 =	vadd.f32 v10, v4  }
0x1f6: {  	v13 =	vld [tilespmem:s23+$0x460];
	v2 =	vadd.f32 v2, v27;
	v8 =	vadd.f32 v22, v8  }
0x1f7: {  	v51 =	vld [tilespmem:s23+$0x2D0];
	v14 =	vperm.xlane v4, v29  }
0x1f8: {  	v2 =	vadd.f32 v3, v2;
	v22 =	vld [tilespmem:$0x1FE10];
	v0 =	vadd.f32 v0, v8  }
0x1f9: {  	v52 =	vld [tilespmem:s23+$0x350];
	v4 =	vadd.f32 v14, v4  }
0x1fa: {  	v2 =	vadd.f32 v16, v2;
	v0 =	vadd.f32 v12, v0;
	v12 =	vld [tilespmem:$0x1FDF0]  }
0x1fb: {  	v53 =	vld [tilespmem:s23+$0x470];
	v15 =	vadd.f32 v15, v26;
	v54 =	vperm.xlane v4, v30  }
0x1fc: {  	v55 =	vld [tilespmem:s23+$0x450];
	v2 =	vadd.f32 v11, v2  }
0x1fd: {  	v56 =	vld [tilespmem:$0x1BA80];
	v15 =	vadd.f32 v22, v15;
	v4 =	vadd.f32 v54, v4  }
0x1fe: {  	v16 =	vld [tilespmem:s23+$0x3D0];
	v1 =	vadd.f32 v51, v1  }
0x1ff: {  	v2 =	vadd.f32 v50, v2;
	v12 =	vadd.f32 v12, v15;
	v15 =	vld [tilespmem:$0x1BAB0];
	v57 =	vperm.xlane v4, v31  }
0x200: {  	v58 =	vld [tilespmem:$0x1BA90];
	v1 =	vadd.f32 v52, v1  }
0x201: {  	v59 =	vld [tilespmem:$0x1BAA0];
	v2 =	vadd.f32 v34, v2;
	v4 =	vadd.f32 v57, v4  }
0x202: {  	v60 =	vld [tilespmem:s23+$0x4D0];
	vm1 =	veq.s32 v23, v32;
	vm2 =	veq.s32 v25, v32;
	v0 =	vadd.f32 v9, v0  }
0x203: {  	v14 =	vld [tilespmem:s23+$0x4E0];
	v1 =	vadd.f32 v16, v1;
	v2 =	vadd.f32 v33, v2;
	v11 =	vsel vm1, v4, v56  }
0x204: {  	v61 =	vld [tilespmem:s23+$0x4F0];
	v0 =	vadd.f32 v35, v0;
	vm1 =	veq.s32 v24, v32;
	v62 =	vsel vm2, v4, v15;
	[tilespmem:$0x1BA80] =	vst v11  }
0x205: {  	p5 =	sgt.u32 s0, $0x139;
	v1 =	vadd.f32 v55, v1;
	vm2 =	veq.s32 v36, v32;
	v63 =	vsel vm1, v4, v58;
	[tilespmem:$0x1BAB0] =	vst v62  }
0x206: {  	s12 =	sand.u32 @!p5 $0xFFFF, s12;
	v0 =	vadd.f32 v13, v0;
	v5 =	vadd.f32 v49, v12;
	v3 =	vsel vm2, v4, v59;
	[tilespmem:$0x1BA90] =	vst v63  }
0x207: {  	p6 =	sne.s32 @!p5 s12, $0x0;
	v2 =	vadd.f32 v53, v2;
	v1 =	vadd.f32 v60, v1;
	[tilespmem:$0x1BAA0] =	vst v3  }
0x208: {  	p4 =	por !p4, !p4;
	s12 =	sadd.s32 $0x6, s0;
	p6 =	por p6, p5;
	v0 =	vadd.f32 v14, v0;
	[tilespmem:s21+$0x0] =	vst v5  }
0x209: {  	p3 =	por !p3, !p3;
	p2 =	por !p2, !p2;
	s15 =	smul.u32 @!p6 $0x1A0, s12;
	v2 =	vadd.f32 v61, v2;
	[tilespmem:s21+$0x10] =	vst v1  }
0x20a: {  	p4 =	por p5, p4;
	p3 =	por p5, p3;
	s19 =	simm.s32 @!p6 $0x64;
	[tilespmem:s21+$0x20] =	vst v0  }
0x20b: {  	s20 =	simm.s32 @!p6 $0x8200;
	s15 =	sshra.s32 @!p6 s15, $0x2;
	[tilespmem:s21+$0x30] =	vst v2;
	s21 =	smul.u32 @!p4 $0x1A0, s12  }
0x20c: {  	[tilespmem:s20], [sflag:$0x1] =	stream.indirect.gather @!p6 [hbm4b:s3+s19], $0x80, s15, s19, $0xb8;
	[tilespmem:$0x1DB10] =	vst v63  }
0x20d: {  	s19 =	simm.s32 @!p4 $0x64;
	s20 =	simm.s32 @!p4 $0xB400;
	s15 =	sshra.s32 @!p4 s21, $0x2  }
0x20e: {  	[tilespmem:s20], [sflag:$0x2] =	stream.indirect.gather @!p4 [hbm4b:s3+s19], $0x80, s15, s19, $0xb8;
	[tilespmem:$0x1DB10] =	vst v63  }
0x20f: {  	p0 =	por !p0, !p0;
	p2 =	por p5, p2;
	s15 =	smul.u32 @!p3 $0x1A0, s12  }
0x210: {  	p0 =	por p5, p0;
	s21 =	smul.u32 @!p2 $0x1A0, s12  }
0x211: {  	s19 =	simm.s32 @!p3 $0x64;
	s20 =	simm.s32 @!p3 $0xE600;
	s15 =	sshra.s32 @!p3 s15, $0x2  }
0x212: {  	[tilespmem:s20], [sflag:$0x3] =	stream.indirect.gather @!p3 [hbm4b:s3+s19], $0x80, s15, s19, $0xb8;
	[tilespmem:$0x1DB10] =	vst v63  }
0x213: {  	s15 =	sshra.s32 @!p2 s21, $0x2;
	s19 =	simm.s32 @!p2 $0x64;
	s20 =	simm.s32 @!p2 $0x11800  }
0x214: {  	[tilespmem:s20], [sflag:$0x4] =	stream.indirect.gather @!p2 [hbm4b:s3+s19], $0x80, s15, s19, $0xb8;
	[tilespmem:$0x1DB10] =	vst v63  }
0x215: {  	s15 =	smul.u32 @!p0 $0x1A0, s12;
	_ =	sdelay $0x1  }
0x216: {  	s19 =	simm.s32 @!p0 $0x64;
	s20 =	simm.s32 @!p0 $0x14A00;
	s15 =	sshra.s32 @!p0 s15, $0x2  }
0x217: {  	[tilespmem:s20], [sflag:$0x5] =	stream.indirect.gather @!p0 [hbm4b:s3+s19], $0x80, s15, s19, $0xb8;
	[tilespmem:$0x1DB10] =	vst v63  }
0x218: {  	p1 =	por !p1, !p1;
	p0 =	sne.s32 s14, $0x9  }
.Ltmp16:
0x219: {  	p1 =	por p5, p1;
	(pc) =	sbr.rel @p0 .LBB2_20-.Ltmp16, $3  }
0x21a: {  	s12 =	smul.u32 @!p1 $0x1A0, s12;
	_ =	sdelay $0x1  }
0x21b: {  	s12 =	sshra.s32 @!p1 s12, $0x2;
	s15 =	simm.s32 @!p1 $0x64;
	s19 =	simm.s32 @!p1 $0x17C00  }
0x21c: {  	v12 =	vimm.s32 $0x0;
	[tilespmem:s19], [sflag:$0x6] =	stream.indirect.gather @!p1 [hbm4b:s3+s15], $0x80, s12, s15, $0xb8;
	[tilespmem:$0x1DB10] =	vst v63  }
0x21d: {  	v0 =	vld [tilespmem:s11+$0x1C2C0]  }
0x21e: {  	v1 =	vld [tilespmem:$0x1BA80]  }
0x21f: {  	v2 =	vld [tilespmem:s16+$0x1C2C0]  }
0x220: {  	v3 =	vld [tilespmem:$0x1BA90]  }
0x221: {  	v4 =	vld [tilespmem:s17+$0x1C2C0]  }
0x222: {  	v5 =	vld [tilespmem:s18+$0x1C2C0]  }
0x223: {  	v6 =	vld [tilespmem:$0x1BAB0]  }
0x224: {  	v7 =	vld [tilespmem:$0x1BAA0];
	_ =	sdelay $0x1  }
0x225: {  	vm1 =	veq.s32 v0, $0x0  }
0x226: {  	v0 =	vsel vm1, $0xCE6E6B28, v1;
	vm1 =	veq.s32 v5, $0x0  }
0x227: {  	vm2 =	veq.s32 v2, $0x0;
	v1 =	vsel vm1, $0xCE6E6B28, v6;
	vm1 =	veq.s32 v4, $0x0  }
0x228: {  	v2 =	vsel vm2, $0xCE6E6B28, v3;
	v3 =	vsel vm1, $0xCE6E6B28, v7;
	v1 =	vnsel vm0, $0xF149F2CA, v1  }
0x229: {  	v4 =	vmax.f32 v0, v2;
	v6 =	vld [tilespmem:$0x1FFC0];
	v5 =	vmax.f32 v3, v1  }
0x22a: {  	v4 =	vmax.f32 v4, v5  }
0x22b: {  	v5 =	vperm.xlane v4, v17  }
0x22c: {  	v7 =	vld [tilespmem:$0x1FFD0]  }
0x22d: {  	v4 =	vmax.f32 v4, v5  }
0x22e: {  	v5 =	vperm.xlane v4, v6  }
0x22f: {  	v8 =	vld [tilespmem:$0x1FFE0]  }
0x230: {  	v4 =	vmax.f32 v4, v5  }
0x231: {  	v5 =	vperm.xlane v4, v7;
	_ =	sdelay $0x1  }
0x232: {  	v4 =	vmax.f32 v4, v5  }
0x233: {  	v5 =	vperm.xlane v4, v8;
	_ =	sdelay $0x1  }
0x234: {  	v4 =	vmax.f32 v4, v5  }
0x235: {  	v0 =	vsub.f32 v0, v4  }
0x236: {  	v2 =	vsub.f32 v2, v4  }
0x237: {  	v0 =	vmul.f32 $1.442695020e+00, v0  }
0x238: {  	v3 =	vsub.f32 v3, v4;
	v2 =	vmul.f32 $1.442695020e+00, v2  }
0x239: {  	(erf) = vpow2.f32 v0  }
0x23a: {  	v1 =	vsub.f32 v1, v4;
	v0 =	vmul.f32 $1.442695020e+00, v3;
	(erf) = vpow2.f32 v2;
	_ =	sdelay $0x1  }
0x23b: {  	(erf) = vpow2.f32 v0;
	v0 =	vmul.f32 $1.442695020e+00, v1;
	_ =	sdelay $0x1  }
0x23c: {  	(erf) = vpow2.f32 v0;
	_ =	sdelay $0x3  }
0x23d: {  	v0 =	vpop (erf)  }
0x23e: {  	v1 =	vpop (erf)  }
0x23f: {  	v2 =	vadd.f32 v1, v0  }
0x240: {  	v3 =	vpop (erf)  }
0x241: {  	v2 =	vadd.f32 v2, v3  }
0x242: {  	v4 =	vpop (erf)  }
0x243: {  	v2 =	vadd.f32 v2, v4;
	_ =	sdelay $0x1  }
0x244: {  	v5 =	vperm.xlane v2, v17;
	_ =	sdelay $0x1  }
0x245: {  	v2 =	vadd.f32 v2, v5;
	_ =	sdelay $0x1  }
0x246: {  	v5 =	vperm.xlane v2, v6;
	_ =	sdelay $0x1  }
0x247: {  	v2 =	vadd.f32 v2, v5;
	_ =	sdelay $0x1  }
0x248: {  	v5 =	vperm.xlane v2, v7;
	_ =	sdelay $0x1  }
0x249: {  	v2 =	vadd.f32 v2, v5;
	_ =	sdelay $0x1  }
0x24a: {  	v5 =	vperm.xlane v2, v8;
	_ =	sdelay $0x1  }
0x24b: {  	v2 =	vadd.f32 v2, v5;
	_ =	sdelay $0x1  }
0x24c: {  	(erf) = vrcp.f32 v2;
	_ =	sdelay $0x8  }
0x24d: {  	v2 =	vpop (erf)  }
0x24e: {  	v0 =	vmul.f32 v2, v0;
	_ =	sdelay $0x1  }
0x24f: {  	v1 =	vmul.f32 v2, v1;
	[tilespmem:$0x1DAC0] =	vst v0  }
0x250: {  	[tilespmem:s11+$0x1D2C0] =	vst v0  }
0x251: {  	v0 =	vmul.f32 v2, v3;
	[tilespmem:$0x1DAD0] =	vst v1  }
0x252: {  	[tilespmem:s16+$0x1D2C0] =	vst v1  }
0x253: {  	v1 =	vmul.f32 v2, v4;
	[tilespmem:$0x1DAE0] =	vst v0  }
0x254: {  	[tilespmem:s17+$0x1D2C0] =	vst v0  }
0x255: {  	[tilespmem:$0x1DAF0] =	vst v1  }
0x256: {  	s12 =	simm.s32 $0x0;
	[tilespmem:s18+$0x1D2C0] =	vst v1  }
0x257: {  	s25 =	simm.s32 $0x1AE20;
	v0 =	vld [tilespmem:s12+$0x1DAC0]  }
0x258: {  	v1 =	vld [tilespmem:s25+$0x10]  }
0x259: {  	v4 =	vld [tilespmem:s25+$0xFFFFFFE0]  }
0x25a: {  	v5 =	vld [tilespmem:s25+$0xFFFFFFF0]  }
0x25b: {  	v9 =	vld [tilespmem:s25+$0x0]  }
0x25c: {  	s26 =	simm.s32 $0x1  }
0x25d: {  	v3 =	vld [tilespmem:s26+$0x1DAC0];
	v7 =	vperm.xlane v0, v12  }
0x25e: {  	s12 =	simm.s32 $0x1AE60  }
0x25f: {  	v0 =	vmul.f32 v1, v7;
	v1 =	vld [tilespmem:s12+$0x10];
	v4 =	vmul.f32 v4, v7  }
0x260: {  	v2 =	vimm.f32 $0.0e+00;
	v6 =	vld [tilespmem:s12+$0xFFFFFFE0];
	v13 =	vmul.f32 v5, v7;
	v14 =	vmul.f32 v9, v7  }
0x261: {  	s14 =	simm.s32 $0x8;
	v8 =	vld [tilespmem:s12+$0xFFFFFFF0];
	v7 =	vimm.f32 $0.0e+00;
	v0 =	vadd.f32 v0, v2;
	v5 =	vadd.f32 v4, v2  }
.LBB2_18:
0x262: {  	s15 =	sshra.s32 s14, $0x2;
	p0 =	sne.s32 s14, $0xC4;
	s14 =	sadd.s32 $0x4, s14;
	v4 =	vperm.xlane v3, v12;
	v9 =	vld [tilespmem:s12+$0x0];
	v2 =	vadd.f32 v13, v2  }
.Ltmp17:
0x263: {  	v3 =	vld [tilespmem:s15+$0x1DAC0];
	v7 =	vadd.f32 v14, v7;
	(pc) =	sbr.rel @p0 .LBB2_18-.Ltmp17, $4  }
0x264: {  	s12 =	sadd.s32 $0x40, s12;
	v10 =	vmul.f32 v1, v4  }
0x265: {  	v1 =	vld [tilespmem:s12+$0x10];
	v11 =	vmul.f32 v6, v4  }
0x266: {  	v6 =	vld [tilespmem:s12+$0xFFFFFFE0];
	v13 =	vmul.f32 v8, v4;
	v0 =	vadd.f32 v10, v0  }
0x267: {  	v8 =	vld [tilespmem:s12+$0xFFFFFFF0];
	v5 =	vadd.f32 v11, v5;
	v14 =	vmul.f32 v9, v4  }
0x268: {  	v4 =	vld [tilespmem:s12+$0x0]  }
0x269: {  	v3 =	vperm.xlane v3, v12;
	_ =	sdelay $0x1  }
0x26a: {  	v6 =	vmul.f32 v6, v3  }
0x26b: {  	v2 =	vadd.f32 v13, v2;
	v8 =	vmul.f32 v8, v3  }
0x26c: {  	v7 =	vadd.f32 v14, v7;
	v5 =	vadd.f32 v6, v5;
	v4 =	vmul.f32 v4, v3  }
0x26d: {  	v1 =	vmul.f32 v1, v3;
	v2 =	vadd.f32 v8, v2  }
0x26e: {  	v60 =	vadd.f32 v4, v7;
	v61 =	vadd.f32 v5, v18  }
.Ltmp18:
0x26f: {  	v0 =	vadd.f32 v1, v0;
	v62 =	vadd.f32 v2, v19;
	(pc) =	sbr.rel .LBB2_20-.Ltmp18, $4  }
0x270: {  	[tilespmem:s11+$0x1CAC0] =	vst v61;
	v63 =	vadd.f32 v60, v20  }
0x271: {  	v0 =	vadd.f32 v0, v21;
	[tilespmem:s16+$0x1CAC0] =	vst v62  }
0x272: {  	[tilespmem:s17+$0x1CAC0] =	vst v63  }
0x273: {  	[tilespmem:s18+$0x1CAC0] =	vst v0  }
.LBB2_22:
0x274: {  	_ =	sfence.sel $0x180000  }
0x275: {  	[bflag:$0x0] =	sbarrier.arrive $0xFFFF  }
0x276: {  	_ =	strace $0x90000047  }
0x277: {  	s0 =	stileid.u32;
	[bflag:$0x2] =	sbarrier.arrive $0xFFFF  }
0x278: {  	p0 =	sne.s32 s0, $0x0;
	s0 =	rddreg [dreg:$0x3]  }
0x279: {  	s0 =	sadd.s32 @!p0 $0x100000, s0  }
0x27a: {  	[sflag:s0] =	ssyncadd.tile.s32 @!p0 $0x1;
	_ =	shalt  }
.Lfunc_end2:
_tile_overlayer_lowered:
.L_overlay_start_2:
0x27b: {  	(tag) =	ssettag $0x2  }
0x27c: {  	s0 =	rddreg [dreg:$0x0];
	s2 =	stileid.u32  }
0x27d: {  	s1 =	rddreg [dreg:$0x1];
	p0 =	sne.s32 s2, $0x0  }
0x27e: {  	s3 =	rddreg [dreg:$0x2];
	[bflag:$0x3] =	sbarrier.arrive $0xFFFF;
	s2 =	simm.s32 @!p0 $0x1C07  }
0x27f: {  	[timem:s3], [sflag:s2] =	dma.local @!p0 [hbm:s0], s1  }
0x280: {  	s0 =	simm.s32 @!p0 $0x7  }
0x281: {  	_ =	swait.ge @!p0 [sflag:s0], s1  }
0x282: {  	s1 =	ssub.s32 @!p0 $0x0, s1;
	[sflag:s0] =	ssyncset.done @!p0 $0x0  }
0x283: {  	[sflag:s0] =	ssyncadd.s32 @!p0 s1  }
0x284: {  	[bflag:$0x3] =	sbarrier.arrive $0xFFFF  }
0x285: {  	_ =	shalt  }

</sc_bundles>
